<compile_context>
chip_gen: v7x
topology: tpu7x:2x2x1
jax: 0.10.2.dev20260603
libtpu: 0.0.44.dev20260713+nightly
codegen_flags: <defaults>
</compile_context>

<pallas_src>
import functools

import jax
import jax.numpy as jnp
from jax import lax
from jax.experimental import pallas as pl
from jax.experimental.pallas import tpu as pltpu
from jax.experimental.pallas import tpu_sc as plsc

_L = 16
_T = 128


def _make_gather(B, S, V, D, NC, NS):
    NW = NC * NS
    N = B * S
    n_per_w = N // NW
    w_per_b = S // n_per_w
    n_grp = D // _L
    mesh = plsc.VectorSubcoreMesh(core_axis_name="c", subcore_axis_name="s")

    @functools.partial(
        pl.kernel,
        mesh=mesh,
        out_type=(
            jax.ShapeDtypeStruct((B, D, S), jnp.float32),
            jax.ShapeDtypeStruct((B, D, S), jnp.float32),
        ),
        scratch_types=[
            pltpu.VMEM((n_per_w,), jnp.int32),
            pltpu.SMEM((2,), jnp.int32),
            pltpu.VMEM((D, n_per_w), jnp.float32),
            pltpu.VMEM((D, _T), jnp.float32),
            pltpu.VMEM((D, _T), jnp.float32),
            pltpu.VMEM((D, _T), jnp.float32),
            pltpu.VMEM((D, _T), jnp.float32),
            pltpu.SemaphoreType.DMA,
        ],
        compiler_params=pltpu.CompilerParams(needs_layout_passes=False),
    )
    def gather_k(cos_t, sin_t, idx_hbm, cos_out, sin_out,
                 idx_v, sc_s, buf, ctab, stab, cblk, sblk, sem):
        wid = lax.axis_index("s") * NC + lax.axis_index("c")
        base = wid * n_per_w
        b = wid // w_per_b
        s0 = pl.multiple_of((wid % w_per_b) * n_per_w, _T)
        pltpu.sync_copy(idx_hbm.at[pl.ds(base, n_per_w)], idx_v)
        p0 = idx_v[pl.ds(0, _L)][0]
        iota = lax.iota(jnp.int32, _L)

        def check_body(k, ok):
            g = idx_v[pl.ds(k * _L, _L)]
            return ok & jnp.all(g == p0 + k * _L + iota)

        ok = lax.fori_loop(0, n_per_w // _L, check_body, True)
        ok = ok & (p0 % _T == 0) & (p0 >= 0) & (p0 + n_per_w <= V)

        @pl.when(ok)
        def _fast():
            p0a = pl.multiple_of(jnp.maximum(p0, 0), _T)
            cp_c = pltpu.async_copy(
                cos_t.at[:, pl.ds(p0a, n_per_w)],
                cos_out.at[b, :, pl.ds(s0, n_per_w)], sem)
            cp_s = pltpu.async_copy(
                sin_t.at[:, pl.ds(p0a, n_per_w)],
                sin_out.at[b, :, pl.ds(s0, n_per_w)], sem)
            cp_c.wait()
            cp_s.wait()

        @pl.when(jnp.logical_not(ok))
        def _general():
            grps_per_blk = _T // _L

            def grp_body(gi, cur_tile):
                v = jnp.clip(idx_v[pl.ds(gi * _L, _L)], 0, V - 1)
                cur = cur_tile
                for jj in range(_L):
                    pj = v[jj]
                    t = pl.multiple_of((pj // _T) * _T, _T)

                    @pl.when(t != cur)
                    def _fetch():
                        pltpu.sync_copy(cos_t.at[:, pl.ds(t, _T)], ctab)
                        pltpu.sync_copy(sin_t.at[:, pl.ds(t, _T)], stab)

                    cur = t
                    c = pj % _T
                    dst = (gi % grps_per_blk) * _L + jj + 0 * iota
                    src = c + 0 * iota
                    for g in range(n_grp):
                        rows = g * _L + iota
                        plsc.store_scatter(
                            cblk, [rows, dst],
                            plsc.load_gather(ctab, [rows, src]))
                        plsc.store_scatter(
                            sblk, [rows, dst],
                            plsc.load_gather(stab, [rows, src]))

                @pl.when(gi % grps_per_blk == grps_per_blk - 1)
                def _flush():
                    so = pl.multiple_of(
                        s0 + (gi // grps_per_blk) * _T, _T)
                    pltpu.sync_copy(cblk, cos_out.at[b, :, pl.ds(so, _T)])
                    pltpu.sync_copy(sblk, sin_out.at[b, :, pl.ds(so, _T)])

                return cur

            lax.fori_loop(0, n_per_w // _L, grp_body, jnp.int32(-1))

    return gather_k


def kernel(x, position_ids, cos_cached, sin_cached):
    B, S = position_ids.shape
    V, D = cos_cached.shape
    N = B * S
    info = plsc.get_sparse_core_info()
    gather_k = _make_gather(B, S, V, D, info.num_cores, info.num_subcores)
    idx = position_ids.reshape(N)
    cos_o, sin_o = gather_k(cos_cached.T, sin_cached.T, idx)
    return (jnp.swapaxes(cos_o, 1, 2).astype(x.dtype),
            jnp.swapaxes(sin_o, 1, 2).astype(x.dtype))

# --- scband reference (transcript-rebuilt; emitter-appended) ---
"""Pipeline reference for scband-gpt-oss-rotary-embedding-63307817943051 (READ-ONLY COPY).

The authoritative reference and input builder live on the scoring server;
editing this copy changes nothing except your own understanding.
"""

import jax, jax.numpy as jnp
import numpy as np
import math

HEAD_DIM = 64
MAX_POS = 131072
ROPE_THETA = 150000.0
FACTOR = 32.0
BETA_FAST = 32.0
BETA_SLOW = 1.0
ORIG_MAX = 4096


def _find_correction_dim(num_rot, dim, base, max_pos):
    return dim * math.log(max_pos / (num_rot * 2 * math.pi)) / (2 * math.log(base))


def _build_cos_sin():
    low = _find_correction_dim(BETA_FAST, HEAD_DIM, ROPE_THETA, ORIG_MAX)
    high = _find_correction_dim(BETA_SLOW, HEAD_DIM, ROPE_THETA, ORIG_MAX)
    low = math.floor(low)
    high = math.ceil(high)
    low = max(low, 0)
    high = min(high, HEAD_DIM - 1)
    attention_scaling = 0.1 * math.log(FACTOR) + 1.0  # _yarn_get_mscale(factor)
    pos_freqs = ROPE_THETA ** (np.arange(0, HEAD_DIM, 2, dtype=np.float32) / HEAD_DIM)
    inv_freq_extra = 1.0 / pos_freqs
    inv_freq_inter = 1.0 / (FACTOR * pos_freqs)
    lo, hi = float(low), float(high)
    if lo == hi:
        hi = hi + 0.001
    ramp = (np.arange(HEAD_DIM // 2, dtype=np.float32) - lo) / (hi - lo)
    ramp = np.clip(ramp, 0.0, 1.0)
    extra_factor = 1.0 - ramp
    inv_freq = inv_freq_inter * (1.0 - extra_factor) + inv_freq_extra * extra_factor
    t = np.arange(MAX_POS, dtype=np.float32)
    freqs = np.outer(t, inv_freq)
    emb = np.concatenate([freqs, freqs], axis=-1)
    cos = (np.cos(emb) * attention_scaling).astype(np.float32)
    sin = (np.sin(emb) * attention_scaling).astype(np.float32)
    return cos, sin


def setup_inputs(seed: int = 0) -> dict:
    key = jax.random.key(seed)
    k1, _ = jax.random.split(key)
    B, S, D = 4, 8192, 2048
    x = jax.random.normal(k1, (B, S, D), dtype=jnp.float32)
    position_ids = jnp.arange(B * S, dtype=jnp.int32).reshape(B, S) % MAX_POS
    cos_np, sin_np = _build_cos_sin()
    cos_cached = jnp.asarray(cos_np)
    sin_cached = jnp.asarray(sin_np)
    return {"x": x, "position_ids": position_ids, "cos_cached": cos_cached, "sin_cached": sin_cached}


def reference(x, position_ids, cos_cached, sin_cached):
    cos = jnp.take(cos_cached, position_ids, axis=0).astype(x.dtype)
    sin = jnp.take(sin_cached, position_ids, axis=0).astype(x.dtype)
    return (cos, sin)

if __name__ == "__main__":
    import jax
    _d = setup_inputs()
    print(jax.jit(kernel)(*tuple(_d.values())))

</pallas_src>

<mosaic_0001>
#map = affine_map<(d0, d1) -> (0, 0)>
#map1 = affine_map<(d0, d1) -> (0)>
#map2 = affine_map<(d0, d1) -> (0, 0, 0)>
module attributes {stable_mosaic.version = 14 : i64} {
  func.func @gather_k(%arg0: i32, %arg1: i32, %arg2: memref<64x131072xf32, #tpu.memory_space<hbm>>, %arg3: memref<64x131072xf32, #tpu.memory_space<hbm>>, %arg4: memref<32768xi32, #tpu.memory_space<hbm>>, %arg5: memref<4x64x8192xf32, #tpu.memory_space<hbm>>, %arg6: memref<4x64x8192xf32, #tpu.memory_space<hbm>>, %arg7: memref<1024xi32, #tpu.memory_space<vmem>>, %arg8: memref<2xi32, #tpu.memory_space<smem>>, %arg9: memref<64x1024xf32, #tpu.memory_space<vmem>>, %arg10: memref<64x128xf32, #tpu.memory_space<vmem>>, %arg11: memref<64x128xf32, #tpu.memory_space<vmem>>, %arg12: memref<64x128xf32, #tpu.memory_space<vmem>>, %arg13: memref<64x128xf32, #tpu.memory_space<vmem>>, %arg14: memref<!tpu.dma_semaphore, #tpu.memory_space<semaphore_mem>>) attributes {dimension_semantics = [#tpu.dimension_semantics<core_parallel>, #tpu.dimension_semantics<subcore_parallel>], iteration_bounds = array<i64: 2, 16>, scalar_prefetch = 0 : i64, scratch_operands = 8 : i64, tpu.core_type = #tpu.core_type<sc_vector_subcore>, window_params = [{transform_indices = #map}, {transform_indices = #map}, {transform_indices = #map1}, {transform_indices = #map2}, {transform_indices = #map2}]} {
    %mul3A = arith.constant 2 : i32
    %mul3A_0 = arith.muli %arg1, %mul3A : i32
    %add3A = arith.addi %mul3A_0, %arg0 : i32
    %mul3A_1 = arith.constant 1024 : i32
    %mul3A_2 = arith.muli %add3A, %mul3A_1 : i32
    %jit3A = arith.constant 8 : i32
    %div3A = arith.divsi %add3A, %jit3A : i32
    %sign3A = arith.constant 0 : i32
    %sign3A_3 = arith.cmpi sgt, %add3A, %sign3A : i32
    %sign3A_4 = arith.extui %sign3A_3 : i1 to i32
    %sign3A_5 = arith.constant 0 : i32
    %sign3A_6 = arith.cmpi slt, %add3A, %sign3A_5 : i32
    %sign3A_7 = arith.extui %sign3A_6 : i1 to i32
    %sign3A_8 = arith.subi %sign3A_4, %sign3A_7 : i32
    %sign3A_9 = arith.constant 0 : i32
    %sign3A_10 = arith.cmpi sgt, %jit3A, %sign3A_9 : i32
    %sign3A_11 = arith.extui %sign3A_10 : i1 to i32
    %sign3A_12 = arith.constant 0 : i32
    %sign3A_13 = arith.cmpi slt, %jit3A, %sign3A_12 : i32
    %sign3A_14 = arith.extui %sign3A_13 : i1 to i32
    %sign3A_15 = arith.subi %sign3A_11, %sign3A_14 : i32
    %ne3A = arith.cmpi ne, %sign3A_8, %sign3A_15 : i32
    %rem3A = arith.remsi %add3A, %jit3A : i32
    %ne3A_16 = arith.constant 0 : i32
    %ne3A_17 = arith.cmpi ne, %rem3A, %ne3A_16 : i32
    %and3A = arith.andi %ne3A, %ne3A_17 : i1
    %sub3A = arith.constant 1 : i32
    %sub3A_18 = arith.subi %div3A, %sub3A : i32
    %select_n3A = arith.select %and3A, %sub3A_18, %div3A : i32
    %jit3A_19 = arith.constant 8 : i32
    %eq3A = arith.constant 0 : i32
    %eq3A_20 = arith.cmpi eq, %jit3A_19, %eq3A : i32
    %jit3A_21 = arith.constant 1 : i32
    %select_n3A_22 = arith.select %eq3A_20, %jit3A_21, %jit3A_19 : i32
    %rem3A_23 = arith.remsi %add3A, %select_n3A_22 : i32
    %ne3A_24 = arith.constant 0 : i32
    %ne3A_25 = arith.cmpi ne, %rem3A_23, %ne3A_24 : i32
    %lt3A = arith.constant 0 : i32
    %lt3A_26 = arith.cmpi slt, %rem3A_23, %lt3A : i32
    %lt3A_27 = arith.constant 0 : i32
    %lt3A_28 = arith.cmpi slt, %select_n3A_22, %lt3A_27 : i32
    %ne3A_29 = arith.xori %lt3A_26, %lt3A_28 : i1
    %and3A_30 = arith.andi %ne3A_29, %ne3A_25 : i1
    %add3A_31 = arith.addi %rem3A_23, %select_n3A_22 : i32
    %select_n3A_32 = arith.select %and3A_30, %add3A_31, %rem3A_23 : i32
    %mul3A_33 = arith.constant 1024 : i32
    %mul3A_34 = arith.muli %select_n3A_32, %mul3A_33 : i32
    %multiple_of3A = tpu.assume_multiple %mul3A_34, 128 : i32
    "tpu.region"() ({
      %run_scoped3A = tpu.sem_alloc : memref<!tpu.dma_semaphore, #tpu.memory_space<semaphore_mem>>
      %dma_start3A = tpu.memref_slice %arg4[%mul3A_2] : memref<32768xi32, #tpu.memory_space<hbm>> -> memref<1024xi32, #tpu.memory_space<hbm>>
      %dma_start3A_72 = tpu.memref_slice %arg4[%mul3A_2] : memref<32768xi32, #tpu.memory_space<hbm>> -> memref<1024xi32, #tpu.memory_space<hbm>>
      tpu.enqueue_dma source(%dma_start3A_72 : memref<1024xi32, #tpu.memory_space<hbm>>) target(%arg7 : memref<1024xi32, #tpu.memory_space<vmem>>) target_semaphore(%run_scoped3A : memref<!tpu.dma_semaphore, #tpu.memory_space<semaphore_mem>>)
      %dma_wait3A = tpu.memref_slice %arg4[%mul3A_2] : memref<32768xi32, #tpu.memory_space<hbm>> -> memref<1024xi32, #tpu.memory_space<hbm>>
      %dma_wait3A_73 = tpu.memref_slice %arg4[%mul3A_2] : memref<32768xi32, #tpu.memory_space<hbm>> -> memref<1024xi32, #tpu.memory_space<hbm>>
      tpu.wait_dma2 semaphore(%run_scoped3A : memref<!tpu.dma_semaphore, #tpu.memory_space<semaphore_mem>>) src(%dma_wait3A_73 : memref<1024xi32, #tpu.memory_space<hbm>>) dst(%arg7 : memref<1024xi32, #tpu.memory_space<vmem>>)
      tpu.yield
    }) : () -> ()
    %get3A = arith.constant 0 : index
    %get3A_35 = tpu.vector_load %arg7[%get3A] {strides = array<i32>} : memref<1024xi32, #tpu.memory_space<vmem>>, vector<16xi32>,
    %slice3A = vector.extract_strided_slice %get3A_35 {offsets = [0], sizes = [1], strides = [1]} : vector<16xi32> to vector<1xi32>
    %squeeze3A = vector.extract %slice3A[0] : i32 from vector<1xi32>
    %iota3A = tpu.iota {dimensions = array<i32: 0>} : vector<16xi32>
    %scan3A = arith.constant true
    %scan3A_36 = arith.constant 0 : i32
    %scan3A_37 = arith.constant 64 : i32
    %scan3A_38 = arith.addi %scan3A_36, %scan3A_37 : i32
    %scan3A_39 = arith.constant 1 : i32
    %scan3A_40 = scf.for %scan3A_72 = %scan3A_36 to %scan3A_38 step %scan3A_39 iter_args(%scan3A_73 = %scan3A) -> (i1)  : i32 {
      %mul3A_74 = arith.constant 16 : i32
      %mul3A_75 = arith.muli %scan3A_72, %mul3A_74 : i32
      %get3A_76 = arith.index_cast %mul3A_75 : i32 to index
      %get3A_77 = tpu.vector_load %arg7[%get3A_76] {strides = array<i32>} : memref<1024xi32, #tpu.memory_space<vmem>>, vector<16xi32>,
      %mul3A_78 = arith.constant 16 : i32
      %mul3A_79 = arith.muli %scan3A_72, %mul3A_78 : i32
      %add3A_80 = arith.addi %squeeze3A, %mul3A_79 : i32
      %add3A_81 = vector.broadcast %add3A_80 : i32 to vector<16xi32>
      %add3A_82 = arith.addi %add3A_81, %iota3A : vector<16xi32>
      %eq3A_83 = arith.cmpi eq, %get3A_77, %add3A_82 : vector<16xi32>
      %reduce_and3A = arith.constant 1.000000e+00 : f32
      %reduce_and3A_84 = arith.constant 0.000000e+00 : f32
      %reduce_and3A_85 = vector.broadcast %reduce_and3A : f32 to vector<16xf32>
      %reduce_and3A_86 = vector.broadcast %reduce_and3A_84 : f32 to vector<16xf32>
      %reduce_and3A_87 = arith.select %eq3A_83, %reduce_and3A_85, %reduce_and3A_86 : vector<16xi1>, vector<16xf32>
      %reduce_and3A_88 = arith.constant true
      %reduce_and3A_89 = vector.broadcast %reduce_and3A_88 : i1 to vector<16xi1>
      %reduce_and3A_90 = tpu.scan <min>, %reduce_and3A_87 masked %reduce_and3A_89 : vector<16xf32>, vector<16xi1> -> vector<16xf32>
      %reduce_and3A_91 = vector.extract %reduce_and3A_90[15] : f32 from vector<16xf32>
      %reduce_and3A_92 = arith.constant 0.000000e+00 : f32
      %reduce_and3A_93 = arith.cmpf ogt, %reduce_and3A_91, %reduce_and3A_92 : f32
      %and3A_94 = arith.andi %scan3A_73, %reduce_and3A_93 : i1
      scf.yield %and3A_94 : i1
    }
    %scan3A_41 = arith.constant 64 : i32
    %jit3A_42 = arith.constant 128 : i32
    %eq3A_43 = arith.constant 0 : i32
    %eq3A_44 = arith.cmpi eq, %jit3A_42, %eq3A_43 : i32
    %jit3A_45 = arith.constant 1 : i32
    %select_n3A_46 = arith.select %eq3A_44, %jit3A_45, %jit3A_42 : i32
    %rem3A_47 = arith.remsi %squeeze3A, %select_n3A_46 : i32
    %ne3A_48 = arith.constant 0 : i32
    %ne3A_49 = arith.cmpi ne, %rem3A_47, %ne3A_48 : i32
    %lt3A_50 = arith.constant 0 : i32
    %lt3A_51 = arith.cmpi slt, %rem3A_47, %lt3A_50 : i32
    %lt3A_52 = arith.constant 0 : i32
    %lt3A_53 = arith.cmpi slt, %select_n3A_46, %lt3A_52 : i32
    %ne3A_54 = arith.xori %lt3A_51, %lt3A_53 : i1
    %and3A_55 = arith.andi %ne3A_54, %ne3A_49 : i1
    %add3A_56 = arith.addi %rem3A_47, %select_n3A_46 : i32
    %select_n3A_57 = arith.select %and3A_55, %add3A_56, %rem3A_47 : i32
    %eq3A_58 = arith.constant 0 : i32
    %eq3A_59 = arith.cmpi eq, %select_n3A_57, %eq3A_58 : i32
    %and3A_60 = arith.andi %scan3A_40, %eq3A_59 : i1
    %ge3A = arith.constant 0 : i32
    %ge3A_61 = arith.cmpi sge, %squeeze3A, %ge3A : i32
    %and3A_62 = arith.andi %and3A_60, %ge3A_61 : i1
    %add3A_63 = arith.constant 1024 : i32
    %add3A_64 = arith.addi %squeeze3A, %add3A_63 : i32
    %le3A = arith.constant 131072 : i32
    %le3A_65 = arith.cmpi sle, %add3A_64, %le3A : i32
    %and3A_66 = arith.andi %and3A_62, %le3A_65 : i1
    %convert_element_type3A = arith.extui %and3A_66 : i1 to i32
    %cond3A = arith.constant 0 : i32
    %cond3A_67 = arith.cmpi ne, %convert_element_type3A, %cond3A : i32
    scf.if %cond3A_67 {
      %max3A = arith.constant 0 : i32
      %max3A_72 = arith.maxsi %squeeze3A, %max3A : i32
      %multiple_of3A_73 = tpu.assume_multiple %max3A_72, 128 : i32
      %dma_start3A = arith.constant 0 : i32
      %dma_start3A_74 = tpu.memref_slice %arg5[%select_n3A, %dma_start3A, %multiple_of3A] : memref<4x64x8192xf32, #tpu.memory_space<hbm>> -> memref<1x64x1024xf32, #tpu.memory_space<hbm>>
      %dma_start3A_75 = tpu.memref_squeeze %dma_start3A_74 : memref<1x64x1024xf32, #tpu.memory_space<hbm>> -> memref<64x1024xf32, #tpu.memory_space<hbm>>
      %dma_start3A_76 = arith.constant 0 : i32
      %dma_start3A_77 = tpu.memref_slice %arg2[%dma_start3A_76, %multiple_of3A_73] : memref<64x131072xf32, #tpu.memory_space<hbm>> -> memref<64x1024xf32, #tpu.memory_space<hbm>>
      tpu.enqueue_dma source(%dma_start3A_77 : memref<64x1024xf32, #tpu.memory_space<hbm>>) target(%dma_start3A_75 : memref<64x1024xf32, #tpu.memory_space<hbm>>) target_semaphore(%arg14 : memref<!tpu.dma_semaphore, #tpu.memory_space<semaphore_mem>>)
      %dma_start3A_78 = arith.constant 0 : i32
      %dma_start3A_79 = tpu.memref_slice %arg6[%select_n3A, %dma_start3A_78, %multiple_of3A] : memref<4x64x8192xf32, #tpu.memory_space<hbm>> -> memref<1x64x1024xf32, #tpu.memory_space<hbm>>
      %dma_start3A_80 = tpu.memref_squeeze %dma_start3A_79 : memref<1x64x1024xf32, #tpu.memory_space<hbm>> -> memref<64x1024xf32, #tpu.memory_space<hbm>>
      %dma_start3A_81 = arith.constant 0 : i32
      %dma_start3A_82 = tpu.memref_slice %arg3[%dma_start3A_81, %multiple_of3A_73] : memref<64x131072xf32, #tpu.memory_space<hbm>> -> memref<64x1024xf32, #tpu.memory_space<hbm>>
      tpu.enqueue_dma source(%dma_start3A_82 : memref<64x1024xf32, #tpu.memory_space<hbm>>) target(%dma_start3A_80 : memref<64x1024xf32, #tpu.memory_space<hbm>>) target_semaphore(%arg14 : memref<!tpu.dma_semaphore, #tpu.memory_space<semaphore_mem>>)
      %dma_wait3A = arith.constant 0 : i32
      %dma_wait3A_83 = tpu.memref_slice %arg5[%select_n3A, %dma_wait3A, %multiple_of3A] : memref<4x64x8192xf32, #tpu.memory_space<hbm>> -> memref<1x64x1024xf32, #tpu.memory_space<hbm>>
      %dma_wait3A_84 = tpu.memref_squeeze %dma_wait3A_83 : memref<1x64x1024xf32, #tpu.memory_space<hbm>> -> memref<64x1024xf32, #tpu.memory_space<hbm>>
      %dma_wait3A_85 = arith.constant 0 : i32
      %dma_wait3A_86 = tpu.memref_slice %arg2[%dma_wait3A_85, %multiple_of3A_73] : memref<64x131072xf32, #tpu.memory_space<hbm>> -> memref<64x1024xf32, #tpu.memory_space<hbm>>
      tpu.wait_dma2 semaphore(%arg14 : memref<!tpu.dma_semaphore, #tpu.memory_space<semaphore_mem>>) src(%dma_wait3A_86 : memref<64x1024xf32, #tpu.memory_space<hbm>>) dst(%dma_wait3A_84 : memref<64x1024xf32, #tpu.memory_space<hbm>>)
      %dma_wait3A_87 = arith.constant 0 : i32
      %dma_wait3A_88 = tpu.memref_slice %arg6[%select_n3A, %dma_wait3A_87, %multiple_of3A] : memref<4x64x8192xf32, #tpu.memory_space<hbm>> -> memref<1x64x1024xf32, #tpu.memory_space<hbm>>
      %dma_wait3A_89 = tpu.memref_squeeze %dma_wait3A_88 : memref<1x64x1024xf32, #tpu.memory_space<hbm>> -> memref<64x1024xf32, #tpu.memory_space<hbm>>
      %dma_wait3A_90 = arith.constant 0 : i32
      %dma_wait3A_91 = tpu.memref_slice %arg3[%dma_wait3A_90, %multiple_of3A_73] : memref<64x131072xf32, #tpu.memory_space<hbm>> -> memref<64x1024xf32, #tpu.memory_space<hbm>>
      tpu.wait_dma2 semaphore(%arg14 : memref<!tpu.dma_semaphore, #tpu.memory_space<semaphore_mem>>) src(%dma_wait3A_91 : memref<64x1024xf32, #tpu.memory_space<hbm>>) dst(%dma_wait3A_89 : memref<64x1024xf32, #tpu.memory_space<hbm>>)
    } else {
    }
    %not3A = arith.constant true
    %not3A_68 = arith.xori %and3A_66, %not3A : i1
    %convert_element_type3A_69 = arith.extui %not3A_68 : i1 to i32
    %cond3A_70 = arith.constant 0 : i32
    %cond3A_71 = arith.cmpi ne, %convert_element_type3A_69, %cond3A_70 : i32
    scf.if %cond3A_71 {
      %scan3A_72 = arith.constant -1 : i32
      %scan3A_73 = arith.constant 0 : i32
      %scan3A_74 = arith.constant 64 : i32
      %scan3A_75 = arith.addi %scan3A_73, %scan3A_74 : i32
      %scan3A_76 = arith.constant 1 : i32
      %scan3A_77 = scf.for %scan3A_79 = %scan3A_73 to %scan3A_75 step %scan3A_76 iter_args(%scan3A_80 = %scan3A_72) -> (i32)  : i32 {
        %mul3A_81 = arith.constant 16 : i32
        %mul3A_82 = arith.muli %scan3A_79, %mul3A_81 : i32
        %get3A_83 = arith.index_cast %mul3A_82 : i32 to index
        %get3A_84 = tpu.vector_load %arg7[%get3A_83] {strides = array<i32>} : memref<1024xi32, #tpu.memory_space<vmem>>, vector<16xi32>,
        %jit3A_85 = arith.constant 0 : i32
        %jit3A_86 = arith.constant 131071 : i32
        %max3A = vector.broadcast %jit3A_85 : i32 to vector<16xi32>
        %max3A_87 = arith.maxsi %max3A, %get3A_84 : vector<16xi32>
        %min3A = vector.broadcast %jit3A_86 : i32 to vector<16xi32>
        %min3A_88 = arith.minsi %min3A, %max3A_87 : vector<16xi32>
        %slice3A_89 = vector.extract_strided_slice %min3A_88 {offsets = [0], sizes = [1], strides = [1]} : vector<16xi32> to vector<1xi32>
        %squeeze3A_90 = vector.extract %slice3A_89[0] : i32 from vector<1xi32>
        %jit3A_91 = arith.constant 128 : i32
        %div3A_92 = arith.divsi %squeeze3A_90, %jit3A_91 : i32
        %sign3A_93 = arith.constant 0 : i32
        %sign3A_94 = arith.cmpi sgt, %squeeze3A_90, %sign3A_93 : i32
        %sign3A_95 = arith.extui %sign3A_94 : i1 to i32
        %sign3A_96 = arith.constant 0 : i32
        %sign3A_97 = arith.cmpi slt, %squeeze3A_90, %sign3A_96 : i32
        %sign3A_98 = arith.extui %sign3A_97 : i1 to i32
        %sign3A_99 = arith.subi %sign3A_95, %sign3A_98 : i32
        %sign3A_100 = arith.constant 0 : i32
        %sign3A_101 = arith.cmpi sgt, %jit3A_91, %sign3A_100 : i32
        %sign3A_102 = arith.extui %sign3A_101 : i1 to i32
        %sign3A_103 = arith.constant 0 : i32
        %sign3A_104 = arith.cmpi slt, %jit3A_91, %sign3A_103 : i32
        %sign3A_105 = arith.extui %sign3A_104 : i1 to i32
        %sign3A_106 = arith.subi %sign3A_102, %sign3A_105 : i32
        %ne3A_107 = arith.cmpi ne, %sign3A_99, %sign3A_106 : i32
        %rem3A_108 = arith.remsi %squeeze3A_90, %jit3A_91 : i32
        %ne3A_109 = arith.constant 0 : i32
        %ne3A_110 = arith.cmpi ne, %rem3A_108, %ne3A_109 : i32
        %and3A_111 = arith.andi %ne3A_107, %ne3A_110 : i1
        %sub3A_112 = arith.constant 1 : i32
        %sub3A_113 = arith.subi %div3A_92, %sub3A_112 : i32
        %select_n3A_114 = arith.select %and3A_111, %sub3A_113, %div3A_92 : i32
        %mul3A_115 = arith.constant 128 : i32
        %mul3A_116 = arith.muli %select_n3A_114, %mul3A_115 : i32
        %multiple_of3A_117 = tpu.assume_multiple %mul3A_116, 128 : i32
        %ne3A_118 = arith.cmpi ne, %multiple_of3A_117, %scan3A_80 : i32
        %convert_element_type3A_119 = arith.extui %ne3A_118 : i1 to i32
        %cond3A_120 = arith.constant 0 : i32
        %cond3A_121 = arith.cmpi ne, %convert_element_type3A_119, %cond3A_120 : i32
        scf.if %cond3A_121 {
          "tpu.region"() ({
            %run_scoped3A = tpu.sem_alloc : memref<!tpu.dma_semaphore, #tpu.memory_space<semaphore_mem>>
            %dma_start3A = arith.constant 0 : i32
            %dma_start3A_1693 = tpu.memref_slice %arg2[%dma_start3A, %multiple_of3A_117] : memref<64x131072xf32, #tpu.memory_space<hbm>> -> memref<64x128xf32, #tpu.memory_space<hbm>>
            %dma_start3A_1694 = arith.constant 0 : i32
            %dma_start3A_1695 = tpu.memref_slice %arg2[%dma_start3A_1694, %multiple_of3A_117] : memref<64x131072xf32, #tpu.memory_space<hbm>> -> memref<64x128xf32, #tpu.memory_space<hbm>>
            tpu.enqueue_dma source(%dma_start3A_1695 : memref<64x128xf32, #tpu.memory_space<hbm>>) target(%arg10 : memref<64x128xf32, #tpu.memory_space<vmem>>) target_semaphore(%run_scoped3A : memref<!tpu.dma_semaphore, #tpu.memory_space<semaphore_mem>>)
            %dma_wait3A = arith.constant 0 : i32
            %dma_wait3A_1696 = tpu.memref_slice %arg2[%dma_wait3A, %multiple_of3A_117] : memref<64x131072xf32, #tpu.memory_space<hbm>> -> memref<64x128xf32, #tpu.memory_space<hbm>>
            %dma_wait3A_1697 = arith.constant 0 : i32
            %dma_wait3A_1698 = tpu.memref_slice %arg2[%dma_wait3A_1697, %multiple_of3A_117] : memref<64x131072xf32, #tpu.memory_space<hbm>> -> memref<64x128xf32, #tpu.memory_space<hbm>>
            tpu.wait_dma2 semaphore(%run_scoped3A : memref<!tpu.dma_semaphore, #tpu.memory_space<semaphore_mem>>) src(%dma_wait3A_1698 : memref<64x128xf32, #tpu.memory_space<hbm>>) dst(%arg10 : memref<64x128xf32, #tpu.memory_space<vmem>>)
            tpu.yield
          }) : () -> ()
          "tpu.region"() ({
            %run_scoped3A = tpu.sem_alloc : memref<!tpu.dma_semaphore, #tpu.memory_space<semaphore_mem>>
            %dma_start3A = arith.constant 0 : i32
            %dma_start3A_1693 = tpu.memref_slice %arg3[%dma_start3A, %multiple_of3A_117] : memref<64x131072xf32, #tpu.memory_space<hbm>> -> memref<64x128xf32, #tpu.memory_space<hbm>>
            %dma_start3A_1694 = arith.constant 0 : i32
            %dma_start3A_1695 = tpu.memref_slice %arg3[%dma_start3A_1694, %multiple_of3A_117] : memref<64x131072xf32, #tpu.memory_space<hbm>> -> memref<64x128xf32, #tpu.memory_space<hbm>>
            tpu.enqueue_dma source(%dma_start3A_1695 : memref<64x128xf32, #tpu.memory_space<hbm>>) target(%arg11 : memref<64x128xf32, #tpu.memory_space<vmem>>) target_semaphore(%run_scoped3A : memref<!tpu.dma_semaphore, #tpu.memory_space<semaphore_mem>>)
            %dma_wait3A = arith.constant 0 : i32
            %dma_wait3A_1696 = tpu.memref_slice %arg3[%dma_wait3A, %multiple_of3A_117] : memref<64x131072xf32, #tpu.memory_space<hbm>> -> memref<64x128xf32, #tpu.memory_space<hbm>>
            %dma_wait3A_1697 = arith.constant 0 : i32
            %dma_wait3A_1698 = tpu.memref_slice %arg3[%dma_wait3A_1697, %multiple_of3A_117] : memref<64x131072xf32, #tpu.memory_space<hbm>> -> memref<64x128xf32, #tpu.memory_space<hbm>>
            tpu.wait_dma2 semaphore(%run_scoped3A : memref<!tpu.dma_semaphore, #tpu.memory_space<semaphore_mem>>) src(%dma_wait3A_1698 : memref<64x128xf32, #tpu.memory_space<hbm>>) dst(%arg11 : memref<64x128xf32, #tpu.memory_space<vmem>>)
            tpu.yield
          }) : () -> ()
        } else {
        }
        %jit3A_122 = arith.constant 128 : i32
        %eq3A_123 = arith.constant 0 : i32
        %eq3A_124 = arith.cmpi eq, %jit3A_122, %eq3A_123 : i32
        %jit3A_125 = arith.constant 1 : i32
        %select_n3A_126 = arith.select %eq3A_124, %jit3A_125, %jit3A_122 : i32
        %rem3A_127 = arith.remsi %squeeze3A_90, %select_n3A_126 : i32
        %ne3A_128 = arith.constant 0 : i32
        %ne3A_129 = arith.cmpi ne, %rem3A_127, %ne3A_128 : i32
        %lt3A_130 = arith.constant 0 : i32
        %lt3A_131 = arith.cmpi slt, %rem3A_127, %lt3A_130 : i32
        %lt3A_132 = arith.constant 0 : i32
        %lt3A_133 = arith.cmpi slt, %select_n3A_126, %lt3A_132 : i32
        %ne3A_134 = arith.xori %lt3A_131, %lt3A_133 : i1
        %and3A_135 = arith.andi %ne3A_134, %ne3A_129 : i1
        %add3A_136 = arith.addi %rem3A_127, %select_n3A_126 : i32
        %select_n3A_137 = arith.select %and3A_135, %add3A_136, %rem3A_127 : i32
        %jit3A_138 = arith.constant 8 : i32
        %eq3A_139 = arith.constant 0 : i32
        %eq3A_140 = arith.cmpi eq, %jit3A_138, %eq3A_139 : i32
        %jit3A_141 = arith.constant 1 : i32
        %select_n3A_142 = arith.select %eq3A_140, %jit3A_141, %jit3A_138 : i32
        %rem3A_143 = arith.remsi %scan3A_79, %select_n3A_142 : i32
        %ne3A_144 = arith.constant 0 : i32
        %ne3A_145 = arith.cmpi ne, %rem3A_143, %ne3A_144 : i32
        %lt3A_146 = arith.constant 0 : i32
        %lt3A_147 = arith.cmpi slt, %rem3A_143, %lt3A_146 : i32
        %lt3A_148 = arith.constant 0 : i32
        %lt3A_149 = arith.cmpi slt, %select_n3A_142, %lt3A_148 : i32
        %ne3A_150 = arith.xori %lt3A_147, %lt3A_149 : i1
        %and3A_151 = arith.andi %ne3A_150, %ne3A_145 : i1
        %add3A_152 = arith.addi %rem3A_143, %select_n3A_142 : i32
        %select_n3A_153 = arith.select %and3A_151, %add3A_152, %rem3A_143 : i32
        %mul3A_154 = arith.constant 16 : i32
        %mul3A_155 = arith.muli %select_n3A_153, %mul3A_154 : i32
        %add3A_156 = arith.constant 0 : i32
        %add3A_157 = arith.addi %mul3A_155, %add3A_156 : i32
        %mul3A_158 = arith.constant 0 : i32
        %mul3A_159 = vector.broadcast %mul3A_158 : i32 to vector<16xi32>
        %mul3A_160 = arith.muli %mul3A_159, %iota3A : vector<16xi32>
        %add3A_161 = vector.broadcast %add3A_157 : i32 to vector<16xi32>
        %add3A_162 = arith.addi %add3A_161, %mul3A_160 : vector<16xi32>
        %mul3A_163 = arith.constant 0 : i32
        %mul3A_164 = vector.broadcast %mul3A_163 : i32 to vector<16xi32>
        %mul3A_165 = arith.muli %mul3A_164, %iota3A : vector<16xi32>
        %add3A_166 = vector.broadcast %select_n3A_137 : i32 to vector<16xi32>
        %add3A_167 = arith.addi %add3A_166, %mul3A_165 : vector<16xi32>
        %add3A_168 = arith.constant 0 : i32
        %add3A_169 = vector.broadcast %add3A_168 : i32 to vector<16xi32>
        %add3A_170 = arith.addi %add3A_169, %iota3A : vector<16xi32>
        %gather3A = tpu.vector_load_idx %arg10[%add3A_170, %add3A_167] : memref<64x128xf32, #tpu.memory_space<vmem>>[vector<16xi32>, vector<16xi32>], vector<16xf32>,
        tpu.vector_store_idx %arg12[%add3A_170, %add3A_162], %gather3A : memref<64x128xf32, #tpu.memory_space<vmem>>[vector<16xi32>, vector<16xi32>], vector<16xf32>,
        %gather3A_171 = tpu.vector_load_idx %arg11[%add3A_170, %add3A_167] : memref<64x128xf32, #tpu.memory_space<vmem>>[vector<16xi32>, vector<16xi32>], vector<16xf32>,
        tpu.vector_store_idx %arg13[%add3A_170, %add3A_162], %gather3A_171 : memref<64x128xf32, #tpu.memory_space<vmem>>[vector<16xi32>, vector<16xi32>], vector<16xf32>,
        %add3A_172 = arith.constant 16 : i32
        %add3A_173 = vector.broadcast %add3A_172 : i32 to vector<16xi32>
        %add3A_174 = arith.addi %add3A_173, %iota3A : vector<16xi32>
        %gather3A_175 = tpu.vector_load_idx %arg10[%add3A_174, %add3A_167] : memref<64x128xf32, #tpu.memory_space<vmem>>[vector<16xi32>, vector<16xi32>], vector<16xf32>,
        tpu.vector_store_idx %arg12[%add3A_174, %add3A_162], %gather3A_175 : memref<64x128xf32, #tpu.memory_space<vmem>>[vector<16xi32>, vector<16xi32>], vector<16xf32>,
        %gather3A_176 = tpu.vector_load_idx %arg11[%add3A_174, %add3A_167] : memref<64x128xf32, #tpu.memory_space<vmem>>[vector<16xi32>, vector<16xi32>], vector<16xf32>,
        tpu.vector_store_idx %arg13[%add3A_174, %add3A_162], %gather3A_176 : memref<64x128xf32, #tpu.memory_space<vmem>>[vector<16xi32>, vector<16xi32>], vector<16xf32>,
        %add3A_177 = arith.constant 32 : i32
        %add3A_178 = vector.broadcast %add3A_177 : i32 to vector<16xi32>
        %add3A_179 = arith.addi %add3A_178, %iota3A : vector<16xi32>
        %gather3A_180 = tpu.vector_load_idx %arg10[%add3A_179, %add3A_167] : memref<64x128xf32, #tpu.memory_space<vmem>>[vector<16xi32>, vector<16xi32>], vector<16xf32>,
        tpu.vector_store_idx %arg12[%add3A_179, %add3A_162], %gather3A_180 : memref<64x128xf32, #tpu.memory_space<vmem>>[vector<16xi32>, vector<16xi32>], vector<16xf32>,
        %gather3A_181 = tpu.vector_load_idx %arg11[%add3A_179, %add3A_167] : memref<64x128xf32, #tpu.memory_space<vmem>>[vector<16xi32>, vector<16xi32>], vector<16xf32>,
        tpu.vector_store_idx %arg13[%add3A_179, %add3A_162], %gather3A_181 : memref<64x128xf32, #tpu.memory_space<vmem>>[vector<16xi32>, vector<16xi32>], vector<16xf32>,
        %add3A_182 = arith.constant 48 : i32
        %add3A_183 = vector.broadcast %add3A_182 : i32 to vector<16xi32>
        %add3A_184 = arith.addi %add3A_183, %iota3A : vector<16xi32>
        %gather3A_185 = tpu.vector_load_idx %arg10[%add3A_184, %add3A_167] : memref<64x128xf32, #tpu.memory_space<vmem>>[vector<16xi32>, vector<16xi32>], vector<16xf32>,
        tpu.vector_store_idx %arg12[%add3A_184, %add3A_162], %gather3A_185 : memref<64x128xf32, #tpu.memory_space<vmem>>[vector<16xi32>, vector<16xi32>], vector<16xf32>,
        %gather3A_186 = tpu.vector_load_idx %arg11[%add3A_184, %add3A_167] : memref<64x128xf32, #tpu.memory_space<vmem>>[vector<16xi32>, vector<16xi32>], vector<16xf32>,
        tpu.vector_store_idx %arg13[%add3A_184, %add3A_162], %gather3A_186 : memref<64x128xf32, #tpu.memory_space<vmem>>[vector<16xi32>, vector<16xi32>], vector<16xf32>,
        %slice3A_187 = vector.extract_strided_slice %min3A_88 {offsets = [1], sizes = [1], strides = [1]} : vector<16xi32> to vector<1xi32>
        %squeeze3A_188 = vector.extract %slice3A_187[0] : i32 from vector<1xi32>
        %jit3A_189 = arith.constant 128 : i32
        %div3A_190 = arith.divsi %squeeze3A_188, %jit3A_189 : i32
        %sign3A_191 = arith.constant 0 : i32
        %sign3A_192 = arith.cmpi sgt, %squeeze3A_188, %sign3A_191 : i32
        %sign3A_193 = arith.extui %sign3A_192 : i1 to i32
        %sign3A_194 = arith.constant 0 : i32
        %sign3A_195 = arith.cmpi slt, %squeeze3A_188, %sign3A_194 : i32
        %sign3A_196 = arith.extui %sign3A_195 : i1 to i32
        %sign3A_197 = arith.subi %sign3A_193, %sign3A_196 : i32
        %sign3A_198 = arith.constant 0 : i32
        %sign3A_199 = arith.cmpi sgt, %jit3A_189, %sign3A_198 : i32
        %sign3A_200 = arith.extui %sign3A_199 : i1 to i32
        %sign3A_201 = arith.constant 0 : i32
        %sign3A_202 = arith.cmpi slt, %jit3A_189, %sign3A_201 : i32
        %sign3A_203 = arith.extui %sign3A_202 : i1 to i32
        %sign3A_204 = arith.subi %sign3A_200, %sign3A_203 : i32
        %ne3A_205 = arith.cmpi ne, %sign3A_197, %sign3A_204 : i32
        %rem3A_206 = arith.remsi %squeeze3A_188, %jit3A_189 : i32
        %ne3A_207 = arith.constant 0 : i32
        %ne3A_208 = arith.cmpi ne, %rem3A_206, %ne3A_207 : i32
        %and3A_209 = arith.andi %ne3A_205, %ne3A_208 : i1
        %sub3A_210 = arith.constant 1 : i32
        %sub3A_211 = arith.subi %div3A_190, %sub3A_210 : i32
        %select_n3A_212 = arith.select %and3A_209, %sub3A_211, %div3A_190 : i32
        %mul3A_213 = arith.constant 128 : i32
        %mul3A_214 = arith.muli %select_n3A_212, %mul3A_213 : i32
        %multiple_of3A_215 = tpu.assume_multiple %mul3A_214, 128 : i32
        %ne3A_216 = arith.cmpi ne, %multiple_of3A_215, %multiple_of3A_117 : i32
        %convert_element_type3A_217 = arith.extui %ne3A_216 : i1 to i32
        %cond3A_218 = arith.constant 0 : i32
        %cond3A_219 = arith.cmpi ne, %convert_element_type3A_217, %cond3A_218 : i32
        scf.if %cond3A_219 {
          "tpu.region"() ({
            %run_scoped3A = tpu.sem_alloc : memref<!tpu.dma_semaphore, #tpu.memory_space<semaphore_mem>>
            %dma_start3A = arith.constant 0 : i32
            %dma_start3A_1693 = tpu.memref_slice %arg2[%dma_start3A, %multiple_of3A_215] : memref<64x131072xf32, #tpu.memory_space<hbm>> -> memref<64x128xf32, #tpu.memory_space<hbm>>
            %dma_start3A_1694 = arith.constant 0 : i32
            %dma_start3A_1695 = tpu.memref_slice %arg2[%dma_start3A_1694, %multiple_of3A_215] : memref<64x131072xf32, #tpu.memory_space<hbm>> -> memref<64x128xf32, #tpu.memory_space<hbm>>
            tpu.enqueue_dma source(%dma_start3A_1695 : memref<64x128xf32, #tpu.memory_space<hbm>>) target(%arg10 : memref<64x128xf32, #tpu.memory_space<vmem>>) target_semaphore(%run_scoped3A : memref<!tpu.dma_semaphore, #tpu.memory_space<semaphore_mem>>)
            %dma_wait3A = arith.constant 0 : i32
            %dma_wait3A_1696 = tpu.memref_slice %arg2[%dma_wait3A, %multiple_of3A_215] : memref<64x131072xf32, #tpu.memory_space<hbm>> -> memref<64x128xf32, #tpu.memory_space<hbm>>
            %dma_wait3A_1697 = arith.constant 0 : i32
            %dma_wait3A_1698 = tpu.memref_slice %arg2[%dma_wait3A_1697, %multiple_of3A_215] : memref<64x131072xf32, #tpu.memory_space<hbm>> -> memref<64x128xf32, #tpu.memory_space<hbm>>
            tpu.wait_dma2 semaphore(%run_scoped3A : memref<!tpu.dma_semaphore, #tpu.memory_space<semaphore_mem>>) src(%dma_wait3A_1698 : memref<64x128xf32, #tpu.memory_space<hbm>>) dst(%arg10 : memref<64x128xf32, #tpu.memory_space<vmem>>)
            tpu.yield
          }) : () -> ()
          "tpu.region"() ({
            %run_scoped3A = tpu.sem_alloc : memref<!tpu.dma_semaphore, #tpu.memory_space<semaphore_mem>>
            %dma_start3A = arith.constant 0 : i32
            %dma_start3A_1693 = tpu.memref_slice %arg3[%dma_start3A, %multiple_of3A_215] : memref<64x131072xf32, #tpu.memory_space<hbm>> -> memref<64x128xf32, #tpu.memory_space<hbm>>
            %dma_start3A_1694 = arith.constant 0 : i32
            %dma_start3A_1695 = tpu.memref_slice %arg3[%dma_start3A_1694, %multiple_of3A_215] : memref<64x131072xf32, #tpu.memory_space<hbm>> -> memref<64x128xf32, #tpu.memory_space<hbm>>
            tpu.enqueue_dma source(%dma_start3A_1695 : memref<64x128xf32, #tpu.memory_space<hbm>>) target(%arg11 : memref<64x128xf32, #tpu.memory_space<vmem>>) target_semaphore(%run_scoped3A : memref<!tpu.dma_semaphore, #tpu.memory_space<semaphore_mem>>)
            %dma_wait3A = arith.constant 0 : i32
            %dma_wait3A_1696 = tpu.memref_slice %arg3[%dma_wait3A, %multiple_of3A_215] : memref<64x131072xf32, #tpu.memory_space<hbm>> -> memref<64x128xf32, #tpu.memory_space<hbm>>
            %dma_wait3A_1697 = arith.constant 0 : i32
            %dma_wait3A_1698 = tpu.memref_slice %arg3[%dma_wait3A_1697, %multiple_of3A_215] : memref<64x131072xf32, #tpu.memory_space<hbm>> -> memref<64x128xf32, #tpu.memory_space<hbm>>
            tpu.wait_dma2 semaphore(%run_scoped3A : memref<!tpu.dma_semaphore, #tpu.memory_space<semaphore_mem>>) src(%dma_wait3A_1698 : memref<64x128xf32, #tpu.memory_space<hbm>>) dst(%arg11 : memref<64x128xf32, #tpu.memory_space<vmem>>)
            tpu.yield
          }) : () -> ()
        } else {
        }
        %jit3A_220 = arith.constant 128 : i32
        %eq3A_221 = arith.constant 0 : i32
        %eq3A_222 = arith.cmpi eq, %jit3A_220, %eq3A_221 : i32
        %jit3A_223 = arith.constant 1 : i32
        %select_n3A_224 = arith.select %eq3A_222, %jit3A_223, %jit3A_220 : i32
        %rem3A_225 = arith.remsi %squeeze3A_188, %select_n3A_224 : i32
        %ne3A_226 = arith.constant 0 : i32
        %ne3A_227 = arith.cmpi ne, %rem3A_225, %ne3A_226 : i32
        %lt3A_228 = arith.constant 0 : i32
        %lt3A_229 = arith.cmpi slt, %rem3A_225, %lt3A_228 : i32
        %lt3A_230 = arith.constant 0 : i32
        %lt3A_231 = arith.cmpi slt, %select_n3A_224, %lt3A_230 : i32
        %ne3A_232 = arith.xori %lt3A_229, %lt3A_231 : i1
        %and3A_233 = arith.andi %ne3A_232, %ne3A_227 : i1
        %add3A_234 = arith.addi %rem3A_225, %select_n3A_224 : i32
        %select_n3A_235 = arith.select %and3A_233, %add3A_234, %rem3A_225 : i32
        %jit3A_236 = arith.constant 8 : i32
        %eq3A_237 = arith.constant 0 : i32
        %eq3A_238 = arith.cmpi eq, %jit3A_236, %eq3A_237 : i32
        %jit3A_239 = arith.constant 1 : i32
        %select_n3A_240 = arith.select %eq3A_238, %jit3A_239, %jit3A_236 : i32
        %rem3A_241 = arith.remsi %scan3A_79, %select_n3A_240 : i32
        %ne3A_242 = arith.constant 0 : i32
        %ne3A_243 = arith.cmpi ne, %rem3A_241, %ne3A_242 : i32
        %lt3A_244 = arith.constant 0 : i32
        %lt3A_245 = arith.cmpi slt, %rem3A_241, %lt3A_244 : i32
        %lt3A_246 = arith.constant 0 : i32
        %lt3A_247 = arith.cmpi slt, %select_n3A_240, %lt3A_246 : i32
        %ne3A_248 = arith.xori %lt3A_245, %lt3A_247 : i1
        %and3A_249 = arith.andi %ne3A_248, %ne3A_243 : i1
        %add3A_250 = arith.addi %rem3A_241, %select_n3A_240 : i32
        %select_n3A_251 = arith.select %and3A_249, %add3A_250, %rem3A_241 : i32
        %mul3A_252 = arith.constant 16 : i32
        %mul3A_253 = arith.muli %select_n3A_251, %mul3A_252 : i32
        %add3A_254 = arith.constant 1 : i32
        %add3A_255 = arith.addi %mul3A_253, %add3A_254 : i32
        %mul3A_256 = arith.constant 0 : i32
        %mul3A_257 = vector.broadcast %mul3A_256 : i32 to vector<16xi32>
        %mul3A_258 = arith.muli %mul3A_257, %iota3A : vector<16xi32>
        %add3A_259 = vector.broadcast %add3A_255 : i32 to vector<16xi32>
        %add3A_260 = arith.addi %add3A_259, %mul3A_258 : vector<16xi32>
        %mul3A_261 = arith.constant 0 : i32
        %mul3A_262 = vector.broadcast %mul3A_261 : i32 to vector<16xi32>
        %mul3A_263 = arith.muli %mul3A_262, %iota3A : vector<16xi32>
        %add3A_264 = vector.broadcast %select_n3A_235 : i32 to vector<16xi32>
        %add3A_265 = arith.addi %add3A_264, %mul3A_263 : vector<16xi32>
        %add3A_266 = arith.constant 0 : i32
        %add3A_267 = vector.broadcast %add3A_266 : i32 to vector<16xi32>
        %add3A_268 = arith.addi %add3A_267, %iota3A : vector<16xi32>
        %gather3A_269 = tpu.vector_load_idx %arg10[%add3A_268, %add3A_265] : memref<64x128xf32, #tpu.memory_space<vmem>>[vector<16xi32>, vector<16xi32>], vector<16xf32>,
        tpu.vector_store_idx %arg12[%add3A_268, %add3A_260], %gather3A_269 : memref<64x128xf32, #tpu.memory_space<vmem>>[vector<16xi32>, vector<16xi32>], vector<16xf32>,
        %gather3A_270 = tpu.vector_load_idx %arg11[%add3A_268, %add3A_265] : memref<64x128xf32, #tpu.memory_space<vmem>>[vector<16xi32>, vector<16xi32>], vector<16xf32>,
        tpu.vector_store_idx %arg13[%add3A_268, %add3A_260], %gather3A_270 : memref<64x128xf32, #tpu.memory_space<vmem>>[vector<16xi32>, vector<16xi32>], vector<16xf32>,
        %add3A_271 = arith.constant 16 : i32
        %add3A_272 = vector.broadcast %add3A_271 : i32 to vector<16xi32>
        %add3A_273 = arith.addi %add3A_272, %iota3A : vector<16xi32>
        %gather3A_274 = tpu.vector_load_idx %arg10[%add3A_273, %add3A_265] : memref<64x128xf32, #tpu.memory_space<vmem>>[vector<16xi32>, vector<16xi32>], vector<16xf32>,
        tpu.vector_store_idx %arg12[%add3A_273, %add3A_260], %gather3A_274 : memref<64x128xf32, #tpu.memory_space<vmem>>[vector<16xi32>, vector<16xi32>], vector<16xf32>,
        %gather3A_275 = tpu.vector_load_idx %arg11[%add3A_273, %add3A_265] : memref<64x128xf32, #tpu.memory_space<vmem>>[vector<16xi32>, vector<16xi32>], vector<16xf32>,
        tpu.vector_store_idx %arg13[%add3A_273, %add3A_260], %gather3A_275 : memref<64x128xf32, #tpu.memory_space<vmem>>[vector<16xi32>, vector<16xi32>], vector<16xf32>,
        %add3A_276 = arith.constant 32 : i32
        %add3A_277 = vector.broadcast %add3A_276 : i32 to vector<16xi32>
        %add3A_278 = arith.addi %add3A_277, %iota3A : vector<16xi32>
        %gather3A_279 = tpu.vector_load_idx %arg10[%add3A_278, %add3A_265] : memref<64x128xf32, #tpu.memory_space<vmem>>[vector<16xi32>, vector<16xi32>], vector<16xf32>,
        tpu.vector_store_idx %arg12[%add3A_278, %add3A_260], %gather3A_279 : memref<64x128xf32, #tpu.memory_space<vmem>>[vector<16xi32>, vector<16xi32>], vector<16xf32>,
        %gather3A_280 = tpu.vector_load_idx %arg11[%add3A_278, %add3A_265] : memref<64x128xf32, #tpu.memory_space<vmem>>[vector<16xi32>, vector<16xi32>], vector<16xf32>,
        tpu.vector_store_idx %arg13[%add3A_278, %add3A_260], %gather3A_280 : memref<64x128xf32, #tpu.memory_space<vmem>>[vector<16xi32>, vector<16xi32>], vector<16xf32>,
        %add3A_281 = arith.constant 48 : i32
        %add3A_282 = vector.broadcast %add3A_281 : i32 to vector<16xi32>
        %add3A_283 = arith.addi %add3A_282, %iota3A : vector<16xi32>
        %gather3A_284 = tpu.vector_load_idx %arg10[%add3A_283, %add3A_265] : memref<64x128xf32, #tpu.memory_space<vmem>>[vector<16xi32>, vector<16xi32>], vector<16xf32>,
        tpu.vector_store_idx %arg12[%add3A_283, %add3A_260], %gather3A_284 : memref<64x128xf32, #tpu.memory_space<vmem>>[vector<16xi32>, vector<16xi32>], vector<16xf32>,
        %gather3A_285 = tpu.vector_load_idx %arg11[%add3A_283, %add3A_265] : memref<64x128xf32, #tpu.memory_space<vmem>>[vector<16xi32>, vector<16xi32>], vector<16xf32>,
        tpu.vector_store_idx %arg13[%add3A_283, %add3A_260], %gather3A_285 : memref<64x128xf32, #tpu.memory_space<vmem>>[vector<16xi32>, vector<16xi32>], vector<16xf32>,
        %slice3A_286 = vector.extract_strided_slice %min3A_88 {offsets = [2], sizes = [1], strides = [1]} : vector<16xi32> to vector<1xi32>
        %squeeze3A_287 = vector.extract %slice3A_286[0] : i32 from vector<1xi32>
        %jit3A_288 = arith.constant 128 : i32
        %div3A_289 = arith.divsi %squeeze3A_287, %jit3A_288 : i32
        %sign3A_290 = arith.constant 0 : i32
        %sign3A_291 = arith.cmpi sgt, %squeeze3A_287, %sign3A_290 : i32
        %sign3A_292 = arith.extui %sign3A_291 : i1 to i32
        %sign3A_293 = arith.constant 0 : i32
        %sign3A_294 = arith.cmpi slt, %squeeze3A_287, %sign3A_293 : i32
        %sign3A_295 = arith.extui %sign3A_294 : i1 to i32
        %sign3A_296 = arith.subi %sign3A_292, %sign3A_295 : i32
        %sign3A_297 = arith.constant 0 : i32
        %sign3A_298 = arith.cmpi sgt, %jit3A_288, %sign3A_297 : i32
        %sign3A_299 = arith.extui %sign3A_298 : i1 to i32
        %sign3A_300 = arith.constant 0 : i32
        %sign3A_301 = arith.cmpi slt, %jit3A_288, %sign3A_300 : i32
        %sign3A_302 = arith.extui %sign3A_301 : i1 to i32
        %sign3A_303 = arith.subi %sign3A_299, %sign3A_302 : i32
        %ne3A_304 = arith.cmpi ne, %sign3A_296, %sign3A_303 : i32
        %rem3A_305 = arith.remsi %squeeze3A_287, %jit3A_288 : i32
        %ne3A_306 = arith.constant 0 : i32
        %ne3A_307 = arith.cmpi ne, %rem3A_305, %ne3A_306 : i32
        %and3A_308 = arith.andi %ne3A_304, %ne3A_307 : i1
        %sub3A_309 = arith.constant 1 : i32
        %sub3A_310 = arith.subi %div3A_289, %sub3A_309 : i32
        %select_n3A_311 = arith.select %and3A_308, %sub3A_310, %div3A_289 : i32
        %mul3A_312 = arith.constant 128 : i32
        %mul3A_313 = arith.muli %select_n3A_311, %mul3A_312 : i32
        %multiple_of3A_314 = tpu.assume_multiple %mul3A_313, 128 : i32
        %ne3A_315 = arith.cmpi ne, %multiple_of3A_314, %multiple_of3A_215 : i32
        %convert_element_type3A_316 = arith.extui %ne3A_315 : i1 to i32
        %cond3A_317 = arith.constant 0 : i32
        %cond3A_318 = arith.cmpi ne, %convert_element_type3A_316, %cond3A_317 : i32
        scf.if %cond3A_318 {
          "tpu.region"() ({
            %run_scoped3A = tpu.sem_alloc : memref<!tpu.dma_semaphore, #tpu.memory_space<semaphore_mem>>
            %dma_start3A = arith.constant 0 : i32
            %dma_start3A_1693 = tpu.memref_slice %arg2[%dma_start3A, %multiple_of3A_314] : memref<64x131072xf32, #tpu.memory_space<hbm>> -> memref<64x128xf32, #tpu.memory_space<hbm>>
            %dma_start3A_1694 = arith.constant 0 : i32
            %dma_start3A_1695 = tpu.memref_slice %arg2[%dma_start3A_1694, %multiple_of3A_314] : memref<64x131072xf32, #tpu.memory_space<hbm>> -> memref<64x128xf32, #tpu.memory_space<hbm>>
            tpu.enqueue_dma source(%dma_start3A_1695 : memref<64x128xf32, #tpu.memory_space<hbm>>) target(%arg10 : memref<64x128xf32, #tpu.memory_space<vmem>>) target_semaphore(%run_scoped3A : memref<!tpu.dma_semaphore, #tpu.memory_space<semaphore_mem>>)
            %dma_wait3A = arith.constant 0 : i32
            %dma_wait3A_1696 = tpu.memref_slice %arg2[%dma_wait3A, %multiple_of3A_314] : memref<64x131072xf32, #tpu.memory_space<hbm>> -> memref<64x128xf32, #tpu.memory_space<hbm>>
            %dma_wait3A_1697 = arith.constant 0 : i32
            %dma_wait3A_1698 = tpu.memref_slice %arg2[%dma_wait3A_1697, %multiple_of3A_314] : memref<64x131072xf32, #tpu.memory_space<hbm>> -> memref<64x128xf32, #tpu.memory_space<hbm>>
            tpu.wait_dma2 semaphore(%run_scoped3A : memref<!tpu.dma_semaphore, #tpu.memory_space<semaphore_mem>>) src(%dma_wait3A_1698 : memref<64x128xf32, #tpu.memory_space<hbm>>) dst(%arg10 : memref<64x128xf32, #tpu.memory_space<vmem>>)
            tpu.yield
          }) : () -> ()
          "tpu.region"() ({
            %run_scoped3A = tpu.sem_alloc : memref<!tpu.dma_semaphore, #tpu.memory_space<semaphore_mem>>
            %dma_start3A = arith.constant 0 : i32
            %dma_start3A_1693 = tpu.memref_slice %arg3[%dma_start3A, %multiple_of3A_314] : memref<64x131072xf32, #tpu.memory_space<hbm>> -> memref<64x128xf32, #tpu.memory_space<hbm>>
            %dma_start3A_1694 = arith.constant 0 : i32
            %dma_start3A_1695 = tpu.memref_slice %arg3[%dma_start3A_1694, %multiple_of3A_314] : memref<64x131072xf32, #tpu.memory_space<hbm>> -> memref<64x128xf32, #tpu.memory_space<hbm>>
            tpu.enqueue_dma source(%dma_start3A_1695 : memref<64x128xf32, #tpu.memory_space<hbm>>) target(%arg11 : memref<64x128xf32, #tpu.memory_space<vmem>>) target_semaphore(%run_scoped3A : memref<!tpu.dma_semaphore, #tpu.memory_space<semaphore_mem>>)
            %dma_wait3A = arith.constant 0 : i32
            %dma_wait3A_1696 = tpu.memref_slice %arg3[%dma_wait3A, %multiple_of3A_314] : memref<64x131072xf32, #tpu.memory_space<hbm>> -> memref<64x128xf32, #tpu.memory_space<hbm>>
            %dma_wait3A_1697 = arith.constant 0 : i32
            %dma_wait3A_1698 = tpu.memref_slice %arg3[%dma_wait3A_1697, %multiple_of3A_314] : memref<64x131072xf32, #tpu.memory_space<hbm>> -> memref<64x128xf32, #tpu.memory_space<hbm>>
            tpu.wait_dma2 semaphore(%run_scoped3A : memref<!tpu.dma_semaphore, #tpu.memory_space<semaphore_mem>>) src(%dma_wait3A_1698 : memref<64x128xf32, #tpu.memory_space<hbm>>) dst(%arg11 : memref<64x128xf32, #tpu.memory_space<vmem>>)
            tpu.yield
          }) : () -> ()
        } else {
        }
        %jit3A_319 = arith.constant 128 : i32
        %eq3A_320 = arith.constant 0 : i32
        %eq3A_321 = arith.cmpi eq, %jit3A_319, %eq3A_320 : i32
        %jit3A_322 = arith.constant 1 : i32
        %select_n3A_323 = arith.select %eq3A_321, %jit3A_322, %jit3A_319 : i32
        %rem3A_324 = arith.remsi %squeeze3A_287, %select_n3A_323 : i32
        %ne3A_325 = arith.constant 0 : i32
        %ne3A_326 = arith.cmpi ne, %rem3A_324, %ne3A_325 : i32
        %lt3A_327 = arith.constant 0 : i32
        %lt3A_328 = arith.cmpi slt, %rem3A_324, %lt3A_327 : i32
        %lt3A_329 = arith.constant 0 : i32
        %lt3A_330 = arith.cmpi slt, %select_n3A_323, %lt3A_329 : i32
        %ne3A_331 = arith.xori %lt3A_328, %lt3A_330 : i1
        %and3A_332 = arith.andi %ne3A_331, %ne3A_326 : i1
        %add3A_333 = arith.addi %rem3A_324, %select_n3A_323 : i32
        %select_n3A_334 = arith.select %and3A_332, %add3A_333, %rem3A_324 : i32
        %jit3A_335 = arith.constant 8 : i32
        %eq3A_336 = arith.constant 0 : i32
        %eq3A_337 = arith.cmpi eq, %jit3A_335, %eq3A_336 : i32
        %jit3A_338 = arith.constant 1 : i32
        %select_n3A_339 = arith.select %eq3A_337, %jit3A_338, %jit3A_335 : i32
        %rem3A_340 = arith.remsi %scan3A_79, %select_n3A_339 : i32
        %ne3A_341 = arith.constant 0 : i32
        %ne3A_342 = arith.cmpi ne, %rem3A_340, %ne3A_341 : i32
        %lt3A_343 = arith.constant 0 : i32
        %lt3A_344 = arith.cmpi slt, %rem3A_340, %lt3A_343 : i32
        %lt3A_345 = arith.constant 0 : i32
        %lt3A_346 = arith.cmpi slt, %select_n3A_339, %lt3A_345 : i32
        %ne3A_347 = arith.xori %lt3A_344, %lt3A_346 : i1
        %and3A_348 = arith.andi %ne3A_347, %ne3A_342 : i1
        %add3A_349 = arith.addi %rem3A_340, %select_n3A_339 : i32
        %select_n3A_350 = arith.select %and3A_348, %add3A_349, %rem3A_340 : i32
        %mul3A_351 = arith.constant 16 : i32
        %mul3A_352 = arith.muli %select_n3A_350, %mul3A_351 : i32
        %add3A_353 = arith.constant 2 : i32
        %add3A_354 = arith.addi %mul3A_352, %add3A_353 : i32
        %mul3A_355 = arith.constant 0 : i32
        %mul3A_356 = vector.broadcast %mul3A_355 : i32 to vector<16xi32>
        %mul3A_357 = arith.muli %mul3A_356, %iota3A : vector<16xi32>
        %add3A_358 = vector.broadcast %add3A_354 : i32 to vector<16xi32>
        %add3A_359 = arith.addi %add3A_358, %mul3A_357 : vector<16xi32>
        %mul3A_360 = arith.constant 0 : i32
        %mul3A_361 = vector.broadcast %mul3A_360 : i32 to vector<16xi32>
        %mul3A_362 = arith.muli %mul3A_361, %iota3A : vector<16xi32>
        %add3A_363 = vector.broadcast %select_n3A_334 : i32 to vector<16xi32>
        %add3A_364 = arith.addi %add3A_363, %mul3A_362 : vector<16xi32>
        %add3A_365 = arith.constant 0 : i32
        %add3A_366 = vector.broadcast %add3A_365 : i32 to vector<16xi32>
        %add3A_367 = arith.addi %add3A_366, %iota3A : vector<16xi32>
        %gather3A_368 = tpu.vector_load_idx %arg10[%add3A_367, %add3A_364] : memref<64x128xf32, #tpu.memory_space<vmem>>[vector<16xi32>, vector<16xi32>], vector<16xf32>,
        tpu.vector_store_idx %arg12[%add3A_367, %add3A_359], %gather3A_368 : memref<64x128xf32, #tpu.memory_space<vmem>>[vector<16xi32>, vector<16xi32>], vector<16xf32>,
        %gather3A_369 = tpu.vector_load_idx %arg11[%add3A_367, %add3A_364] : memref<64x128xf32, #tpu.memory_space<vmem>>[vector<16xi32>, vector<16xi32>], vector<16xf32>,
        tpu.vector_store_idx %arg13[%add3A_367, %add3A_359], %gather3A_369 : memref<64x128xf32, #tpu.memory_space<vmem>>[vector<16xi32>, vector<16xi32>], vector<16xf32>,
        %add3A_370 = arith.constant 16 : i32
        %add3A_371 = vector.broadcast %add3A_370 : i32 to vector<16xi32>
        %add3A_372 = arith.addi %add3A_371, %iota3A : vector<16xi32>
        %gather3A_373 = tpu.vector_load_idx %arg10[%add3A_372, %add3A_364] : memref<64x128xf32, #tpu.memory_space<vmem>>[vector<16xi32>, vector<16xi32>], vector<16xf32>,
        tpu.vector_store_idx %arg12[%add3A_372, %add3A_359], %gather3A_373 : memref<64x128xf32, #tpu.memory_space<vmem>>[vector<16xi32>, vector<16xi32>], vector<16xf32>,
        %gather3A_374 = tpu.vector_load_idx %arg11[%add3A_372, %add3A_364] : memref<64x128xf32, #tpu.memory_space<vmem>>[vector<16xi32>, vector<16xi32>], vector<16xf32>,
        tpu.vector_store_idx %arg13[%add3A_372, %add3A_359], %gather3A_374 : memref<64x128xf32, #tpu.memory_space<vmem>>[vector<16xi32>, vector<16xi32>], vector<16xf32>,
        %add3A_375 = arith.constant 32 : i32
        %add3A_376 = vector.broadcast %add3A_375 : i32 to vector<16xi32>
        %add3A_377 = arith.addi %add3A_376, %iota3A : vector<16xi32>
        %gather3A_378 = tpu.vector_load_idx %arg10[%add3A_377, %add3A_364] : memref<64x128xf32, #tpu.memory_space<vmem>>[vector<16xi32>, vector<16xi32>], vector<16xf32>,
        tpu.vector_store_idx %arg12[%add3A_377, %add3A_359], %gather3A_378 : memref<64x128xf32, #tpu.memory_space<vmem>>[vector<16xi32>, vector<16xi32>], vector<16xf32>,
        %gather3A_379 = tpu.vector_load_idx %arg11[%add3A_377, %add3A_364] : memref<64x128xf32, #tpu.memory_space<vmem>>[vector<16xi32>, vector<16xi32>], vector<16xf32>,
        tpu.vector_store_idx %arg13[%add3A_377, %add3A_359], %gather3A_379 : memref<64x128xf32, #tpu.memory_space<vmem>>[vector<16xi32>, vector<16xi32>], vector<16xf32>,
        %add3A_380 = arith.constant 48 : i32
        %add3A_381 = vector.broadcast %add3A_380 : i32 to vector<16xi32>
        %add3A_382 = arith.addi %add3A_381, %iota3A : vector<16xi32>
        %gather3A_383 = tpu.vector_load_idx %arg10[%add3A_382, %add3A_364] : memref<64x128xf32, #tpu.memory_space<vmem>>[vector<16xi32>, vector<16xi32>], vector<16xf32>,
        tpu.vector_store_idx %arg12[%add3A_382, %add3A_359], %gather3A_383 : memref<64x128xf32, #tpu.memory_space<vmem>>[vector<16xi32>, vector<16xi32>], vector<16xf32>,
        %gather3A_384 = tpu.vector_load_idx %arg11[%add3A_382, %add3A_364] : memref<64x128xf32, #tpu.memory_space<vmem>>[vector<16xi32>, vector<16xi32>], vector<16xf32>,
        tpu.vector_store_idx %arg13[%add3A_382, %add3A_359], %gather3A_384 : memref<64x128xf32, #tpu.memory_space<vmem>>[vector<16xi32>, vector<16xi32>], vector<16xf32>,
        %slice3A_385 = vector.extract_strided_slice %min3A_88 {offsets = [3], sizes = [1], strides = [1]} : vector<16xi32> to vector<1xi32>
        %squeeze3A_386 = vector.extract %slice3A_385[0] : i32 from vector<1xi32>
        %jit3A_387 = arith.constant 128 : i32
        %div3A_388 = arith.divsi %squeeze3A_386, %jit3A_387 : i32
        %sign3A_389 = arith.constant 0 : i32
        %sign3A_390 = arith.cmpi sgt, %squeeze3A_386, %sign3A_389 : i32
        %sign3A_391 = arith.extui %sign3A_390 : i1 to i32
        %sign3A_392 = arith.constant 0 : i32
        %sign3A_393 = arith.cmpi slt, %squeeze3A_386, %sign3A_392 : i32
        %sign3A_394 = arith.extui %sign3A_393 : i1 to i32
        %sign3A_395 = arith.subi %sign3A_391, %sign3A_394 : i32
        %sign3A_396 = arith.constant 0 : i32
        %sign3A_397 = arith.cmpi sgt, %jit3A_387, %sign3A_396 : i32
        %sign3A_398 = arith.extui %sign3A_397 : i1 to i32
        %sign3A_399 = arith.constant 0 : i32
        %sign3A_400 = arith.cmpi slt, %jit3A_387, %sign3A_399 : i32
        %sign3A_401 = arith.extui %sign3A_400 : i1 to i32
        %sign3A_402 = arith.subi %sign3A_398, %sign3A_401 : i32
        %ne3A_403 = arith.cmpi ne, %sign3A_395, %sign3A_402 : i32
        %rem3A_404 = arith.remsi %squeeze3A_386, %jit3A_387 : i32
        %ne3A_405 = arith.constant 0 : i32
        %ne3A_406 = arith.cmpi ne, %rem3A_404, %ne3A_405 : i32
        %and3A_407 = arith.andi %ne3A_403, %ne3A_406 : i1
        %sub3A_408 = arith.constant 1 : i32
        %sub3A_409 = arith.subi %div3A_388, %sub3A_408 : i32
        %select_n3A_410 = arith.select %and3A_407, %sub3A_409, %div3A_388 : i32
        %mul3A_411 = arith.constant 128 : i32
        %mul3A_412 = arith.muli %select_n3A_410, %mul3A_411 : i32
        %multiple_of3A_413 = tpu.assume_multiple %mul3A_412, 128 : i32
        %ne3A_414 = arith.cmpi ne, %multiple_of3A_413, %multiple_of3A_314 : i32
        %convert_element_type3A_415 = arith.extui %ne3A_414 : i1 to i32
        %cond3A_416 = arith.constant 0 : i32
        %cond3A_417 = arith.cmpi ne, %convert_element_type3A_415, %cond3A_416 : i32
        scf.if %cond3A_417 {
          "tpu.region"() ({
            %run_scoped3A = tpu.sem_alloc : memref<!tpu.dma_semaphore, #tpu.memory_space<semaphore_mem>>
            %dma_start3A = arith.constant 0 : i32
            %dma_start3A_1693 = tpu.memref_slice %arg2[%dma_start3A, %multiple_of3A_413] : memref<64x131072xf32, #tpu.memory_space<hbm>> -> memref<64x128xf32, #tpu.memory_space<hbm>>
            %dma_start3A_1694 = arith.constant 0 : i32
            %dma_start3A_1695 = tpu.memref_slice %arg2[%dma_start3A_1694, %multiple_of3A_413] : memref<64x131072xf32, #tpu.memory_space<hbm>> -> memref<64x128xf32, #tpu.memory_space<hbm>>
            tpu.enqueue_dma source(%dma_start3A_1695 : memref<64x128xf32, #tpu.memory_space<hbm>>) target(%arg10 : memref<64x128xf32, #tpu.memory_space<vmem>>) target_semaphore(%run_scoped3A : memref<!tpu.dma_semaphore, #tpu.memory_space<semaphore_mem>>)
            %dma_wait3A = arith.constant 0 : i32
            %dma_wait3A_1696 = tpu.memref_slice %arg2[%dma_wait3A, %multiple_of3A_413] : memref<64x131072xf32, #tpu.memory_space<hbm>> -> memref<64x128xf32, #tpu.memory_space<hbm>>
            %dma_wait3A_1697 = arith.constant 0 : i32
            %dma_wait3A_1698 = tpu.memref_slice %arg2[%dma_wait3A_1697, %multiple_of3A_413] : memref<64x131072xf32, #tpu.memory_space<hbm>> -> memref<64x128xf32, #tpu.memory_space<hbm>>
            tpu.wait_dma2 semaphore(%run_scoped3A : memref<!tpu.dma_semaphore, #tpu.memory_space<semaphore_mem>>) src(%dma_wait3A_1698 : memref<64x128xf32, #tpu.memory_space<hbm>>) dst(%arg10 : memref<64x128xf32, #tpu.memory_space<vmem>>)
            tpu.yield
          }) : () -> ()
          "tpu.region"() ({
            %run_scoped3A = tpu.sem_alloc : memref<!tpu.dma_semaphore, #tpu.memory_space<semaphore_mem>>
            %dma_start3A = arith.constant 0 : i32
            %dma_start3A_1693 = tpu.memref_slice %arg3[%dma_start3A, %multiple_of3A_413] : memref<64x131072xf32, #tpu.memory_space<hbm>> -> memref<64x128xf32, #tpu.memory_space<hbm>>
            %dma_start3A_1694 = arith.constant 0 : i32
            %dma_start3A_1695 = tpu.memref_slice %arg3[%dma_start3A_1694, %multiple_of3A_413] : memref<64x131072xf32, #tpu.memory_space<hbm>> -> memref<64x128xf32, #tpu.memory_space<hbm>>
            tpu.enqueue_dma source(%dma_start3A_1695 : memref<64x128xf32, #tpu.memory_space<hbm>>) target(%arg11 : memref<64x128xf32, #tpu.memory_space<vmem>>) target_semaphore(%run_scoped3A : memref<!tpu.dma_semaphore, #tpu.memory_space<semaphore_mem>>)
            %dma_wait3A = arith.constant 0 : i32
            %dma_wait3A_1696 = tpu.memref_slice %arg3[%dma_wait3A, %multiple_of3A_413] : memref<64x131072xf32, #tpu.memory_space<hbm>> -> memref<64x128xf32, #tpu.memory_space<hbm>>
            %dma_wait3A_1697 = arith.constant 0 : i32
            %dma_wait3A_1698 = tpu.memref_slice %arg3[%dma_wait3A_1697, %multiple_of3A_413] : memref<64x131072xf32, #tpu.memory_space<hbm>> -> memref<64x128xf32, #tpu.memory_space<hbm>>
            tpu.wait_dma2 semaphore(%run_scoped3A : memref<!tpu.dma_semaphore, #tpu.memory_space<semaphore_mem>>) src(%dma_wait3A_1698 : memref<64x128xf32, #tpu.memory_space<hbm>>) dst(%arg11 : memref<64x128xf32, #tpu.memory_space<vmem>>)
            tpu.yield
          }) : () -> ()
        } else {
        }
        %jit3A_418 = arith.constant 128 : i32
        %eq3A_419 = arith.constant 0 : i32
        %eq3A_420 = arith.cmpi eq, %jit3A_418, %eq3A_419 : i32
        %jit3A_421 = arith.constant 1 : i32
        %select_n3A_422 = arith.select %eq3A_420, %jit3A_421, %jit3A_418 : i32
        %rem3A_423 = arith.remsi %squeeze3A_386, %select_n3A_422 : i32
        %ne3A_424 = arith.constant 0 : i32
        %ne3A_425 = arith.cmpi ne, %rem3A_423, %ne3A_424 : i32
        %lt3A_426 = arith.constant 0 : i32
        %lt3A_427 = arith.cmpi slt, %rem3A_423, %lt3A_426 : i32
        %lt3A_428 = arith.constant 0 : i32
        %lt3A_429 = arith.cmpi slt, %select_n3A_422, %lt3A_428 : i32
        %ne3A_430 = arith.xori %lt3A_427, %lt3A_429 : i1
        %and3A_431 = arith.andi %ne3A_430, %ne3A_425 : i1
        %add3A_432 = arith.addi %rem3A_423, %select_n3A_422 : i32
        %select_n3A_433 = arith.select %and3A_431, %add3A_432, %rem3A_423 : i32
        %jit3A_434 = arith.constant 8 : i32
        %eq3A_435 = arith.constant 0 : i32
        %eq3A_436 = arith.cmpi eq, %jit3A_434, %eq3A_435 : i32
        %jit3A_437 = arith.constant 1 : i32
        %select_n3A_438 = arith.select %eq3A_436, %jit3A_437, %jit3A_434 : i32
        %rem3A_439 = arith.remsi %scan3A_79, %select_n3A_438 : i32
        %ne3A_440 = arith.constant 0 : i32
        %ne3A_441 = arith.cmpi ne, %rem3A_439, %ne3A_440 : i32
        %lt3A_442 = arith.constant 0 : i32
        %lt3A_443 = arith.cmpi slt, %rem3A_439, %lt3A_442 : i32
        %lt3A_444 = arith.constant 0 : i32
        %lt3A_445 = arith.cmpi slt, %select_n3A_438, %lt3A_444 : i32
        %ne3A_446 = arith.xori %lt3A_443, %lt3A_445 : i1
        %and3A_447 = arith.andi %ne3A_446, %ne3A_441 : i1
        %add3A_448 = arith.addi %rem3A_439, %select_n3A_438 : i32
        %select_n3A_449 = arith.select %and3A_447, %add3A_448, %rem3A_439 : i32
        %mul3A_450 = arith.constant 16 : i32
        %mul3A_451 = arith.muli %select_n3A_449, %mul3A_450 : i32
        %add3A_452 = arith.constant 3 : i32
        %add3A_453 = arith.addi %mul3A_451, %add3A_452 : i32
        %mul3A_454 = arith.constant 0 : i32
        %mul3A_455 = vector.broadcast %mul3A_454 : i32 to vector<16xi32>
        %mul3A_456 = arith.muli %mul3A_455, %iota3A : vector<16xi32>
        %add3A_457 = vector.broadcast %add3A_453 : i32 to vector<16xi32>
        %add3A_458 = arith.addi %add3A_457, %mul3A_456 : vector<16xi32>
        %mul3A_459 = arith.constant 0 : i32
        %mul3A_460 = vector.broadcast %mul3A_459 : i32 to vector<16xi32>
        %mul3A_461 = arith.muli %mul3A_460, %iota3A : vector<16xi32>
        %add3A_462 = vector.broadcast %select_n3A_433 : i32 to vector<16xi32>
        %add3A_463 = arith.addi %add3A_462, %mul3A_461 : vector<16xi32>
        %add3A_464 = arith.constant 0 : i32
        %add3A_465 = vector.broadcast %add3A_464 : i32 to vector<16xi32>
        %add3A_466 = arith.addi %add3A_465, %iota3A : vector<16xi32>
        %gather3A_467 = tpu.vector_load_idx %arg10[%add3A_466, %add3A_463] : memref<64x128xf32, #tpu.memory_space<vmem>>[vector<16xi32>, vector<16xi32>], vector<16xf32>,
        tpu.vector_store_idx %arg12[%add3A_466, %add3A_458], %gather3A_467 : memref<64x128xf32, #tpu.memory_space<vmem>>[vector<16xi32>, vector<16xi32>], vector<16xf32>,
        %gather3A_468 = tpu.vector_load_idx %arg11[%add3A_466, %add3A_463] : memref<64x128xf32, #tpu.memory_space<vmem>>[vector<16xi32>, vector<16xi32>], vector<16xf32>,
        tpu.vector_store_idx %arg13[%add3A_466, %add3A_458], %gather3A_468 : memref<64x128xf32, #tpu.memory_space<vmem>>[vector<16xi32>, vector<16xi32>], vector<16xf32>,
        %add3A_469 = arith.constant 16 : i32
        %add3A_470 = vector.broadcast %add3A_469 : i32 to vector<16xi32>
        %add3A_471 = arith.addi %add3A_470, %iota3A : vector<16xi32>
        %gather3A_472 = tpu.vector_load_idx %arg10[%add3A_471, %add3A_463] : memref<64x128xf32, #tpu.memory_space<vmem>>[vector<16xi32>, vector<16xi32>], vector<16xf32>,
        tpu.vector_store_idx %arg12[%add3A_471, %add3A_458], %gather3A_472 : memref<64x128xf32, #tpu.memory_space<vmem>>[vector<16xi32>, vector<16xi32>], vector<16xf32>,
        %gather3A_473 = tpu.vector_load_idx %arg11[%add3A_471, %add3A_463] : memref<64x128xf32, #tpu.memory_space<vmem>>[vector<16xi32>, vector<16xi32>], vector<16xf32>,
        tpu.vector_store_idx %arg13[%add3A_471, %add3A_458], %gather3A_473 : memref<64x128xf32, #tpu.memory_space<vmem>>[vector<16xi32>, vector<16xi32>], vector<16xf32>,
        %add3A_474 = arith.constant 32 : i32
        %add3A_475 = vector.broadcast %add3A_474 : i32 to vector<16xi32>
        %add3A_476 = arith.addi %add3A_475, %iota3A : vector<16xi32>
        %gather3A_477 = tpu.vector_load_idx %arg10[%add3A_476, %add3A_463] : memref<64x128xf32, #tpu.memory_space<vmem>>[vector<16xi32>, vector<16xi32>], vector<16xf32>,
        tpu.vector_store_idx %arg12[%add3A_476, %add3A_458], %gather3A_477 : memref<64x128xf32, #tpu.memory_space<vmem>>[vector<16xi32>, vector<16xi32>], vector<16xf32>,
        %gather3A_478 = tpu.vector_load_idx %arg11[%add3A_476, %add3A_463] : memref<64x128xf32, #tpu.memory_space<vmem>>[vector<16xi32>, vector<16xi32>], vector<16xf32>,
        tpu.vector_store_idx %arg13[%add3A_476, %add3A_458], %gather3A_478 : memref<64x128xf32, #tpu.memory_space<vmem>>[vector<16xi32>, vector<16xi32>], vector<16xf32>,
        %add3A_479 = arith.constant 48 : i32
        %add3A_480 = vector.broadcast %add3A_479 : i32 to vector<16xi32>
        %add3A_481 = arith.addi %add3A_480, %iota3A : vector<16xi32>
        %gather3A_482 = tpu.vector_load_idx %arg10[%add3A_481, %add3A_463] : memref<64x128xf32, #tpu.memory_space<vmem>>[vector<16xi32>, vector<16xi32>], vector<16xf32>,
        tpu.vector_store_idx %arg12[%add3A_481, %add3A_458], %gather3A_482 : memref<64x128xf32, #tpu.memory_space<vmem>>[vector<16xi32>, vector<16xi32>], vector<16xf32>,
        %gather3A_483 = tpu.vector_load_idx %arg11[%add3A_481, %add3A_463] : memref<64x128xf32, #tpu.memory_space<vmem>>[vector<16xi32>, vector<16xi32>], vector<16xf32>,
        tpu.vector_store_idx %arg13[%add3A_481, %add3A_458], %gather3A_483 : memref<64x128xf32, #tpu.memory_space<vmem>>[vector<16xi32>, vector<16xi32>], vector<16xf32>,
        %slice3A_484 = vector.extract_strided_slice %min3A_88 {offsets = [4], sizes = [1], strides = [1]} : vector<16xi32> to vector<1xi32>
        %squeeze3A_485 = vector.extract %slice3A_484[0] : i32 from vector<1xi32>
        %jit3A_486 = arith.constant 128 : i32
        %div3A_487 = arith.divsi %squeeze3A_485, %jit3A_486 : i32
        %sign3A_488 = arith.constant 0 : i32
        %sign3A_489 = arith.cmpi sgt, %squeeze3A_485, %sign3A_488 : i32
        %sign3A_490 = arith.extui %sign3A_489 : i1 to i32
        %sign3A_491 = arith.constant 0 : i32
        %sign3A_492 = arith.cmpi slt, %squeeze3A_485, %sign3A_491 : i32
        %sign3A_493 = arith.extui %sign3A_492 : i1 to i32
        %sign3A_494 = arith.subi %sign3A_490, %sign3A_493 : i32
        %sign3A_495 = arith.constant 0 : i32
        %sign3A_496 = arith.cmpi sgt, %jit3A_486, %sign3A_495 : i32
        %sign3A_497 = arith.extui %sign3A_496 : i1 to i32
        %sign3A_498 = arith.constant 0 : i32
        %sign3A_499 = arith.cmpi slt, %jit3A_486, %sign3A_498 : i32
        %sign3A_500 = arith.extui %sign3A_499 : i1 to i32
        %sign3A_501 = arith.subi %sign3A_497, %sign3A_500 : i32
        %ne3A_502 = arith.cmpi ne, %sign3A_494, %sign3A_501 : i32
        %rem3A_503 = arith.remsi %squeeze3A_485, %jit3A_486 : i32
        %ne3A_504 = arith.constant 0 : i32
        %ne3A_505 = arith.cmpi ne, %rem3A_503, %ne3A_504 : i32
        %and3A_506 = arith.andi %ne3A_502, %ne3A_505 : i1
        %sub3A_507 = arith.constant 1 : i32
        %sub3A_508 = arith.subi %div3A_487, %sub3A_507 : i32
        %select_n3A_509 = arith.select %and3A_506, %sub3A_508, %div3A_487 : i32
        %mul3A_510 = arith.constant 128 : i32
        %mul3A_511 = arith.muli %select_n3A_509, %mul3A_510 : i32
        %multiple_of3A_512 = tpu.assume_multiple %mul3A_511, 128 : i32
        %ne3A_513 = arith.cmpi ne, %multiple_of3A_512, %multiple_of3A_413 : i32
        %convert_element_type3A_514 = arith.extui %ne3A_513 : i1 to i32
        %cond3A_515 = arith.constant 0 : i32
        %cond3A_516 = arith.cmpi ne, %convert_element_type3A_514, %cond3A_515 : i32
        scf.if %cond3A_516 {
          "tpu.region"() ({
            %run_scoped3A = tpu.sem_alloc : memref<!tpu.dma_semaphore, #tpu.memory_space<semaphore_mem>>
            %dma_start3A = arith.constant 0 : i32
            %dma_start3A_1693 = tpu.memref_slice %arg2[%dma_start3A, %multiple_of3A_512] : memref<64x131072xf32, #tpu.memory_space<hbm>> -> memref<64x128xf32, #tpu.memory_space<hbm>>
            %dma_start3A_1694 = arith.constant 0 : i32
            %dma_start3A_1695 = tpu.memref_slice %arg2[%dma_start3A_1694, %multiple_of3A_512] : memref<64x131072xf32, #tpu.memory_space<hbm>> -> memref<64x128xf32, #tpu.memory_space<hbm>>
            tpu.enqueue_dma source(%dma_start3A_1695 : memref<64x128xf32, #tpu.memory_space<hbm>>) target(%arg10 : memref<64x128xf32, #tpu.memory_space<vmem>>) target_semaphore(%run_scoped3A : memref<!tpu.dma_semaphore, #tpu.memory_space<semaphore_mem>>)
            %dma_wait3A = arith.constant 0 : i32
            %dma_wait3A_1696 = tpu.memref_slice %arg2[%dma_wait3A, %multiple_of3A_512] : memref<64x131072xf32, #tpu.memory_space<hbm>> -> memref<64x128xf32, #tpu.memory_space<hbm>>
            %dma_wait3A_1697 = arith.constant 0 : i32
            %dma_wait3A_1698 = tpu.memref_slice %arg2[%dma_wait3A_1697, %multiple_of3A_512] : memref<64x131072xf32, #tpu.memory_space<hbm>> -> memref<64x128xf32, #tpu.memory_space<hbm>>
            tpu.wait_dma2 semaphore(%run_scoped3A : memref<!tpu.dma_semaphore, #tpu.memory_space<semaphore_mem>>) src(%dma_wait3A_1698 : memref<64x128xf32, #tpu.memory_space<hbm>>) dst(%arg10 : memref<64x128xf32, #tpu.memory_space<vmem>>)
            tpu.yield
          }) : () -> ()
          "tpu.region"() ({
            %run_scoped3A = tpu.sem_alloc : memref<!tpu.dma_semaphore, #tpu.memory_space<semaphore_mem>>
            %dma_start3A = arith.constant 0 : i32
            %dma_start3A_1693 = tpu.memref_slice %arg3[%dma_start3A, %multiple_of3A_512] : memref<64x131072xf32, #tpu.memory_space<hbm>> -> memref<64x128xf32, #tpu.memory_space<hbm>>
            %dma_start3A_1694 = arith.constant 0 : i32
            %dma_start3A_1695 = tpu.memref_slice %arg3[%dma_start3A_1694, %multiple_of3A_512] : memref<64x131072xf32, #tpu.memory_space<hbm>> -> memref<64x128xf32, #tpu.memory_space<hbm>>
            tpu.enqueue_dma source(%dma_start3A_1695 : memref<64x128xf32, #tpu.memory_space<hbm>>) target(%arg11 : memref<64x128xf32, #tpu.memory_space<vmem>>) target_semaphore(%run_scoped3A : memref<!tpu.dma_semaphore, #tpu.memory_space<semaphore_mem>>)
            %dma_wait3A = arith.constant 0 : i32
            %dma_wait3A_1696 = tpu.memref_slice %arg3[%dma_wait3A, %multiple_of3A_512] : memref<64x131072xf32, #tpu.memory_space<hbm>> -> memref<64x128xf32, #tpu.memory_space<hbm>>
            %dma_wait3A_1697 = arith.constant 0 : i32
            %dma_wait3A_1698 = tpu.memref_slice %arg3[%dma_wait3A_1697, %multiple_of3A_512] : memref<64x131072xf32, #tpu.memory_space<hbm>> -> memref<64x128xf32, #tpu.memory_space<hbm>>
            tpu.wait_dma2 semaphore(%run_scoped3A : memref<!tpu.dma_semaphore, #tpu.memory_space<semaphore_mem>>) src(%dma_wait3A_1698 : memref<64x128xf32, #tpu.memory_space<hbm>>) dst(%arg11 : memref<64x128xf32, #tpu.memory_space<vmem>>)
            tpu.yield
          }) : () -> ()
        } else {
        }
        %jit3A_517 = arith.constant 128 : i32
        %eq3A_518 = arith.constant 0 : i32
        %eq3A_519 = arith.cmpi eq, %jit3A_517, %eq3A_518 : i32
        %jit3A_520 = arith.constant 1 : i32
        %select_n3A_521 = arith.select %eq3A_519, %jit3A_520, %jit3A_517 : i32
        %rem3A_522 = arith.remsi %squeeze3A_485, %select_n3A_521 : i32
        %ne3A_523 = arith.constant 0 : i32
        %ne3A_524 = arith.cmpi ne, %rem3A_522, %ne3A_523 : i32
        %lt3A_525 = arith.constant 0 : i32
        %lt3A_526 = arith.cmpi slt, %rem3A_522, %lt3A_525 : i32
        %lt3A_527 = arith.constant 0 : i32
        %lt3A_528 = arith.cmpi slt, %select_n3A_521, %lt3A_527 : i32
        %ne3A_529 = arith.xori %lt3A_526, %lt3A_528 : i1
        %and3A_530 = arith.andi %ne3A_529, %ne3A_524 : i1
        %add3A_531 = arith.addi %rem3A_522, %select_n3A_521 : i32
        %select_n3A_532 = arith.select %and3A_530, %add3A_531, %rem3A_522 : i32
        %jit3A_533 = arith.constant 8 : i32
        %eq3A_534 = arith.constant 0 : i32
        %eq3A_535 = arith.cmpi eq, %jit3A_533, %eq3A_534 : i32
        %jit3A_536 = arith.constant 1 : i32
        %select_n3A_537 = arith.select %eq3A_535, %jit3A_536, %jit3A_533 : i32
        %rem3A_538 = arith.remsi %scan3A_79, %select_n3A_537 : i32
        %ne3A_539 = arith.constant 0 : i32
        %ne3A_540 = arith.cmpi ne, %rem3A_538, %ne3A_539 : i32
        %lt3A_541 = arith.constant 0 : i32
        %lt3A_542 = arith.cmpi slt, %rem3A_538, %lt3A_541 : i32
        %lt3A_543 = arith.constant 0 : i32
        %lt3A_544 = arith.cmpi slt, %select_n3A_537, %lt3A_543 : i32
        %ne3A_545 = arith.xori %lt3A_542, %lt3A_544 : i1
        %and3A_546 = arith.andi %ne3A_545, %ne3A_540 : i1
        %add3A_547 = arith.addi %rem3A_538, %select_n3A_537 : i32
        %select_n3A_548 = arith.select %and3A_546, %add3A_547, %rem3A_538 : i32
        %mul3A_549 = arith.constant 16 : i32
        %mul3A_550 = arith.muli %select_n3A_548, %mul3A_549 : i32
        %add3A_551 = arith.constant 4 : i32
        %add3A_552 = arith.addi %mul3A_550, %add3A_551 : i32
        %mul3A_553 = arith.constant 0 : i32
        %mul3A_554 = vector.broadcast %mul3A_553 : i32 to vector<16xi32>
        %mul3A_555 = arith.muli %mul3A_554, %iota3A : vector<16xi32>
        %add3A_556 = vector.broadcast %add3A_552 : i32 to vector<16xi32>
        %add3A_557 = arith.addi %add3A_556, %mul3A_555 : vector<16xi32>
        %mul3A_558 = arith.constant 0 : i32
        %mul3A_559 = vector.broadcast %mul3A_558 : i32 to vector<16xi32>
        %mul3A_560 = arith.muli %mul3A_559, %iota3A : vector<16xi32>
        %add3A_561 = vector.broadcast %select_n3A_532 : i32 to vector<16xi32>
        %add3A_562 = arith.addi %add3A_561, %mul3A_560 : vector<16xi32>
        %add3A_563 = arith.constant 0 : i32
        %add3A_564 = vector.broadcast %add3A_563 : i32 to vector<16xi32>
        %add3A_565 = arith.addi %add3A_564, %iota3A : vector<16xi32>
        %gather3A_566 = tpu.vector_load_idx %arg10[%add3A_565, %add3A_562] : memref<64x128xf32, #tpu.memory_space<vmem>>[vector<16xi32>, vector<16xi32>], vector<16xf32>,
        tpu.vector_store_idx %arg12[%add3A_565, %add3A_557], %gather3A_566 : memref<64x128xf32, #tpu.memory_space<vmem>>[vector<16xi32>, vector<16xi32>], vector<16xf32>,
        %gather3A_567 = tpu.vector_load_idx %arg11[%add3A_565, %add3A_562] : memref<64x128xf32, #tpu.memory_space<vmem>>[vector<16xi32>, vector<16xi32>], vector<16xf32>,
        tpu.vector_store_idx %arg13[%add3A_565, %add3A_557], %gather3A_567 : memref<64x128xf32, #tpu.memory_space<vmem>>[vector<16xi32>, vector<16xi32>], vector<16xf32>,
        %add3A_568 = arith.constant 16 : i32
        %add3A_569 = vector.broadcast %add3A_568 : i32 to vector<16xi32>
        %add3A_570 = arith.addi %add3A_569, %iota3A : vector<16xi32>
        %gather3A_571 = tpu.vector_load_idx %arg10[%add3A_570, %add3A_562] : memref<64x128xf32, #tpu.memory_space<vmem>>[vector<16xi32>, vector<16xi32>], vector<16xf32>,
        tpu.vector_store_idx %arg12[%add3A_570, %add3A_557], %gather3A_571 : memref<64x128xf32, #tpu.memory_space<vmem>>[vector<16xi32>, vector<16xi32>], vector<16xf32>,
        %gather3A_572 = tpu.vector_load_idx %arg11[%add3A_570, %add3A_562] : memref<64x128xf32, #tpu.memory_space<vmem>>[vector<16xi32>, vector<16xi32>], vector<16xf32>,
        tpu.vector_store_idx %arg13[%add3A_570, %add3A_557], %gather3A_572 : memref<64x128xf32, #tpu.memory_space<vmem>>[vector<16xi32>, vector<16xi32>], vector<16xf32>,
        %add3A_573 = arith.constant 32 : i32
        %add3A_574 = vector.broadcast %add3A_573 : i32 to vector<16xi32>
        %add3A_575 = arith.addi %add3A_574, %iota3A : vector<16xi32>
        %gather3A_576 = tpu.vector_load_idx %arg10[%add3A_575, %add3A_562] : memref<64x128xf32, #tpu.memory_space<vmem>>[vector<16xi32>, vector<16xi32>], vector<16xf32>,
        tpu.vector_store_idx %arg12[%add3A_575, %add3A_557], %gather3A_576 : memref<64x128xf32, #tpu.memory_space<vmem>>[vector<16xi32>, vector<16xi32>], vector<16xf32>,
        %gather3A_577 = tpu.vector_load_idx %arg11[%add3A_575, %add3A_562] : memref<64x128xf32, #tpu.memory_space<vmem>>[vector<16xi32>, vector<16xi32>], vector<16xf32>,
        tpu.vector_store_idx %arg13[%add3A_575, %add3A_557], %gather3A_577 : memref<64x128xf32, #tpu.memory_space<vmem>>[vector<16xi32>, vector<16xi32>], vector<16xf32>,
        %add3A_578 = arith.constant 48 : i32
        %add3A_579 = vector.broadcast %add3A_578 : i32 to vector<16xi32>
        %add3A_580 = arith.addi %add3A_579, %iota3A : vector<16xi32>
        %gather3A_581 = tpu.vector_load_idx %arg10[%add3A_580, %add3A_562] : memref<64x128xf32, #tpu.memory_space<vmem>>[vector<16xi32>, vector<16xi32>], vector<16xf32>,
        tpu.vector_store_idx %arg12[%add3A_580, %add3A_557], %gather3A_581 : memref<64x128xf32, #tpu.memory_space<vmem>>[vector<16xi32>, vector<16xi32>], vector<16xf32>,
        %gather3A_582 = tpu.vector_load_idx %arg11[%add3A_580, %add3A_562] : memref<64x128xf32, #tpu.memory_space<vmem>>[vector<16xi32>, vector<16xi32>], vector<16xf32>,
        tpu.vector_store_idx %arg13[%add3A_580, %add3A_557], %gather3A_582 : memref<64x128xf32, #tpu.memory_space<vmem>>[vector<16xi32>, vector<16xi32>], vector<16xf32>,
        %slice3A_583 = vector.extract_strided_slice %min3A_88 {offsets = [5], sizes = [1], strides = [1]} : vector<16xi32> to vector<1xi32>
        %squeeze3A_584 = vector.extract %slice3A_583[0] : i32 from vector<1xi32>
        %jit3A_585 = arith.constant 128 : i32
        %div3A_586 = arith.divsi %squeeze3A_584, %jit3A_585 : i32
        %sign3A_587 = arith.constant 0 : i32
        %sign3A_588 = arith.cmpi sgt, %squeeze3A_584, %sign3A_587 : i32
        %sign3A_589 = arith.extui %sign3A_588 : i1 to i32
        %sign3A_590 = arith.constant 0 : i32
        %sign3A_591 = arith.cmpi slt, %squeeze3A_584, %sign3A_590 : i32
        %sign3A_592 = arith.extui %sign3A_591 : i1 to i32
        %sign3A_593 = arith.subi %sign3A_589, %sign3A_592 : i32
        %sign3A_594 = arith.constant 0 : i32
        %sign3A_595 = arith.cmpi sgt, %jit3A_585, %sign3A_594 : i32
        %sign3A_596 = arith.extui %sign3A_595 : i1 to i32
        %sign3A_597 = arith.constant 0 : i32
        %sign3A_598 = arith.cmpi slt, %jit3A_585, %sign3A_597 : i32
        %sign3A_599 = arith.extui %sign3A_598 : i1 to i32
        %sign3A_600 = arith.subi %sign3A_596, %sign3A_599 : i32
        %ne3A_601 = arith.cmpi ne, %sign3A_593, %sign3A_600 : i32
        %rem3A_602 = arith.remsi %squeeze3A_584, %jit3A_585 : i32
        %ne3A_603 = arith.constant 0 : i32
        %ne3A_604 = arith.cmpi ne, %rem3A_602, %ne3A_603 : i32
        %and3A_605 = arith.andi %ne3A_601, %ne3A_604 : i1
        %sub3A_606 = arith.constant 1 : i32
        %sub3A_607 = arith.subi %div3A_586, %sub3A_606 : i32
        %select_n3A_608 = arith.select %and3A_605, %sub3A_607, %div3A_586 : i32
        %mul3A_609 = arith.constant 128 : i32
        %mul3A_610 = arith.muli %select_n3A_608, %mul3A_609 : i32
        %multiple_of3A_611 = tpu.assume_multiple %mul3A_610, 128 : i32
        %ne3A_612 = arith.cmpi ne, %multiple_of3A_611, %multiple_of3A_512 : i32
        %convert_element_type3A_613 = arith.extui %ne3A_612 : i1 to i32
        %cond3A_614 = arith.constant 0 : i32
        %cond3A_615 = arith.cmpi ne, %convert_element_type3A_613, %cond3A_614 : i32
        scf.if %cond3A_615 {
          "tpu.region"() ({
            %run_scoped3A = tpu.sem_alloc : memref<!tpu.dma_semaphore, #tpu.memory_space<semaphore_mem>>
            %dma_start3A = arith.constant 0 : i32
            %dma_start3A_1693 = tpu.memref_slice %arg2[%dma_start3A, %multiple_of3A_611] : memref<64x131072xf32, #tpu.memory_space<hbm>> -> memref<64x128xf32, #tpu.memory_space<hbm>>
            %dma_start3A_1694 = arith.constant 0 : i32
            %dma_start3A_1695 = tpu.memref_slice %arg2[%dma_start3A_1694, %multiple_of3A_611] : memref<64x131072xf32, #tpu.memory_space<hbm>> -> memref<64x128xf32, #tpu.memory_space<hbm>>
            tpu.enqueue_dma source(%dma_start3A_1695 : memref<64x128xf32, #tpu.memory_space<hbm>>) target(%arg10 : memref<64x128xf32, #tpu.memory_space<vmem>>) target_semaphore(%run_scoped3A : memref<!tpu.dma_semaphore, #tpu.memory_space<semaphore_mem>>)
            %dma_wait3A = arith.constant 0 : i32
            %dma_wait3A_1696 = tpu.memref_slice %arg2[%dma_wait3A, %multiple_of3A_611] : memref<64x131072xf32, #tpu.memory_space<hbm>> -> memref<64x128xf32, #tpu.memory_space<hbm>>
            %dma_wait3A_1697 = arith.constant 0 : i32
            %dma_wait3A_1698 = tpu.memref_slice %arg2[%dma_wait3A_1697, %multiple_of3A_611] : memref<64x131072xf32, #tpu.memory_space<hbm>> -> memref<64x128xf32, #tpu.memory_space<hbm>>
            tpu.wait_dma2 semaphore(%run_scoped3A : memref<!tpu.dma_semaphore, #tpu.memory_space<semaphore_mem>>) src(%dma_wait3A_1698 : memref<64x128xf32, #tpu.memory_space<hbm>>) dst(%arg10 : memref<64x128xf32, #tpu.memory_space<vmem>>)
            tpu.yield
          }) : () -> ()
          "tpu.region"() ({
            %run_scoped3A = tpu.sem_alloc : memref<!tpu.dma_semaphore, #tpu.memory_space<semaphore_mem>>
            %dma_start3A = arith.constant 0 : i32
            %dma_start3A_1693 = tpu.memref_slice %arg3[%dma_start3A, %multiple_of3A_611] : memref<64x131072xf32, #tpu.memory_space<hbm>> -> memref<64x128xf32, #tpu.memory_space<hbm>>
            %dma_start3A_1694 = arith.constant 0 : i32
            %dma_start3A_1695 = tpu.memref_slice %arg3[%dma_start3A_1694, %multiple_of3A_611] : memref<64x131072xf32, #tpu.memory_space<hbm>> -> memref<64x128xf32, #tpu.memory_space<hbm>>
            tpu.enqueue_dma source(%dma_start3A_1695 : memref<64x128xf32, #tpu.memory_space<hbm>>) target(%arg11 : memref<64x128xf32, #tpu.memory_space<vmem>>) target_semaphore(%run_scoped3A : memref<!tpu.dma_semaphore, #tpu.memory_space<semaphore_mem>>)
            %dma_wait3A = arith.constant 0 : i32
            %dma_wait3A_1696 = tpu.memref_slice %arg3[%dma_wait3A, %multiple_of3A_611] : memref<64x131072xf32, #tpu.memory_space<hbm>> -> memref<64x128xf32, #tpu.memory_space<hbm>>
            %dma_wait3A_1697 = arith.constant 0 : i32
            %dma_wait3A_1698 = tpu.memref_slice %arg3[%dma_wait3A_1697, %multiple_of3A_611] : memref<64x131072xf32, #tpu.memory_space<hbm>> -> memref<64x128xf32, #tpu.memory_space<hbm>>
            tpu.wait_dma2 semaphore(%run_scoped3A : memref<!tpu.dma_semaphore, #tpu.memory_space<semaphore_mem>>) src(%dma_wait3A_1698 : memref<64x128xf32, #tpu.memory_space<hbm>>) dst(%arg11 : memref<64x128xf32, #tpu.memory_space<vmem>>)
            tpu.yield
          }) : () -> ()
        } else {
        }
        %jit3A_616 = arith.constant 128 : i32
        %eq3A_617 = arith.constant 0 : i32
        %eq3A_618 = arith.cmpi eq, %jit3A_616, %eq3A_617 : i32
        %jit3A_619 = arith.constant 1 : i32
        %select_n3A_620 = arith.select %eq3A_618, %jit3A_619, %jit3A_616 : i32
        %rem3A_621 = arith.remsi %squeeze3A_584, %select_n3A_620 : i32
        %ne3A_622 = arith.constant 0 : i32
        %ne3A_623 = arith.cmpi ne, %rem3A_621, %ne3A_622 : i32
        %lt3A_624 = arith.constant 0 : i32
        %lt3A_625 = arith.cmpi slt, %rem3A_621, %lt3A_624 : i32
        %lt3A_626 = arith.constant 0 : i32
        %lt3A_627 = arith.cmpi slt, %select_n3A_620, %lt3A_626 : i32
        %ne3A_628 = arith.xori %lt3A_625, %lt3A_627 : i1
        %and3A_629 = arith.andi %ne3A_628, %ne3A_623 : i1
        %add3A_630 = arith.addi %rem3A_621, %select_n3A_620 : i32
        %select_n3A_631 = arith.select %and3A_629, %add3A_630, %rem3A_621 : i32
        %jit3A_632 = arith.constant 8 : i32
        %eq3A_633 = arith.constant 0 : i32
        %eq3A_634 = arith.cmpi eq, %jit3A_632, %eq3A_633 : i32
        %jit3A_635 = arith.constant 1 : i32
        %select_n3A_636 = arith.select %eq3A_634, %jit3A_635, %jit3A_632 : i32
        %rem3A_637 = arith.remsi %scan3A_79, %select_n3A_636 : i32
        %ne3A_638 = arith.constant 0 : i32
        %ne3A_639 = arith.cmpi ne, %rem3A_637, %ne3A_638 : i32
        %lt3A_640 = arith.constant 0 : i32
        %lt3A_641 = arith.cmpi slt, %rem3A_637, %lt3A_640 : i32
        %lt3A_642 = arith.constant 0 : i32
        %lt3A_643 = arith.cmpi slt, %select_n3A_636, %lt3A_642 : i32
        %ne3A_644 = arith.xori %lt3A_641, %lt3A_643 : i1
        %and3A_645 = arith.andi %ne3A_644, %ne3A_639 : i1
        %add3A_646 = arith.addi %rem3A_637, %select_n3A_636 : i32
        %select_n3A_647 = arith.select %and3A_645, %add3A_646, %rem3A_637 : i32
        %mul3A_648 = arith.constant 16 : i32
        %mul3A_649 = arith.muli %select_n3A_647, %mul3A_648 : i32
        %add3A_650 = arith.constant 5 : i32
        %add3A_651 = arith.addi %mul3A_649, %add3A_650 : i32
        %mul3A_652 = arith.constant 0 : i32
        %mul3A_653 = vector.broadcast %mul3A_652 : i32 to vector<16xi32>
        %mul3A_654 = arith.muli %mul3A_653, %iota3A : vector<16xi32>
        %add3A_655 = vector.broadcast %add3A_651 : i32 to vector<16xi32>
        %add3A_656 = arith.addi %add3A_655, %mul3A_654 : vector<16xi32>
        %mul3A_657 = arith.constant 0 : i32
        %mul3A_658 = vector.broadcast %mul3A_657 : i32 to vector<16xi32>
        %mul3A_659 = arith.muli %mul3A_658, %iota3A : vector<16xi32>
        %add3A_660 = vector.broadcast %select_n3A_631 : i32 to vector<16xi32>
        %add3A_661 = arith.addi %add3A_660, %mul3A_659 : vector<16xi32>
        %add3A_662 = arith.constant 0 : i32
        %add3A_663 = vector.broadcast %add3A_662 : i32 to vector<16xi32>
        %add3A_664 = arith.addi %add3A_663, %iota3A : vector<16xi32>
        %gather3A_665 = tpu.vector_load_idx %arg10[%add3A_664, %add3A_661] : memref<64x128xf32, #tpu.memory_space<vmem>>[vector<16xi32>, vector<16xi32>], vector<16xf32>,
        tpu.vector_store_idx %arg12[%add3A_664, %add3A_656], %gather3A_665 : memref<64x128xf32, #tpu.memory_space<vmem>>[vector<16xi32>, vector<16xi32>], vector<16xf32>,
        %gather3A_666 = tpu.vector_load_idx %arg11[%add3A_664, %add3A_661] : memref<64x128xf32, #tpu.memory_space<vmem>>[vector<16xi32>, vector<16xi32>], vector<16xf32>,
        tpu.vector_store_idx %arg13[%add3A_664, %add3A_656], %gather3A_666 : memref<64x128xf32, #tpu.memory_space<vmem>>[vector<16xi32>, vector<16xi32>], vector<16xf32>,
        %add3A_667 = arith.constant 16 : i32
        %add3A_668 = vector.broadcast %add3A_667 : i32 to vector<16xi32>
        %add3A_669 = arith.addi %add3A_668, %iota3A : vector<16xi32>
        %gather3A_670 = tpu.vector_load_idx %arg10[%add3A_669, %add3A_661] : memref<64x128xf32, #tpu.memory_space<vmem>>[vector<16xi32>, vector<16xi32>], vector<16xf32>,
        tpu.vector_store_idx %arg12[%add3A_669, %add3A_656], %gather3A_670 : memref<64x128xf32, #tpu.memory_space<vmem>>[vector<16xi32>, vector<16xi32>], vector<16xf32>,
        %gather3A_671 = tpu.vector_load_idx %arg11[%add3A_669, %add3A_661] : memref<64x128xf32, #tpu.memory_space<vmem>>[vector<16xi32>, vector<16xi32>], vector<16xf32>,
        tpu.vector_store_idx %arg13[%add3A_669, %add3A_656], %gather3A_671 : memref<64x128xf32, #tpu.memory_space<vmem>>[vector<16xi32>, vector<16xi32>], vector<16xf32>,
        %add3A_672 = arith.constant 32 : i32
        %add3A_673 = vector.broadcast %add3A_672 : i32 to vector<16xi32>
        %add3A_674 = arith.addi %add3A_673, %iota3A : vector<16xi32>
        %gather3A_675 = tpu.vector_load_idx %arg10[%add3A_674, %add3A_661] : memref<64x128xf32, #tpu.memory_space<vmem>>[vector<16xi32>, vector<16xi32>], vector<16xf32>,
        tpu.vector_store_idx %arg12[%add3A_674, %add3A_656], %gather3A_675 : memref<64x128xf32, #tpu.memory_space<vmem>>[vector<16xi32>, vector<16xi32>], vector<16xf32>,
        %gather3A_676 = tpu.vector_load_idx %arg11[%add3A_674, %add3A_661] : memref<64x128xf32, #tpu.memory_space<vmem>>[vector<16xi32>, vector<16xi32>], vector<16xf32>,
        tpu.vector_store_idx %arg13[%add3A_674, %add3A_656], %gather3A_676 : memref<64x128xf32, #tpu.memory_space<vmem>>[vector<16xi32>, vector<16xi32>], vector<16xf32>,
        %add3A_677 = arith.constant 48 : i32
        %add3A_678 = vector.broadcast %add3A_677 : i32 to vector<16xi32>
        %add3A_679 = arith.addi %add3A_678, %iota3A : vector<16xi32>
        %gather3A_680 = tpu.vector_load_idx %arg10[%add3A_679, %add3A_661] : memref<64x128xf32, #tpu.memory_space<vmem>>[vector<16xi32>, vector<16xi32>], vector<16xf32>,
        tpu.vector_store_idx %arg12[%add3A_679, %add3A_656], %gather3A_680 : memref<64x128xf32, #tpu.memory_space<vmem>>[vector<16xi32>, vector<16xi32>], vector<16xf32>,
        %gather3A_681 = tpu.vector_load_idx %arg11[%add3A_679, %add3A_661] : memref<64x128xf32, #tpu.memory_space<vmem>>[vector<16xi32>, vector<16xi32>], vector<16xf32>,
        tpu.vector_store_idx %arg13[%add3A_679, %add3A_656], %gather3A_681 : memref<64x128xf32, #tpu.memory_space<vmem>>[vector<16xi32>, vector<16xi32>], vector<16xf32>,
        %slice3A_682 = vector.extract_strided_slice %min3A_88 {offsets = [6], sizes = [1], strides = [1]} : vector<16xi32> to vector<1xi32>
        %squeeze3A_683 = vector.extract %slice3A_682[0] : i32 from vector<1xi32>
        %jit3A_684 = arith.constant 128 : i32
        %div3A_685 = arith.divsi %squeeze3A_683, %jit3A_684 : i32
        %sign3A_686 = arith.constant 0 : i32
        %sign3A_687 = arith.cmpi sgt, %squeeze3A_683, %sign3A_686 : i32
        %sign3A_688 = arith.extui %sign3A_687 : i1 to i32
        %sign3A_689 = arith.constant 0 : i32
        %sign3A_690 = arith.cmpi slt, %squeeze3A_683, %sign3A_689 : i32
        %sign3A_691 = arith.extui %sign3A_690 : i1 to i32
        %sign3A_692 = arith.subi %sign3A_688, %sign3A_691 : i32
        %sign3A_693 = arith.constant 0 : i32
        %sign3A_694 = arith.cmpi sgt, %jit3A_684, %sign3A_693 : i32
        %sign3A_695 = arith.extui %sign3A_694 : i1 to i32
        %sign3A_696 = arith.constant 0 : i32
        %sign3A_697 = arith.cmpi slt, %jit3A_684, %sign3A_696 : i32
        %sign3A_698 = arith.extui %sign3A_697 : i1 to i32
        %sign3A_699 = arith.subi %sign3A_695, %sign3A_698 : i32
        %ne3A_700 = arith.cmpi ne, %sign3A_692, %sign3A_699 : i32
        %rem3A_701 = arith.remsi %squeeze3A_683, %jit3A_684 : i32
        %ne3A_702 = arith.constant 0 : i32
        %ne3A_703 = arith.cmpi ne, %rem3A_701, %ne3A_702 : i32
        %and3A_704 = arith.andi %ne3A_700, %ne3A_703 : i1
        %sub3A_705 = arith.constant 1 : i32
        %sub3A_706 = arith.subi %div3A_685, %sub3A_705 : i32
        %select_n3A_707 = arith.select %and3A_704, %sub3A_706, %div3A_685 : i32
        %mul3A_708 = arith.constant 128 : i32
        %mul3A_709 = arith.muli %select_n3A_707, %mul3A_708 : i32
        %multiple_of3A_710 = tpu.assume_multiple %mul3A_709, 128 : i32
        %ne3A_711 = arith.cmpi ne, %multiple_of3A_710, %multiple_of3A_611 : i32
        %convert_element_type3A_712 = arith.extui %ne3A_711 : i1 to i32
        %cond3A_713 = arith.constant 0 : i32
        %cond3A_714 = arith.cmpi ne, %convert_element_type3A_712, %cond3A_713 : i32
        scf.if %cond3A_714 {
          "tpu.region"() ({
            %run_scoped3A = tpu.sem_alloc : memref<!tpu.dma_semaphore, #tpu.memory_space<semaphore_mem>>
            %dma_start3A = arith.constant 0 : i32
            %dma_start3A_1693 = tpu.memref_slice %arg2[%dma_start3A, %multiple_of3A_710] : memref<64x131072xf32, #tpu.memory_space<hbm>> -> memref<64x128xf32, #tpu.memory_space<hbm>>
            %dma_start3A_1694 = arith.constant 0 : i32
            %dma_start3A_1695 = tpu.memref_slice %arg2[%dma_start3A_1694, %multiple_of3A_710] : memref<64x131072xf32, #tpu.memory_space<hbm>> -> memref<64x128xf32, #tpu.memory_space<hbm>>
            tpu.enqueue_dma source(%dma_start3A_1695 : memref<64x128xf32, #tpu.memory_space<hbm>>) target(%arg10 : memref<64x128xf32, #tpu.memory_space<vmem>>) target_semaphore(%run_scoped3A : memref<!tpu.dma_semaphore, #tpu.memory_space<semaphore_mem>>)
            %dma_wait3A = arith.constant 0 : i32
            %dma_wait3A_1696 = tpu.memref_slice %arg2[%dma_wait3A, %multiple_of3A_710] : memref<64x131072xf32, #tpu.memory_space<hbm>> -> memref<64x128xf32, #tpu.memory_space<hbm>>
            %dma_wait3A_1697 = arith.constant 0 : i32
            %dma_wait3A_1698 = tpu.memref_slice %arg2[%dma_wait3A_1697, %multiple_of3A_710] : memref<64x131072xf32, #tpu.memory_space<hbm>> -> memref<64x128xf32, #tpu.memory_space<hbm>>
            tpu.wait_dma2 semaphore(%run_scoped3A : memref<!tpu.dma_semaphore, #tpu.memory_space<semaphore_mem>>) src(%dma_wait3A_1698 : memref<64x128xf32, #tpu.memory_space<hbm>>) dst(%arg10 : memref<64x128xf32, #tpu.memory_space<vmem>>)
            tpu.yield
          }) : () -> ()
          "tpu.region"() ({
            %run_scoped3A = tpu.sem_alloc : memref<!tpu.dma_semaphore, #tpu.memory_space<semaphore_mem>>
            %dma_start3A = arith.constant 0 : i32
            %dma_start3A_1693 = tpu.memref_slice %arg3[%dma_start3A, %multiple_of3A_710] : memref<64x131072xf32, #tpu.memory_space<hbm>> -> memref<64x128xf32, #tpu.memory_space<hbm>>
            %dma_start3A_1694 = arith.constant 0 : i32
            %dma_start3A_1695 = tpu.memref_slice %arg3[%dma_start3A_1694, %multiple_of3A_710] : memref<64x131072xf32, #tpu.memory_space<hbm>> -> memref<64x128xf32, #tpu.memory_space<hbm>>
            tpu.enqueue_dma source(%dma_start3A_1695 : memref<64x128xf32, #tpu.memory_space<hbm>>) target(%arg11 : memref<64x128xf32, #tpu.memory_space<vmem>>) target_semaphore(%run_scoped3A : memref<!tpu.dma_semaphore, #tpu.memory_space<semaphore_mem>>)
            %dma_wait3A = arith.constant 0 : i32
            %dma_wait3A_1696 = tpu.memref_slice %arg3[%dma_wait3A, %multiple_of3A_710] : memref<64x131072xf32, #tpu.memory_space<hbm>> -> memref<64x128xf32, #tpu.memory_space<hbm>>
            %dma_wait3A_1697 = arith.constant 0 : i32
            %dma_wait3A_1698 = tpu.memref_slice %arg3[%dma_wait3A_1697, %multiple_of3A_710] : memref<64x131072xf32, #tpu.memory_space<hbm>> -> memref<64x128xf32, #tpu.memory_space<hbm>>
            tpu.wait_dma2 semaphore(%run_scoped3A : memref<!tpu.dma_semaphore, #tpu.memory_space<semaphore_mem>>) src(%dma_wait3A_1698 : memref<64x128xf32, #tpu.memory_space<hbm>>) dst(%arg11 : memref<64x128xf32, #tpu.memory_space<vmem>>)
            tpu.yield
          }) : () -> ()
        } else {
        }
        %jit3A_715 = arith.constant 128 : i32
        %eq3A_716 = arith.constant 0 : i32
        %eq3A_717 = arith.cmpi eq, %jit3A_715, %eq3A_716 : i32
        %jit3A_718 = arith.constant 1 : i32
        %select_n3A_719 = arith.select %eq3A_717, %jit3A_718, %jit3A_715 : i32
        %rem3A_720 = arith.remsi %squeeze3A_683, %select_n3A_719 : i32
        %ne3A_721 = arith.constant 0 : i32
        %ne3A_722 = arith.cmpi ne, %rem3A_720, %ne3A_721 : i32
        %lt3A_723 = arith.constant 0 : i32
        %lt3A_724 = arith.cmpi slt, %rem3A_720, %lt3A_723 : i32
        %lt3A_725 = arith.constant 0 : i32
        %lt3A_726 = arith.cmpi slt, %select_n3A_719, %lt3A_725 : i32
        %ne3A_727 = arith.xori %lt3A_724, %lt3A_726 : i1
        %and3A_728 = arith.andi %ne3A_727, %ne3A_722 : i1
        %add3A_729 = arith.addi %rem3A_720, %select_n3A_719 : i32
        %select_n3A_730 = arith.select %and3A_728, %add3A_729, %rem3A_720 : i32
        %jit3A_731 = arith.constant 8 : i32
        %eq3A_732 = arith.constant 0 : i32
        %eq3A_733 = arith.cmpi eq, %jit3A_731, %eq3A_732 : i32
        %jit3A_734 = arith.constant 1 : i32
        %select_n3A_735 = arith.select %eq3A_733, %jit3A_734, %jit3A_731 : i32
        %rem3A_736 = arith.remsi %scan3A_79, %select_n3A_735 : i32
        %ne3A_737 = arith.constant 0 : i32
        %ne3A_738 = arith.cmpi ne, %rem3A_736, %ne3A_737 : i32
        %lt3A_739 = arith.constant 0 : i32
        %lt3A_740 = arith.cmpi slt, %rem3A_736, %lt3A_739 : i32
        %lt3A_741 = arith.constant 0 : i32
        %lt3A_742 = arith.cmpi slt, %select_n3A_735, %lt3A_741 : i32
        %ne3A_743 = arith.xori %lt3A_740, %lt3A_742 : i1
        %and3A_744 = arith.andi %ne3A_743, %ne3A_738 : i1
        %add3A_745 = arith.addi %rem3A_736, %select_n3A_735 : i32
        %select_n3A_746 = arith.select %and3A_744, %add3A_745, %rem3A_736 : i32
        %mul3A_747 = arith.constant 16 : i32
        %mul3A_748 = arith.muli %select_n3A_746, %mul3A_747 : i32
        %add3A_749 = arith.constant 6 : i32
        %add3A_750 = arith.addi %mul3A_748, %add3A_749 : i32
        %mul3A_751 = arith.constant 0 : i32
        %mul3A_752 = vector.broadcast %mul3A_751 : i32 to vector<16xi32>
        %mul3A_753 = arith.muli %mul3A_752, %iota3A : vector<16xi32>
        %add3A_754 = vector.broadcast %add3A_750 : i32 to vector<16xi32>
        %add3A_755 = arith.addi %add3A_754, %mul3A_753 : vector<16xi32>
        %mul3A_756 = arith.constant 0 : i32
        %mul3A_757 = vector.broadcast %mul3A_756 : i32 to vector<16xi32>
        %mul3A_758 = arith.muli %mul3A_757, %iota3A : vector<16xi32>
        %add3A_759 = vector.broadcast %select_n3A_730 : i32 to vector<16xi32>
        %add3A_760 = arith.addi %add3A_759, %mul3A_758 : vector<16xi32>
        %add3A_761 = arith.constant 0 : i32
        %add3A_762 = vector.broadcast %add3A_761 : i32 to vector<16xi32>
        %add3A_763 = arith.addi %add3A_762, %iota3A : vector<16xi32>
        %gather3A_764 = tpu.vector_load_idx %arg10[%add3A_763, %add3A_760] : memref<64x128xf32, #tpu.memory_space<vmem>>[vector<16xi32>, vector<16xi32>], vector<16xf32>,
        tpu.vector_store_idx %arg12[%add3A_763, %add3A_755], %gather3A_764 : memref<64x128xf32, #tpu.memory_space<vmem>>[vector<16xi32>, vector<16xi32>], vector<16xf32>,
        %gather3A_765 = tpu.vector_load_idx %arg11[%add3A_763, %add3A_760] : memref<64x128xf32, #tpu.memory_space<vmem>>[vector<16xi32>, vector<16xi32>], vector<16xf32>,
        tpu.vector_store_idx %arg13[%add3A_763, %add3A_755], %gather3A_765 : memref<64x128xf32, #tpu.memory_space<vmem>>[vector<16xi32>, vector<16xi32>], vector<16xf32>,
        %add3A_766 = arith.constant 16 : i32
        %add3A_767 = vector.broadcast %add3A_766 : i32 to vector<16xi32>
        %add3A_768 = arith.addi %add3A_767, %iota3A : vector<16xi32>
        %gather3A_769 = tpu.vector_load_idx %arg10[%add3A_768, %add3A_760] : memref<64x128xf32, #tpu.memory_space<vmem>>[vector<16xi32>, vector<16xi32>], vector<16xf32>,
        tpu.vector_store_idx %arg12[%add3A_768, %add3A_755], %gather3A_769 : memref<64x128xf32, #tpu.memory_space<vmem>>[vector<16xi32>, vector<16xi32>], vector<16xf32>,
        %gather3A_770 = tpu.vector_load_idx %arg11[%add3A_768, %add3A_760] : memref<64x128xf32, #tpu.memory_space<vmem>>[vector<16xi32>, vector<16xi32>], vector<16xf32>,
        tpu.vector_store_idx %arg13[%add3A_768, %add3A_755], %gather3A_770 : memref<64x128xf32, #tpu.memory_space<vmem>>[vector<16xi32>, vector<16xi32>], vector<16xf32>,
        %add3A_771 = arith.constant 32 : i32
        %add3A_772 = vector.broadcast %add3A_771 : i32 to vector<16xi32>
        %add3A_773 = arith.addi %add3A_772, %iota3A : vector<16xi32>
        %gather3A_774 = tpu.vector_load_idx %arg10[%add3A_773, %add3A_760] : memref<64x128xf32, #tpu.memory_space<vmem>>[vector<16xi32>, vector<16xi32>], vector<16xf32>,
        tpu.vector_store_idx %arg12[%add3A_773, %add3A_755], %gather3A_774 : memref<64x128xf32, #tpu.memory_space<vmem>>[vector<16xi32>, vector<16xi32>], vector<16xf32>,
        %gather3A_775 = tpu.vector_load_idx %arg11[%add3A_773, %add3A_760] : memref<64x128xf32, #tpu.memory_space<vmem>>[vector<16xi32>, vector<16xi32>], vector<16xf32>,
        tpu.vector_store_idx %arg13[%add3A_773, %add3A_755], %gather3A_775 : memref<64x128xf32, #tpu.memory_space<vmem>>[vector<16xi32>, vector<16xi32>], vector<16xf32>,
        %add3A_776 = arith.constant 48 : i32
        %add3A_777 = vector.broadcast %add3A_776 : i32 to vector<16xi32>
        %add3A_778 = arith.addi %add3A_777, %iota3A : vector<16xi32>
        %gather3A_779 = tpu.vector_load_idx %arg10[%add3A_778, %add3A_760] : memref<64x128xf32, #tpu.memory_space<vmem>>[vector<16xi32>, vector<16xi32>], vector<16xf32>,
        tpu.vector_store_idx %arg12[%add3A_778, %add3A_755], %gather3A_779 : memref<64x128xf32, #tpu.memory_space<vmem>>[vector<16xi32>, vector<16xi32>], vector<16xf32>,
        %gather3A_780 = tpu.vector_load_idx %arg11[%add3A_778, %add3A_760] : memref<64x128xf32, #tpu.memory_space<vmem>>[vector<16xi32>, vector<16xi32>], vector<16xf32>,
        tpu.vector_store_idx %arg13[%add3A_778, %add3A_755], %gather3A_780 : memref<64x128xf32, #tpu.memory_space<vmem>>[vector<16xi32>, vector<16xi32>], vector<16xf32>,
        %slice3A_781 = vector.extract_strided_slice %min3A_88 {offsets = [7], sizes = [1], strides = [1]} : vector<16xi32> to vector<1xi32>
        %squeeze3A_782 = vector.extract %slice3A_781[0] : i32 from vector<1xi32>
        %jit3A_783 = arith.constant 128 : i32
        %div3A_784 = arith.divsi %squeeze3A_782, %jit3A_783 : i32
        %sign3A_785 = arith.constant 0 : i32
        %sign3A_786 = arith.cmpi sgt, %squeeze3A_782, %sign3A_785 : i32
        %sign3A_787 = arith.extui %sign3A_786 : i1 to i32
        %sign3A_788 = arith.constant 0 : i32
        %sign3A_789 = arith.cmpi slt, %squeeze3A_782, %sign3A_788 : i32
        %sign3A_790 = arith.extui %sign3A_789 : i1 to i32
        %sign3A_791 = arith.subi %sign3A_787, %sign3A_790 : i32
        %sign3A_792 = arith.constant 0 : i32
        %sign3A_793 = arith.cmpi sgt, %jit3A_783, %sign3A_792 : i32
        %sign3A_794 = arith.extui %sign3A_793 : i1 to i32
        %sign3A_795 = arith.constant 0 : i32
        %sign3A_796 = arith.cmpi slt, %jit3A_783, %sign3A_795 : i32
        %sign3A_797 = arith.extui %sign3A_796 : i1 to i32
        %sign3A_798 = arith.subi %sign3A_794, %sign3A_797 : i32
        %ne3A_799 = arith.cmpi ne, %sign3A_791, %sign3A_798 : i32
        %rem3A_800 = arith.remsi %squeeze3A_782, %jit3A_783 : i32
        %ne3A_801 = arith.constant 0 : i32
        %ne3A_802 = arith.cmpi ne, %rem3A_800, %ne3A_801 : i32
        %and3A_803 = arith.andi %ne3A_799, %ne3A_802 : i1
        %sub3A_804 = arith.constant 1 : i32
        %sub3A_805 = arith.subi %div3A_784, %sub3A_804 : i32
        %select_n3A_806 = arith.select %and3A_803, %sub3A_805, %div3A_784 : i32
        %mul3A_807 = arith.constant 128 : i32
        %mul3A_808 = arith.muli %select_n3A_806, %mul3A_807 : i32
        %multiple_of3A_809 = tpu.assume_multiple %mul3A_808, 128 : i32
        %ne3A_810 = arith.cmpi ne, %multiple_of3A_809, %multiple_of3A_710 : i32
        %convert_element_type3A_811 = arith.extui %ne3A_810 : i1 to i32
        %cond3A_812 = arith.constant 0 : i32
        %cond3A_813 = arith.cmpi ne, %convert_element_type3A_811, %cond3A_812 : i32
        scf.if %cond3A_813 {
          "tpu.region"() ({
            %run_scoped3A = tpu.sem_alloc : memref<!tpu.dma_semaphore, #tpu.memory_space<semaphore_mem>>
            %dma_start3A = arith.constant 0 : i32
            %dma_start3A_1693 = tpu.memref_slice %arg2[%dma_start3A, %multiple_of3A_809] : memref<64x131072xf32, #tpu.memory_space<hbm>> -> memref<64x128xf32, #tpu.memory_space<hbm>>
            %dma_start3A_1694 = arith.constant 0 : i32
            %dma_start3A_1695 = tpu.memref_slice %arg2[%dma_start3A_1694, %multiple_of3A_809] : memref<64x131072xf32, #tpu.memory_space<hbm>> -> memref<64x128xf32, #tpu.memory_space<hbm>>
            tpu.enqueue_dma source(%dma_start3A_1695 : memref<64x128xf32, #tpu.memory_space<hbm>>) target(%arg10 : memref<64x128xf32, #tpu.memory_space<vmem>>) target_semaphore(%run_scoped3A : memref<!tpu.dma_semaphore, #tpu.memory_space<semaphore_mem>>)
            %dma_wait3A = arith.constant 0 : i32
            %dma_wait3A_1696 = tpu.memref_slice %arg2[%dma_wait3A, %multiple_of3A_809] : memref<64x131072xf32, #tpu.memory_space<hbm>> -> memref<64x128xf32, #tpu.memory_space<hbm>>
            %dma_wait3A_1697 = arith.constant 0 : i32
            %dma_wait3A_1698 = tpu.memref_slice %arg2[%dma_wait3A_1697, %multiple_of3A_809] : memref<64x131072xf32, #tpu.memory_space<hbm>> -> memref<64x128xf32, #tpu.memory_space<hbm>>
            tpu.wait_dma2 semaphore(%run_scoped3A : memref<!tpu.dma_semaphore, #tpu.memory_space<semaphore_mem>>) src(%dma_wait3A_1698 : memref<64x128xf32, #tpu.memory_space<hbm>>) dst(%arg10 : memref<64x128xf32, #tpu.memory_space<vmem>>)
            tpu.yield
          }) : () -> ()
          "tpu.region"() ({
            %run_scoped3A = tpu.sem_alloc : memref<!tpu.dma_semaphore, #tpu.memory_space<semaphore_mem>>
            %dma_start3A = arith.constant 0 : i32
            %dma_start3A_1693 = tpu.memref_slice %arg3[%dma_start3A, %multiple_of3A_809] : memref<64x131072xf32, #tpu.memory_space<hbm>> -> memref<64x128xf32, #tpu.memory_space<hbm>>
            %dma_start3A_1694 = arith.constant 0 : i32
            %dma_start3A_1695 = tpu.memref_slice %arg3[%dma_start3A_1694, %multiple_of3A_809] : memref<64x131072xf32, #tpu.memory_space<hbm>> -> memref<64x128xf32, #tpu.memory_space<hbm>>
            tpu.enqueue_dma source(%dma_start3A_1695 : memref<64x128xf32, #tpu.memory_space<hbm>>) target(%arg11 : memref<64x128xf32, #tpu.memory_space<vmem>>) target_semaphore(%run_scoped3A : memref<!tpu.dma_semaphore, #tpu.memory_space<semaphore_mem>>)
            %dma_wait3A = arith.constant 0 : i32
            %dma_wait3A_1696 = tpu.memref_slice %arg3[%dma_wait3A, %multiple_of3A_809] : memref<64x131072xf32, #tpu.memory_space<hbm>> -> memref<64x128xf32, #tpu.memory_space<hbm>>
            %dma_wait3A_1697 = arith.constant 0 : i32
            %dma_wait3A_1698 = tpu.memref_slice %arg3[%dma_wait3A_1697, %multiple_of3A_809] : memref<64x131072xf32, #tpu.memory_space<hbm>> -> memref<64x128xf32, #tpu.memory_space<hbm>>
            tpu.wait_dma2 semaphore(%run_scoped3A : memref<!tpu.dma_semaphore, #tpu.memory_space<semaphore_mem>>) src(%dma_wait3A_1698 : memref<64x128xf32, #tpu.memory_space<hbm>>) dst(%arg11 : memref<64x128xf32, #tpu.memory_space<vmem>>)
            tpu.yield
          }) : () -> ()
        } else {
        }
        %jit3A_814 = arith.constant 128 : i32
        %eq3A_815 = arith.constant 0 : i32
        %eq3A_816 = arith.cmpi eq, %jit3A_814, %eq3A_815 : i32
        %jit3A_817 = arith.constant 1 : i32
        %select_n3A_818 = arith.select %eq3A_816, %jit3A_817, %jit3A_814 : i32
        %rem3A_819 = arith.remsi %squeeze3A_782, %select_n3A_818 : i32
        %ne3A_820 = arith.constant 0 : i32
        %ne3A_821 = arith.cmpi ne, %rem3A_819, %ne3A_820 : i32
        %lt3A_822 = arith.constant 0 : i32
        %lt3A_823 = arith.cmpi slt, %rem3A_819, %lt3A_822 : i32
        %lt3A_824 = arith.constant 0 : i32
        %lt3A_825 = arith.cmpi slt, %select_n3A_818, %lt3A_824 : i32
        %ne3A_826 = arith.xori %lt3A_823, %lt3A_825 : i1
        %and3A_827 = arith.andi %ne3A_826, %ne3A_821 : i1
        %add3A_828 = arith.addi %rem3A_819, %select_n3A_818 : i32
        %select_n3A_829 = arith.select %and3A_827, %add3A_828, %rem3A_819 : i32
        %jit3A_830 = arith.constant 8 : i32
        %eq3A_831 = arith.constant 0 : i32
        %eq3A_832 = arith.cmpi eq, %jit3A_830, %eq3A_831 : i32
        %jit3A_833 = arith.constant 1 : i32
        %select_n3A_834 = arith.select %eq3A_832, %jit3A_833, %jit3A_830 : i32
        %rem3A_835 = arith.remsi %scan3A_79, %select_n3A_834 : i32
        %ne3A_836 = arith.constant 0 : i32
        %ne3A_837 = arith.cmpi ne, %rem3A_835, %ne3A_836 : i32
        %lt3A_838 = arith.constant 0 : i32
        %lt3A_839 = arith.cmpi slt, %rem3A_835, %lt3A_838 : i32
        %lt3A_840 = arith.constant 0 : i32
        %lt3A_841 = arith.cmpi slt, %select_n3A_834, %lt3A_840 : i32
        %ne3A_842 = arith.xori %lt3A_839, %lt3A_841 : i1
        %and3A_843 = arith.andi %ne3A_842, %ne3A_837 : i1
        %add3A_844 = arith.addi %rem3A_835, %select_n3A_834 : i32
        %select_n3A_845 = arith.select %and3A_843, %add3A_844, %rem3A_835 : i32
        %mul3A_846 = arith.constant 16 : i32
        %mul3A_847 = arith.muli %select_n3A_845, %mul3A_846 : i32
        %add3A_848 = arith.constant 7 : i32
        %add3A_849 = arith.addi %mul3A_847, %add3A_848 : i32
        %mul3A_850 = arith.constant 0 : i32
        %mul3A_851 = vector.broadcast %mul3A_850 : i32 to vector<16xi32>
        %mul3A_852 = arith.muli %mul3A_851, %iota3A : vector<16xi32>
        %add3A_853 = vector.broadcast %add3A_849 : i32 to vector<16xi32>
        %add3A_854 = arith.addi %add3A_853, %mul3A_852 : vector<16xi32>
        %mul3A_855 = arith.constant 0 : i32
        %mul3A_856 = vector.broadcast %mul3A_855 : i32 to vector<16xi32>
        %mul3A_857 = arith.muli %mul3A_856, %iota3A : vector<16xi32>
        %add3A_858 = vector.broadcast %select_n3A_829 : i32 to vector<16xi32>
        %add3A_859 = arith.addi %add3A_858, %mul3A_857 : vector<16xi32>
        %add3A_860 = arith.constant 0 : i32
        %add3A_861 = vector.broadcast %add3A_860 : i32 to vector<16xi32>
        %add3A_862 = arith.addi %add3A_861, %iota3A : vector<16xi32>
        %gather3A_863 = tpu.vector_load_idx %arg10[%add3A_862, %add3A_859] : memref<64x128xf32, #tpu.memory_space<vmem>>[vector<16xi32>, vector<16xi32>], vector<16xf32>,
        tpu.vector_store_idx %arg12[%add3A_862, %add3A_854], %gather3A_863 : memref<64x128xf32, #tpu.memory_space<vmem>>[vector<16xi32>, vector<16xi32>], vector<16xf32>,
        %gather3A_864 = tpu.vector_load_idx %arg11[%add3A_862, %add3A_859] : memref<64x128xf32, #tpu.memory_space<vmem>>[vector<16xi32>, vector<16xi32>], vector<16xf32>,
        tpu.vector_store_idx %arg13[%add3A_862, %add3A_854], %gather3A_864 : memref<64x128xf32, #tpu.memory_space<vmem>>[vector<16xi32>, vector<16xi32>], vector<16xf32>,
        %add3A_865 = arith.constant 16 : i32
        %add3A_866 = vector.broadcast %add3A_865 : i32 to vector<16xi32>
        %add3A_867 = arith.addi %add3A_866, %iota3A : vector<16xi32>
        %gather3A_868 = tpu.vector_load_idx %arg10[%add3A_867, %add3A_859] : memref<64x128xf32, #tpu.memory_space<vmem>>[vector<16xi32>, vector<16xi32>], vector<16xf32>,
        tpu.vector_store_idx %arg12[%add3A_867, %add3A_854], %gather3A_868 : memref<64x128xf32, #tpu.memory_space<vmem>>[vector<16xi32>, vector<16xi32>], vector<16xf32>,
        %gather3A_869 = tpu.vector_load_idx %arg11[%add3A_867, %add3A_859] : memref<64x128xf32, #tpu.memory_space<vmem>>[vector<16xi32>, vector<16xi32>], vector<16xf32>,
        tpu.vector_store_idx %arg13[%add3A_867, %add3A_854], %gather3A_869 : memref<64x128xf32, #tpu.memory_space<vmem>>[vector<16xi32>, vector<16xi32>], vector<16xf32>,
        %add3A_870 = arith.constant 32 : i32
        %add3A_871 = vector.broadcast %add3A_870 : i32 to vector<16xi32>
        %add3A_872 = arith.addi %add3A_871, %iota3A : vector<16xi32>
        %gather3A_873 = tpu.vector_load_idx %arg10[%add3A_872, %add3A_859] : memref<64x128xf32, #tpu.memory_space<vmem>>[vector<16xi32>, vector<16xi32>], vector<16xf32>,
        tpu.vector_store_idx %arg12[%add3A_872, %add3A_854], %gather3A_873 : memref<64x128xf32, #tpu.memory_space<vmem>>[vector<16xi32>, vector<16xi32>], vector<16xf32>,
        %gather3A_874 = tpu.vector_load_idx %arg11[%add3A_872, %add3A_859] : memref<64x128xf32, #tpu.memory_space<vmem>>[vector<16xi32>, vector<16xi32>], vector<16xf32>,
        tpu.vector_store_idx %arg13[%add3A_872, %add3A_854], %gather3A_874 : memref<64x128xf32, #tpu.memory_space<vmem>>[vector<16xi32>, vector<16xi32>], vector<16xf32>,
        %add3A_875 = arith.constant 48 : i32
        %add3A_876 = vector.broadcast %add3A_875 : i32 to vector<16xi32>
        %add3A_877 = arith.addi %add3A_876, %iota3A : vector<16xi32>
        %gather3A_878 = tpu.vector_load_idx %arg10[%add3A_877, %add3A_859] : memref<64x128xf32, #tpu.memory_space<vmem>>[vector<16xi32>, vector<16xi32>], vector<16xf32>,
        tpu.vector_store_idx %arg12[%add3A_877, %add3A_854], %gather3A_878 : memref<64x128xf32, #tpu.memory_space<vmem>>[vector<16xi32>, vector<16xi32>], vector<16xf32>,
        %gather3A_879 = tpu.vector_load_idx %arg11[%add3A_877, %add3A_859] : memref<64x128xf32, #tpu.memory_space<vmem>>[vector<16xi32>, vector<16xi32>], vector<16xf32>,
        tpu.vector_store_idx %arg13[%add3A_877, %add3A_854], %gather3A_879 : memref<64x128xf32, #tpu.memory_space<vmem>>[vector<16xi32>, vector<16xi32>], vector<16xf32>,
        %slice3A_880 = vector.extract_strided_slice %min3A_88 {offsets = [8], sizes = [1], strides = [1]} : vector<16xi32> to vector<1xi32>
        %squeeze3A_881 = vector.extract %slice3A_880[0] : i32 from vector<1xi32>
        %jit3A_882 = arith.constant 128 : i32
        %div3A_883 = arith.divsi %squeeze3A_881, %jit3A_882 : i32
        %sign3A_884 = arith.constant 0 : i32
        %sign3A_885 = arith.cmpi sgt, %squeeze3A_881, %sign3A_884 : i32
        %sign3A_886 = arith.extui %sign3A_885 : i1 to i32
        %sign3A_887 = arith.constant 0 : i32
        %sign3A_888 = arith.cmpi slt, %squeeze3A_881, %sign3A_887 : i32
        %sign3A_889 = arith.extui %sign3A_888 : i1 to i32
        %sign3A_890 = arith.subi %sign3A_886, %sign3A_889 : i32
        %sign3A_891 = arith.constant 0 : i32
        %sign3A_892 = arith.cmpi sgt, %jit3A_882, %sign3A_891 : i32
        %sign3A_893 = arith.extui %sign3A_892 : i1 to i32
        %sign3A_894 = arith.constant 0 : i32
        %sign3A_895 = arith.cmpi slt, %jit3A_882, %sign3A_894 : i32
        %sign3A_896 = arith.extui %sign3A_895 : i1 to i32
        %sign3A_897 = arith.subi %sign3A_893, %sign3A_896 : i32
        %ne3A_898 = arith.cmpi ne, %sign3A_890, %sign3A_897 : i32
        %rem3A_899 = arith.remsi %squeeze3A_881, %jit3A_882 : i32
        %ne3A_900 = arith.constant 0 : i32
        %ne3A_901 = arith.cmpi ne, %rem3A_899, %ne3A_900 : i32
        %and3A_902 = arith.andi %ne3A_898, %ne3A_901 : i1
        %sub3A_903 = arith.constant 1 : i32
        %sub3A_904 = arith.subi %div3A_883, %sub3A_903 : i32
        %select_n3A_905 = arith.select %and3A_902, %sub3A_904, %div3A_883 : i32
        %mul3A_906 = arith.constant 128 : i32
        %mul3A_907 = arith.muli %select_n3A_905, %mul3A_906 : i32
        %multiple_of3A_908 = tpu.assume_multiple %mul3A_907, 128 : i32
        %ne3A_909 = arith.cmpi ne, %multiple_of3A_908, %multiple_of3A_809 : i32
        %convert_element_type3A_910 = arith.extui %ne3A_909 : i1 to i32
        %cond3A_911 = arith.constant 0 : i32
        %cond3A_912 = arith.cmpi ne, %convert_element_type3A_910, %cond3A_911 : i32
        scf.if %cond3A_912 {
          "tpu.region"() ({
            %run_scoped3A = tpu.sem_alloc : memref<!tpu.dma_semaphore, #tpu.memory_space<semaphore_mem>>
            %dma_start3A = arith.constant 0 : i32
            %dma_start3A_1693 = tpu.memref_slice %arg2[%dma_start3A, %multiple_of3A_908] : memref<64x131072xf32, #tpu.memory_space<hbm>> -> memref<64x128xf32, #tpu.memory_space<hbm>>
            %dma_start3A_1694 = arith.constant 0 : i32
            %dma_start3A_1695 = tpu.memref_slice %arg2[%dma_start3A_1694, %multiple_of3A_908] : memref<64x131072xf32, #tpu.memory_space<hbm>> -> memref<64x128xf32, #tpu.memory_space<hbm>>
            tpu.enqueue_dma source(%dma_start3A_1695 : memref<64x128xf32, #tpu.memory_space<hbm>>) target(%arg10 : memref<64x128xf32, #tpu.memory_space<vmem>>) target_semaphore(%run_scoped3A : memref<!tpu.dma_semaphore, #tpu.memory_space<semaphore_mem>>)
            %dma_wait3A = arith.constant 0 : i32
            %dma_wait3A_1696 = tpu.memref_slice %arg2[%dma_wait3A, %multiple_of3A_908] : memref<64x131072xf32, #tpu.memory_space<hbm>> -> memref<64x128xf32, #tpu.memory_space<hbm>>
            %dma_wait3A_1697 = arith.constant 0 : i32
            %dma_wait3A_1698 = tpu.memref_slice %arg2[%dma_wait3A_1697, %multiple_of3A_908] : memref<64x131072xf32, #tpu.memory_space<hbm>> -> memref<64x128xf32, #tpu.memory_space<hbm>>
            tpu.wait_dma2 semaphore(%run_scoped3A : memref<!tpu.dma_semaphore, #tpu.memory_space<semaphore_mem>>) src(%dma_wait3A_1698 : memref<64x128xf32, #tpu.memory_space<hbm>>) dst(%arg10 : memref<64x128xf32, #tpu.memory_space<vmem>>)
            tpu.yield
          }) : () -> ()
          "tpu.region"() ({
            %run_scoped3A = tpu.sem_alloc : memref<!tpu.dma_semaphore, #tpu.memory_space<semaphore_mem>>
            %dma_start3A = arith.constant 0 : i32
            %dma_start3A_1693 = tpu.memref_slice %arg3[%dma_start3A, %multiple_of3A_908] : memref<64x131072xf32, #tpu.memory_space<hbm>> -> memref<64x128xf32, #tpu.memory_space<hbm>>
            %dma_start3A_1694 = arith.constant 0 : i32
            %dma_start3A_1695 = tpu.memref_slice %arg3[%dma_start3A_1694, %multiple_of3A_908] : memref<64x131072xf32, #tpu.memory_space<hbm>> -> memref<64x128xf32, #tpu.memory_space<hbm>>
            tpu.enqueue_dma source(%dma_start3A_1695 : memref<64x128xf32, #tpu.memory_space<hbm>>) target(%arg11 : memref<64x128xf32, #tpu.memory_space<vmem>>) target_semaphore(%run_scoped3A : memref<!tpu.dma_semaphore, #tpu.memory_space<semaphore_mem>>)
            %dma_wait3A = arith.constant 0 : i32
            %dma_wait3A_1696 = tpu.memref_slice %arg3[%dma_wait3A, %multiple_of3A_908] : memref<64x131072xf32, #tpu.memory_space<hbm>> -> memref<64x128xf32, #tpu.memory_space<hbm>>
            %dma_wait3A_1697 = arith.constant 0 : i32
            %dma_wait3A_1698 = tpu.memref_slice %arg3[%dma_wait3A_1697, %multiple_of3A_908] : memref<64x131072xf32, #tpu.memory_space<hbm>> -> memref<64x128xf32, #tpu.memory_space<hbm>>
            tpu.wait_dma2 semaphore(%run_scoped3A : memref<!tpu.dma_semaphore, #tpu.memory_space<semaphore_mem>>) src(%dma_wait3A_1698 : memref<64x128xf32, #tpu.memory_space<hbm>>) dst(%arg11 : memref<64x128xf32, #tpu.memory_space<vmem>>)
            tpu.yield
          }) : () -> ()
        } else {
        }
        %jit3A_913 = arith.constant 128 : i32
        %eq3A_914 = arith.constant 0 : i32
        %eq3A_915 = arith.cmpi eq, %jit3A_913, %eq3A_914 : i32
        %jit3A_916 = arith.constant 1 : i32
        %select_n3A_917 = arith.select %eq3A_915, %jit3A_916, %jit3A_913 : i32
        %rem3A_918 = arith.remsi %squeeze3A_881, %select_n3A_917 : i32
        %ne3A_919 = arith.constant 0 : i32
        %ne3A_920 = arith.cmpi ne, %rem3A_918, %ne3A_919 : i32
        %lt3A_921 = arith.constant 0 : i32
        %lt3A_922 = arith.cmpi slt, %rem3A_918, %lt3A_921 : i32
        %lt3A_923 = arith.constant 0 : i32
        %lt3A_924 = arith.cmpi slt, %select_n3A_917, %lt3A_923 : i32
        %ne3A_925 = arith.xori %lt3A_922, %lt3A_924 : i1
        %and3A_926 = arith.andi %ne3A_925, %ne3A_920 : i1
        %add3A_927 = arith.addi %rem3A_918, %select_n3A_917 : i32
        %select_n3A_928 = arith.select %and3A_926, %add3A_927, %rem3A_918 : i32
        %jit3A_929 = arith.constant 8 : i32
        %eq3A_930 = arith.constant 0 : i32
        %eq3A_931 = arith.cmpi eq, %jit3A_929, %eq3A_930 : i32
        %jit3A_932 = arith.constant 1 : i32
        %select_n3A_933 = arith.select %eq3A_931, %jit3A_932, %jit3A_929 : i32
        %rem3A_934 = arith.remsi %scan3A_79, %select_n3A_933 : i32
        %ne3A_935 = arith.constant 0 : i32
        %ne3A_936 = arith.cmpi ne, %rem3A_934, %ne3A_935 : i32
        %lt3A_937 = arith.constant 0 : i32
        %lt3A_938 = arith.cmpi slt, %rem3A_934, %lt3A_937 : i32
        %lt3A_939 = arith.constant 0 : i32
        %lt3A_940 = arith.cmpi slt, %select_n3A_933, %lt3A_939 : i32
        %ne3A_941 = arith.xori %lt3A_938, %lt3A_940 : i1
        %and3A_942 = arith.andi %ne3A_941, %ne3A_936 : i1
        %add3A_943 = arith.addi %rem3A_934, %select_n3A_933 : i32
        %select_n3A_944 = arith.select %and3A_942, %add3A_943, %rem3A_934 : i32
        %mul3A_945 = arith.constant 16 : i32
        %mul3A_946 = arith.muli %select_n3A_944, %mul3A_945 : i32
        %add3A_947 = arith.constant 8 : i32
        %add3A_948 = arith.addi %mul3A_946, %add3A_947 : i32
        %mul3A_949 = arith.constant 0 : i32
        %mul3A_950 = vector.broadcast %mul3A_949 : i32 to vector<16xi32>
        %mul3A_951 = arith.muli %mul3A_950, %iota3A : vector<16xi32>
        %add3A_952 = vector.broadcast %add3A_948 : i32 to vector<16xi32>
        %add3A_953 = arith.addi %add3A_952, %mul3A_951 : vector<16xi32>
        %mul3A_954 = arith.constant 0 : i32
        %mul3A_955 = vector.broadcast %mul3A_954 : i32 to vector<16xi32>
        %mul3A_956 = arith.muli %mul3A_955, %iota3A : vector<16xi32>
        %add3A_957 = vector.broadcast %select_n3A_928 : i32 to vector<16xi32>
        %add3A_958 = arith.addi %add3A_957, %mul3A_956 : vector<16xi32>
        %add3A_959 = arith.constant 0 : i32
        %add3A_960 = vector.broadcast %add3A_959 : i32 to vector<16xi32>
        %add3A_961 = arith.addi %add3A_960, %iota3A : vector<16xi32>
        %gather3A_962 = tpu.vector_load_idx %arg10[%add3A_961, %add3A_958] : memref<64x128xf32, #tpu.memory_space<vmem>>[vector<16xi32>, vector<16xi32>], vector<16xf32>,
        tpu.vector_store_idx %arg12[%add3A_961, %add3A_953], %gather3A_962 : memref<64x128xf32, #tpu.memory_space<vmem>>[vector<16xi32>, vector<16xi32>], vector<16xf32>,
        %gather3A_963 = tpu.vector_load_idx %arg11[%add3A_961, %add3A_958] : memref<64x128xf32, #tpu.memory_space<vmem>>[vector<16xi32>, vector<16xi32>], vector<16xf32>,
        tpu.vector_store_idx %arg13[%add3A_961, %add3A_953], %gather3A_963 : memref<64x128xf32, #tpu.memory_space<vmem>>[vector<16xi32>, vector<16xi32>], vector<16xf32>,
        %add3A_964 = arith.constant 16 : i32
        %add3A_965 = vector.broadcast %add3A_964 : i32 to vector<16xi32>
        %add3A_966 = arith.addi %add3A_965, %iota3A : vector<16xi32>
        %gather3A_967 = tpu.vector_load_idx %arg10[%add3A_966, %add3A_958] : memref<64x128xf32, #tpu.memory_space<vmem>>[vector<16xi32>, vector<16xi32>], vector<16xf32>,
        tpu.vector_store_idx %arg12[%add3A_966, %add3A_953], %gather3A_967 : memref<64x128xf32, #tpu.memory_space<vmem>>[vector<16xi32>, vector<16xi32>], vector<16xf32>,
        %gather3A_968 = tpu.vector_load_idx %arg11[%add3A_966, %add3A_958] : memref<64x128xf32, #tpu.memory_space<vmem>>[vector<16xi32>, vector<16xi32>], vector<16xf32>,
        tpu.vector_store_idx %arg13[%add3A_966, %add3A_953], %gather3A_968 : memref<64x128xf32, #tpu.memory_space<vmem>>[vector<16xi32>, vector<16xi32>], vector<16xf32>,
        %add3A_969 = arith.constant 32 : i32
        %add3A_970 = vector.broadcast %add3A_969 : i32 to vector<16xi32>
        %add3A_971 = arith.addi %add3A_970, %iota3A : vector<16xi32>
        %gather3A_972 = tpu.vector_load_idx %arg10[%add3A_971, %add3A_958] : memref<64x128xf32, #tpu.memory_space<vmem>>[vector<16xi32>, vector<16xi32>], vector<16xf32>,
        tpu.vector_store_idx %arg12[%add3A_971, %add3A_953], %gather3A_972 : memref<64x128xf32, #tpu.memory_space<vmem>>[vector<16xi32>, vector<16xi32>], vector<16xf32>,
        %gather3A_973 = tpu.vector_load_idx %arg11[%add3A_971, %add3A_958] : memref<64x128xf32, #tpu.memory_space<vmem>>[vector<16xi32>, vector<16xi32>], vector<16xf32>,
        tpu.vector_store_idx %arg13[%add3A_971, %add3A_953], %gather3A_973 : memref<64x128xf32, #tpu.memory_space<vmem>>[vector<16xi32>, vector<16xi32>], vector<16xf32>,
        %add3A_974 = arith.constant 48 : i32
        %add3A_975 = vector.broadcast %add3A_974 : i32 to vector<16xi32>
        %add3A_976 = arith.addi %add3A_975, %iota3A : vector<16xi32>
        %gather3A_977 = tpu.vector_load_idx %arg10[%add3A_976, %add3A_958] : memref<64x128xf32, #tpu.memory_space<vmem>>[vector<16xi32>, vector<16xi32>], vector<16xf32>,
        tpu.vector_store_idx %arg12[%add3A_976, %add3A_953], %gather3A_977 : memref<64x128xf32, #tpu.memory_space<vmem>>[vector<16xi32>, vector<16xi32>], vector<16xf32>,
        %gather3A_978 = tpu.vector_load_idx %arg11[%add3A_976, %add3A_958] : memref<64x128xf32, #tpu.memory_space<vmem>>[vector<16xi32>, vector<16xi32>], vector<16xf32>,
        tpu.vector_store_idx %arg13[%add3A_976, %add3A_953], %gather3A_978 : memref<64x128xf32, #tpu.memory_space<vmem>>[vector<16xi32>, vector<16xi32>], vector<16xf32>,
        %slice3A_979 = vector.extract_strided_slice %min3A_88 {offsets = [9], sizes = [1], strides = [1]} : vector<16xi32> to vector<1xi32>
        %squeeze3A_980 = vector.extract %slice3A_979[0] : i32 from vector<1xi32>
        %jit3A_981 = arith.constant 128 : i32
        %div3A_982 = arith.divsi %squeeze3A_980, %jit3A_981 : i32
        %sign3A_983 = arith.constant 0 : i32
        %sign3A_984 = arith.cmpi sgt, %squeeze3A_980, %sign3A_983 : i32
        %sign3A_985 = arith.extui %sign3A_984 : i1 to i32
        %sign3A_986 = arith.constant 0 : i32
        %sign3A_987 = arith.cmpi slt, %squeeze3A_980, %sign3A_986 : i32
        %sign3A_988 = arith.extui %sign3A_987 : i1 to i32
        %sign3A_989 = arith.subi %sign3A_985, %sign3A_988 : i32
        %sign3A_990 = arith.constant 0 : i32
        %sign3A_991 = arith.cmpi sgt, %jit3A_981, %sign3A_990 : i32
        %sign3A_992 = arith.extui %sign3A_991 : i1 to i32
        %sign3A_993 = arith.constant 0 : i32
        %sign3A_994 = arith.cmpi slt, %jit3A_981, %sign3A_993 : i32
        %sign3A_995 = arith.extui %sign3A_994 : i1 to i32
        %sign3A_996 = arith.subi %sign3A_992, %sign3A_995 : i32
        %ne3A_997 = arith.cmpi ne, %sign3A_989, %sign3A_996 : i32
        %rem3A_998 = arith.remsi %squeeze3A_980, %jit3A_981 : i32
        %ne3A_999 = arith.constant 0 : i32
        %ne3A_1000 = arith.cmpi ne, %rem3A_998, %ne3A_999 : i32
        %and3A_1001 = arith.andi %ne3A_997, %ne3A_1000 : i1
        %sub3A_1002 = arith.constant 1 : i32
        %sub3A_1003 = arith.subi %div3A_982, %sub3A_1002 : i32
        %select_n3A_1004 = arith.select %and3A_1001, %sub3A_1003, %div3A_982 : i32
        %mul3A_1005 = arith.constant 128 : i32
        %mul3A_1006 = arith.muli %select_n3A_1004, %mul3A_1005 : i32
        %multiple_of3A_1007 = tpu.assume_multiple %mul3A_1006, 128 : i32
        %ne3A_1008 = arith.cmpi ne, %multiple_of3A_1007, %multiple_of3A_908 : i32
        %convert_element_type3A_1009 = arith.extui %ne3A_1008 : i1 to i32
        %cond3A_1010 = arith.constant 0 : i32
        %cond3A_1011 = arith.cmpi ne, %convert_element_type3A_1009, %cond3A_1010 : i32
        scf.if %cond3A_1011 {
          "tpu.region"() ({
            %run_scoped3A = tpu.sem_alloc : memref<!tpu.dma_semaphore, #tpu.memory_space<semaphore_mem>>
            %dma_start3A = arith.constant 0 : i32
            %dma_start3A_1693 = tpu.memref_slice %arg2[%dma_start3A, %multiple_of3A_1007] : memref<64x131072xf32, #tpu.memory_space<hbm>> -> memref<64x128xf32, #tpu.memory_space<hbm>>
            %dma_start3A_1694 = arith.constant 0 : i32
            %dma_start3A_1695 = tpu.memref_slice %arg2[%dma_start3A_1694, %multiple_of3A_1007] : memref<64x131072xf32, #tpu.memory_space<hbm>> -> memref<64x128xf32, #tpu.memory_space<hbm>>
            tpu.enqueue_dma source(%dma_start3A_1695 : memref<64x128xf32, #tpu.memory_space<hbm>>) target(%arg10 : memref<64x128xf32, #tpu.memory_space<vmem>>) target_semaphore(%run_scoped3A : memref<!tpu.dma_semaphore, #tpu.memory_space<semaphore_mem>>)
            %dma_wait3A = arith.constant 0 : i32
            %dma_wait3A_1696 = tpu.memref_slice %arg2[%dma_wait3A, %multiple_of3A_1007] : memref<64x131072xf32, #tpu.memory_space<hbm>> -> memref<64x128xf32, #tpu.memory_space<hbm>>
            %dma_wait3A_1697 = arith.constant 0 : i32
            %dma_wait3A_1698 = tpu.memref_slice %arg2[%dma_wait3A_1697, %multiple_of3A_1007] : memref<64x131072xf32, #tpu.memory_space<hbm>> -> memref<64x128xf32, #tpu.memory_space<hbm>>
            tpu.wait_dma2 semaphore(%run_scoped3A : memref<!tpu.dma_semaphore, #tpu.memory_space<semaphore_mem>>) src(%dma_wait3A_1698 : memref<64x128xf32, #tpu.memory_space<hbm>>) dst(%arg10 : memref<64x128xf32, #tpu.memory_space<vmem>>)
            tpu.yield
          }) : () -> ()
          "tpu.region"() ({
            %run_scoped3A = tpu.sem_alloc : memref<!tpu.dma_semaphore, #tpu.memory_space<semaphore_mem>>
            %dma_start3A = arith.constant 0 : i32
            %dma_start3A_1693 = tpu.memref_slice %arg3[%dma_start3A, %multiple_of3A_1007] : memref<64x131072xf32, #tpu.memory_space<hbm>> -> memref<64x128xf32, #tpu.memory_space<hbm>>
            %dma_start3A_1694 = arith.constant 0 : i32
            %dma_start3A_1695 = tpu.memref_slice %arg3[%dma_start3A_1694, %multiple_of3A_1007] : memref<64x131072xf32, #tpu.memory_space<hbm>> -> memref<64x128xf32, #tpu.memory_space<hbm>>
            tpu.enqueue_dma source(%dma_start3A_1695 : memref<64x128xf32, #tpu.memory_space<hbm>>) target(%arg11 : memref<64x128xf32, #tpu.memory_space<vmem>>) target_semaphore(%run_scoped3A : memref<!tpu.dma_semaphore, #tpu.memory_space<semaphore_mem>>)
            %dma_wait3A = arith.constant 0 : i32
            %dma_wait3A_1696 = tpu.memref_slice %arg3[%dma_wait3A, %multiple_of3A_1007] : memref<64x131072xf32, #tpu.memory_space<hbm>> -> memref<64x128xf32, #tpu.memory_space<hbm>>
            %dma_wait3A_1697 = arith.constant 0 : i32
            %dma_wait3A_1698 = tpu.memref_slice %arg3[%dma_wait3A_1697, %multiple_of3A_1007] : memref<64x131072xf32, #tpu.memory_space<hbm>> -> memref<64x128xf32, #tpu.memory_space<hbm>>
            tpu.wait_dma2 semaphore(%run_scoped3A : memref<!tpu.dma_semaphore, #tpu.memory_space<semaphore_mem>>) src(%dma_wait3A_1698 : memref<64x128xf32, #tpu.memory_space<hbm>>) dst(%arg11 : memref<64x128xf32, #tpu.memory_space<vmem>>)
            tpu.yield
          }) : () -> ()
        } else {
        }
        %jit3A_1012 = arith.constant 128 : i32
        %eq3A_1013 = arith.constant 0 : i32
        %eq3A_1014 = arith.cmpi eq, %jit3A_1012, %eq3A_1013 : i32
        %jit3A_1015 = arith.constant 1 : i32
        %select_n3A_1016 = arith.select %eq3A_1014, %jit3A_1015, %jit3A_1012 : i32
        %rem3A_1017 = arith.remsi %squeeze3A_980, %select_n3A_1016 : i32
        %ne3A_1018 = arith.constant 0 : i32
        %ne3A_1019 = arith.cmpi ne, %rem3A_1017, %ne3A_1018 : i32
        %lt3A_1020 = arith.constant 0 : i32
        %lt3A_1021 = arith.cmpi slt, %rem3A_1017, %lt3A_1020 : i32
        %lt3A_1022 = arith.constant 0 : i32
        %lt3A_1023 = arith.cmpi slt, %select_n3A_1016, %lt3A_1022 : i32
        %ne3A_1024 = arith.xori %lt3A_1021, %lt3A_1023 : i1
        %and3A_1025 = arith.andi %ne3A_1024, %ne3A_1019 : i1
        %add3A_1026 = arith.addi %rem3A_1017, %select_n3A_1016 : i32
        %select_n3A_1027 = arith.select %and3A_1025, %add3A_1026, %rem3A_1017 : i32
        %jit3A_1028 = arith.constant 8 : i32
        %eq3A_1029 = arith.constant 0 : i32
        %eq3A_1030 = arith.cmpi eq, %jit3A_1028, %eq3A_1029 : i32
        %jit3A_1031 = arith.constant 1 : i32
        %select_n3A_1032 = arith.select %eq3A_1030, %jit3A_1031, %jit3A_1028 : i32
        %rem3A_1033 = arith.remsi %scan3A_79, %select_n3A_1032 : i32
        %ne3A_1034 = arith.constant 0 : i32
        %ne3A_1035 = arith.cmpi ne, %rem3A_1033, %ne3A_1034 : i32
        %lt3A_1036 = arith.constant 0 : i32
        %lt3A_1037 = arith.cmpi slt, %rem3A_1033, %lt3A_1036 : i32
        %lt3A_1038 = arith.constant 0 : i32
        %lt3A_1039 = arith.cmpi slt, %select_n3A_1032, %lt3A_1038 : i32
        %ne3A_1040 = arith.xori %lt3A_1037, %lt3A_1039 : i1
        %and3A_1041 = arith.andi %ne3A_1040, %ne3A_1035 : i1
        %add3A_1042 = arith.addi %rem3A_1033, %select_n3A_1032 : i32
        %select_n3A_1043 = arith.select %and3A_1041, %add3A_1042, %rem3A_1033 : i32
        %mul3A_1044 = arith.constant 16 : i32
        %mul3A_1045 = arith.muli %select_n3A_1043, %mul3A_1044 : i32
        %add3A_1046 = arith.constant 9 : i32
        %add3A_1047 = arith.addi %mul3A_1045, %add3A_1046 : i32
        %mul3A_1048 = arith.constant 0 : i32
        %mul3A_1049 = vector.broadcast %mul3A_1048 : i32 to vector<16xi32>
        %mul3A_1050 = arith.muli %mul3A_1049, %iota3A : vector<16xi32>
        %add3A_1051 = vector.broadcast %add3A_1047 : i32 to vector<16xi32>
        %add3A_1052 = arith.addi %add3A_1051, %mul3A_1050 : vector<16xi32>
        %mul3A_1053 = arith.constant 0 : i32
        %mul3A_1054 = vector.broadcast %mul3A_1053 : i32 to vector<16xi32>
        %mul3A_1055 = arith.muli %mul3A_1054, %iota3A : vector<16xi32>
        %add3A_1056 = vector.broadcast %select_n3A_1027 : i32 to vector<16xi32>
        %add3A_1057 = arith.addi %add3A_1056, %mul3A_1055 : vector<16xi32>
        %add3A_1058 = arith.constant 0 : i32
        %add3A_1059 = vector.broadcast %add3A_1058 : i32 to vector<16xi32>
        %add3A_1060 = arith.addi %add3A_1059, %iota3A : vector<16xi32>
        %gather3A_1061 = tpu.vector_load_idx %arg10[%add3A_1060, %add3A_1057] : memref<64x128xf32, #tpu.memory_space<vmem>>[vector<16xi32>, vector<16xi32>], vector<16xf32>,
        tpu.vector_store_idx %arg12[%add3A_1060, %add3A_1052], %gather3A_1061 : memref<64x128xf32, #tpu.memory_space<vmem>>[vector<16xi32>, vector<16xi32>], vector<16xf32>,
        %gather3A_1062 = tpu.vector_load_idx %arg11[%add3A_1060, %add3A_1057] : memref<64x128xf32, #tpu.memory_space<vmem>>[vector<16xi32>, vector<16xi32>], vector<16xf32>,
        tpu.vector_store_idx %arg13[%add3A_1060, %add3A_1052], %gather3A_1062 : memref<64x128xf32, #tpu.memory_space<vmem>>[vector<16xi32>, vector<16xi32>], vector<16xf32>,
        %add3A_1063 = arith.constant 16 : i32
        %add3A_1064 = vector.broadcast %add3A_1063 : i32 to vector<16xi32>
        %add3A_1065 = arith.addi %add3A_1064, %iota3A : vector<16xi32>
        %gather3A_1066 = tpu.vector_load_idx %arg10[%add3A_1065, %add3A_1057] : memref<64x128xf32, #tpu.memory_space<vmem>>[vector<16xi32>, vector<16xi32>], vector<16xf32>,
        tpu.vector_store_idx %arg12[%add3A_1065, %add3A_1052], %gather3A_1066 : memref<64x128xf32, #tpu.memory_space<vmem>>[vector<16xi32>, vector<16xi32>], vector<16xf32>,
        %gather3A_1067 = tpu.vector_load_idx %arg11[%add3A_1065, %add3A_1057] : memref<64x128xf32, #tpu.memory_space<vmem>>[vector<16xi32>, vector<16xi32>], vector<16xf32>,
        tpu.vector_store_idx %arg13[%add3A_1065, %add3A_1052], %gather3A_1067 : memref<64x128xf32, #tpu.memory_space<vmem>>[vector<16xi32>, vector<16xi32>], vector<16xf32>,
        %add3A_1068 = arith.constant 32 : i32
        %add3A_1069 = vector.broadcast %add3A_1068 : i32 to vector<16xi32>
        %add3A_1070 = arith.addi %add3A_1069, %iota3A : vector<16xi32>
        %gather3A_1071 = tpu.vector_load_idx %arg10[%add3A_1070, %add3A_1057] : memref<64x128xf32, #tpu.memory_space<vmem>>[vector<16xi32>, vector<16xi32>], vector<16xf32>,
        tpu.vector_store_idx %arg12[%add3A_1070, %add3A_1052], %gather3A_1071 : memref<64x128xf32, #tpu.memory_space<vmem>>[vector<16xi32>, vector<16xi32>], vector<16xf32>,
        %gather3A_1072 = tpu.vector_load_idx %arg11[%add3A_1070, %add3A_1057] : memref<64x128xf32, #tpu.memory_space<vmem>>[vector<16xi32>, vector<16xi32>], vector<16xf32>,
        tpu.vector_store_idx %arg13[%add3A_1070, %add3A_1052], %gather3A_1072 : memref<64x128xf32, #tpu.memory_space<vmem>>[vector<16xi32>, vector<16xi32>], vector<16xf32>,
        %add3A_1073 = arith.constant 48 : i32
        %add3A_1074 = vector.broadcast %add3A_1073 : i32 to vector<16xi32>
        %add3A_1075 = arith.addi %add3A_1074, %iota3A : vector<16xi32>
        %gather3A_1076 = tpu.vector_load_idx %arg10[%add3A_1075, %add3A_1057] : memref<64x128xf32, #tpu.memory_space<vmem>>[vector<16xi32>, vector<16xi32>], vector<16xf32>,
        tpu.vector_store_idx %arg12[%add3A_1075, %add3A_1052], %gather3A_1076 : memref<64x128xf32, #tpu.memory_space<vmem>>[vector<16xi32>, vector<16xi32>], vector<16xf32>,
        %gather3A_1077 = tpu.vector_load_idx %arg11[%add3A_1075, %add3A_1057] : memref<64x128xf32, #tpu.memory_space<vmem>>[vector<16xi32>, vector<16xi32>], vector<16xf32>,
        tpu.vector_store_idx %arg13[%add3A_1075, %add3A_1052], %gather3A_1077 : memref<64x128xf32, #tpu.memory_space<vmem>>[vector<16xi32>, vector<16xi32>], vector<16xf32>,
        %slice3A_1078 = vector.extract_strided_slice %min3A_88 {offsets = [10], sizes = [1], strides = [1]} : vector<16xi32> to vector<1xi32>
        %squeeze3A_1079 = vector.extract %slice3A_1078[0] : i32 from vector<1xi32>
        %jit3A_1080 = arith.constant 128 : i32
        %div3A_1081 = arith.divsi %squeeze3A_1079, %jit3A_1080 : i32
        %sign3A_1082 = arith.constant 0 : i32
        %sign3A_1083 = arith.cmpi sgt, %squeeze3A_1079, %sign3A_1082 : i32
        %sign3A_1084 = arith.extui %sign3A_1083 : i1 to i32
        %sign3A_1085 = arith.constant 0 : i32
        %sign3A_1086 = arith.cmpi slt, %squeeze3A_1079, %sign3A_1085 : i32
        %sign3A_1087 = arith.extui %sign3A_1086 : i1 to i32
        %sign3A_1088 = arith.subi %sign3A_1084, %sign3A_1087 : i32
        %sign3A_1089 = arith.constant 0 : i32
        %sign3A_1090 = arith.cmpi sgt, %jit3A_1080, %sign3A_1089 : i32
        %sign3A_1091 = arith.extui %sign3A_1090 : i1 to i32
        %sign3A_1092 = arith.constant 0 : i32
        %sign3A_1093 = arith.cmpi slt, %jit3A_1080, %sign3A_1092 : i32
        %sign3A_1094 = arith.extui %sign3A_1093 : i1 to i32
        %sign3A_1095 = arith.subi %sign3A_1091, %sign3A_1094 : i32
        %ne3A_1096 = arith.cmpi ne, %sign3A_1088, %sign3A_1095 : i32
        %rem3A_1097 = arith.remsi %squeeze3A_1079, %jit3A_1080 : i32
        %ne3A_1098 = arith.constant 0 : i32
        %ne3A_1099 = arith.cmpi ne, %rem3A_1097, %ne3A_1098 : i32
        %and3A_1100 = arith.andi %ne3A_1096, %ne3A_1099 : i1
        %sub3A_1101 = arith.constant 1 : i32
        %sub3A_1102 = arith.subi %div3A_1081, %sub3A_1101 : i32
        %select_n3A_1103 = arith.select %and3A_1100, %sub3A_1102, %div3A_1081 : i32
        %mul3A_1104 = arith.constant 128 : i32
        %mul3A_1105 = arith.muli %select_n3A_1103, %mul3A_1104 : i32
        %multiple_of3A_1106 = tpu.assume_multiple %mul3A_1105, 128 : i32
        %ne3A_1107 = arith.cmpi ne, %multiple_of3A_1106, %multiple_of3A_1007 : i32
        %convert_element_type3A_1108 = arith.extui %ne3A_1107 : i1 to i32
        %cond3A_1109 = arith.constant 0 : i32
        %cond3A_1110 = arith.cmpi ne, %convert_element_type3A_1108, %cond3A_1109 : i32
        scf.if %cond3A_1110 {
          "tpu.region"() ({
            %run_scoped3A = tpu.sem_alloc : memref<!tpu.dma_semaphore, #tpu.memory_space<semaphore_mem>>
            %dma_start3A = arith.constant 0 : i32
            %dma_start3A_1693 = tpu.memref_slice %arg2[%dma_start3A, %multiple_of3A_1106] : memref<64x131072xf32, #tpu.memory_space<hbm>> -> memref<64x128xf32, #tpu.memory_space<hbm>>
            %dma_start3A_1694 = arith.constant 0 : i32
            %dma_start3A_1695 = tpu.memref_slice %arg2[%dma_start3A_1694, %multiple_of3A_1106] : memref<64x131072xf32, #tpu.memory_space<hbm>> -> memref<64x128xf32, #tpu.memory_space<hbm>>
            tpu.enqueue_dma source(%dma_start3A_1695 : memref<64x128xf32, #tpu.memory_space<hbm>>) target(%arg10 : memref<64x128xf32, #tpu.memory_space<vmem>>) target_semaphore(%run_scoped3A : memref<!tpu.dma_semaphore, #tpu.memory_space<semaphore_mem>>)
            %dma_wait3A = arith.constant 0 : i32
            %dma_wait3A_1696 = tpu.memref_slice %arg2[%dma_wait3A, %multiple_of3A_1106] : memref<64x131072xf32, #tpu.memory_space<hbm>> -> memref<64x128xf32, #tpu.memory_space<hbm>>
            %dma_wait3A_1697 = arith.constant 0 : i32
            %dma_wait3A_1698 = tpu.memref_slice %arg2[%dma_wait3A_1697, %multiple_of3A_1106] : memref<64x131072xf32, #tpu.memory_space<hbm>> -> memref<64x128xf32, #tpu.memory_space<hbm>>
            tpu.wait_dma2 semaphore(%run_scoped3A : memref<!tpu.dma_semaphore, #tpu.memory_space<semaphore_mem>>) src(%dma_wait3A_1698 : memref<64x128xf32, #tpu.memory_space<hbm>>) dst(%arg10 : memref<64x128xf32, #tpu.memory_space<vmem>>)
            tpu.yield
          }) : () -> ()
          "tpu.region"() ({
            %run_scoped3A = tpu.sem_alloc : memref<!tpu.dma_semaphore, #tpu.memory_space<semaphore_mem>>
            %dma_start3A = arith.constant 0 : i32
            %dma_start3A_1693 = tpu.memref_slice %arg3[%dma_start3A, %multiple_of3A_1106] : memref<64x131072xf32, #tpu.memory_space<hbm>> -> memref<64x128xf32, #tpu.memory_space<hbm>>
            %dma_start3A_1694 = arith.constant 0 : i32
            %dma_start3A_1695 = tpu.memref_slice %arg3[%dma_start3A_1694, %multiple_of3A_1106] : memref<64x131072xf32, #tpu.memory_space<hbm>> -> memref<64x128xf32, #tpu.memory_space<hbm>>
            tpu.enqueue_dma source(%dma_start3A_1695 : memref<64x128xf32, #tpu.memory_space<hbm>>) target(%arg11 : memref<64x128xf32, #tpu.memory_space<vmem>>) target_semaphore(%run_scoped3A : memref<!tpu.dma_semaphore, #tpu.memory_space<semaphore_mem>>)
            %dma_wait3A = arith.constant 0 : i32
            %dma_wait3A_1696 = tpu.memref_slice %arg3[%dma_wait3A, %multiple_of3A_1106] : memref<64x131072xf32, #tpu.memory_space<hbm>> -> memref<64x128xf32, #tpu.memory_space<hbm>>
            %dma_wait3A_1697 = arith.constant 0 : i32
            %dma_wait3A_1698 = tpu.memref_slice %arg3[%dma_wait3A_1697, %multiple_of3A_1106] : memref<64x131072xf32, #tpu.memory_space<hbm>> -> memref<64x128xf32, #tpu.memory_space<hbm>>
            tpu.wait_dma2 semaphore(%run_scoped3A : memref<!tpu.dma_semaphore, #tpu.memory_space<semaphore_mem>>) src(%dma_wait3A_1698 : memref<64x128xf32, #tpu.memory_space<hbm>>) dst(%arg11 : memref<64x128xf32, #tpu.memory_space<vmem>>)
            tpu.yield
          }) : () -> ()
        } else {
        }
        %jit3A_1111 = arith.constant 128 : i32
        %eq3A_1112 = arith.constant 0 : i32
        %eq3A_1113 = arith.cmpi eq, %jit3A_1111, %eq3A_1112 : i32
        %jit3A_1114 = arith.constant 1 : i32
        %select_n3A_1115 = arith.select %eq3A_1113, %jit3A_1114, %jit3A_1111 : i32
        %rem3A_1116 = arith.remsi %squeeze3A_1079, %select_n3A_1115 : i32
        %ne3A_1117 = arith.constant 0 : i32
        %ne3A_1118 = arith.cmpi ne, %rem3A_1116, %ne3A_1117 : i32
        %lt3A_1119 = arith.constant 0 : i32
        %lt3A_1120 = arith.cmpi slt, %rem3A_1116, %lt3A_1119 : i32
        %lt3A_1121 = arith.constant 0 : i32
        %lt3A_1122 = arith.cmpi slt, %select_n3A_1115, %lt3A_1121 : i32
        %ne3A_1123 = arith.xori %lt3A_1120, %lt3A_1122 : i1
        %and3A_1124 = arith.andi %ne3A_1123, %ne3A_1118 : i1
        %add3A_1125 = arith.addi %rem3A_1116, %select_n3A_1115 : i32
        %select_n3A_1126 = arith.select %and3A_1124, %add3A_1125, %rem3A_1116 : i32
        %jit3A_1127 = arith.constant 8 : i32
        %eq3A_1128 = arith.constant 0 : i32
        %eq3A_1129 = arith.cmpi eq, %jit3A_1127, %eq3A_1128 : i32
        %jit3A_1130 = arith.constant 1 : i32
        %select_n3A_1131 = arith.select %eq3A_1129, %jit3A_1130, %jit3A_1127 : i32
        %rem3A_1132 = arith.remsi %scan3A_79, %select_n3A_1131 : i32
        %ne3A_1133 = arith.constant 0 : i32
        %ne3A_1134 = arith.cmpi ne, %rem3A_1132, %ne3A_1133 : i32
        %lt3A_1135 = arith.constant 0 : i32
        %lt3A_1136 = arith.cmpi slt, %rem3A_1132, %lt3A_1135 : i32
        %lt3A_1137 = arith.constant 0 : i32
        %lt3A_1138 = arith.cmpi slt, %select_n3A_1131, %lt3A_1137 : i32
        %ne3A_1139 = arith.xori %lt3A_1136, %lt3A_1138 : i1
        %and3A_1140 = arith.andi %ne3A_1139, %ne3A_1134 : i1
        %add3A_1141 = arith.addi %rem3A_1132, %select_n3A_1131 : i32
        %select_n3A_1142 = arith.select %and3A_1140, %add3A_1141, %rem3A_1132 : i32
        %mul3A_1143 = arith.constant 16 : i32
        %mul3A_1144 = arith.muli %select_n3A_1142, %mul3A_1143 : i32
        %add3A_1145 = arith.constant 10 : i32
        %add3A_1146 = arith.addi %mul3A_1144, %add3A_1145 : i32
        %mul3A_1147 = arith.constant 0 : i32
        %mul3A_1148 = vector.broadcast %mul3A_1147 : i32 to vector<16xi32>
        %mul3A_1149 = arith.muli %mul3A_1148, %iota3A : vector<16xi32>
        %add3A_1150 = vector.broadcast %add3A_1146 : i32 to vector<16xi32>
        %add3A_1151 = arith.addi %add3A_1150, %mul3A_1149 : vector<16xi32>
        %mul3A_1152 = arith.constant 0 : i32
        %mul3A_1153 = vector.broadcast %mul3A_1152 : i32 to vector<16xi32>
        %mul3A_1154 = arith.muli %mul3A_1153, %iota3A : vector<16xi32>
        %add3A_1155 = vector.broadcast %select_n3A_1126 : i32 to vector<16xi32>
        %add3A_1156 = arith.addi %add3A_1155, %mul3A_1154 : vector<16xi32>
        %add3A_1157 = arith.constant 0 : i32
        %add3A_1158 = vector.broadcast %add3A_1157 : i32 to vector<16xi32>
        %add3A_1159 = arith.addi %add3A_1158, %iota3A : vector<16xi32>
        %gather3A_1160 = tpu.vector_load_idx %arg10[%add3A_1159, %add3A_1156] : memref<64x128xf32, #tpu.memory_space<vmem>>[vector<16xi32>, vector<16xi32>], vector<16xf32>,
        tpu.vector_store_idx %arg12[%add3A_1159, %add3A_1151], %gather3A_1160 : memref<64x128xf32, #tpu.memory_space<vmem>>[vector<16xi32>, vector<16xi32>], vector<16xf32>,
        %gather3A_1161 = tpu.vector_load_idx %arg11[%add3A_1159, %add3A_1156] : memref<64x128xf32, #tpu.memory_space<vmem>>[vector<16xi32>, vector<16xi32>], vector<16xf32>,
        tpu.vector_store_idx %arg13[%add3A_1159, %add3A_1151], %gather3A_1161 : memref<64x128xf32, #tpu.memory_space<vmem>>[vector<16xi32>, vector<16xi32>], vector<16xf32>,
        %add3A_1162 = arith.constant 16 : i32
        %add3A_1163 = vector.broadcast %add3A_1162 : i32 to vector<16xi32>
        %add3A_1164 = arith.addi %add3A_1163, %iota3A : vector<16xi32>
        %gather3A_1165 = tpu.vector_load_idx %arg10[%add3A_1164, %add3A_1156] : memref<64x128xf32, #tpu.memory_space<vmem>>[vector<16xi32>, vector<16xi32>], vector<16xf32>,
        tpu.vector_store_idx %arg12[%add3A_1164, %add3A_1151], %gather3A_1165 : memref<64x128xf32, #tpu.memory_space<vmem>>[vector<16xi32>, vector<16xi32>], vector<16xf32>,
        %gather3A_1166 = tpu.vector_load_idx %arg11[%add3A_1164, %add3A_1156] : memref<64x128xf32, #tpu.memory_space<vmem>>[vector<16xi32>, vector<16xi32>], vector<16xf32>,
        tpu.vector_store_idx %arg13[%add3A_1164, %add3A_1151], %gather3A_1166 : memref<64x128xf32, #tpu.memory_space<vmem>>[vector<16xi32>, vector<16xi32>], vector<16xf32>,
        %add3A_1167 = arith.constant 32 : i32
        %add3A_1168 = vector.broadcast %add3A_1167 : i32 to vector<16xi32>
        %add3A_1169 = arith.addi %add3A_1168, %iota3A : vector<16xi32>
        %gather3A_1170 = tpu.vector_load_idx %arg10[%add3A_1169, %add3A_1156] : memref<64x128xf32, #tpu.memory_space<vmem>>[vector<16xi32>, vector<16xi32>], vector<16xf32>,
        tpu.vector_store_idx %arg12[%add3A_1169, %add3A_1151], %gather3A_1170 : memref<64x128xf32, #tpu.memory_space<vmem>>[vector<16xi32>, vector<16xi32>], vector<16xf32>,
        %gather3A_1171 = tpu.vector_load_idx %arg11[%add3A_1169, %add3A_1156] : memref<64x128xf32, #tpu.memory_space<vmem>>[vector<16xi32>, vector<16xi32>], vector<16xf32>,
        tpu.vector_store_idx %arg13[%add3A_1169, %add3A_1151], %gather3A_1171 : memref<64x128xf32, #tpu.memory_space<vmem>>[vector<16xi32>, vector<16xi32>], vector<16xf32>,
        %add3A_1172 = arith.constant 48 : i32
        %add3A_1173 = vector.broadcast %add3A_1172 : i32 to vector<16xi32>
        %add3A_1174 = arith.addi %add3A_1173, %iota3A : vector<16xi32>
        %gather3A_1175 = tpu.vector_load_idx %arg10[%add3A_1174, %add3A_1156] : memref<64x128xf32, #tpu.memory_space<vmem>>[vector<16xi32>, vector<16xi32>], vector<16xf32>,
        tpu.vector_store_idx %arg12[%add3A_1174, %add3A_1151], %gather3A_1175 : memref<64x128xf32, #tpu.memory_space<vmem>>[vector<16xi32>, vector<16xi32>], vector<16xf32>,
        %gather3A_1176 = tpu.vector_load_idx %arg11[%add3A_1174, %add3A_1156] : memref<64x128xf32, #tpu.memory_space<vmem>>[vector<16xi32>, vector<16xi32>], vector<16xf32>,
        tpu.vector_store_idx %arg13[%add3A_1174, %add3A_1151], %gather3A_1176 : memref<64x128xf32, #tpu.memory_space<vmem>>[vector<16xi32>, vector<16xi32>], vector<16xf32>,
        %slice3A_1177 = vector.extract_strided_slice %min3A_88 {offsets = [11], sizes = [1], strides = [1]} : vector<16xi32> to vector<1xi32>
        %squeeze3A_1178 = vector.extract %slice3A_1177[0] : i32 from vector<1xi32>
        %jit3A_1179 = arith.constant 128 : i32
        %div3A_1180 = arith.divsi %squeeze3A_1178, %jit3A_1179 : i32
        %sign3A_1181 = arith.constant 0 : i32
        %sign3A_1182 = arith.cmpi sgt, %squeeze3A_1178, %sign3A_1181 : i32
        %sign3A_1183 = arith.extui %sign3A_1182 : i1 to i32
        %sign3A_1184 = arith.constant 0 : i32
        %sign3A_1185 = arith.cmpi slt, %squeeze3A_1178, %sign3A_1184 : i32
        %sign3A_1186 = arith.extui %sign3A_1185 : i1 to i32
        %sign3A_1187 = arith.subi %sign3A_1183, %sign3A_1186 : i32
        %sign3A_1188 = arith.constant 0 : i32
        %sign3A_1189 = arith.cmpi sgt, %jit3A_1179, %sign3A_1188 : i32
        %sign3A_1190 = arith.extui %sign3A_1189 : i1 to i32
        %sign3A_1191 = arith.constant 0 : i32
        %sign3A_1192 = arith.cmpi slt, %jit3A_1179, %sign3A_1191 : i32
        %sign3A_1193 = arith.extui %sign3A_1192 : i1 to i32
        %sign3A_1194 = arith.subi %sign3A_1190, %sign3A_1193 : i32
        %ne3A_1195 = arith.cmpi ne, %sign3A_1187, %sign3A_1194 : i32
        %rem3A_1196 = arith.remsi %squeeze3A_1178, %jit3A_1179 : i32
        %ne3A_1197 = arith.constant 0 : i32
        %ne3A_1198 = arith.cmpi ne, %rem3A_1196, %ne3A_1197 : i32
        %and3A_1199 = arith.andi %ne3A_1195, %ne3A_1198 : i1
        %sub3A_1200 = arith.constant 1 : i32
        %sub3A_1201 = arith.subi %div3A_1180, %sub3A_1200 : i32
        %select_n3A_1202 = arith.select %and3A_1199, %sub3A_1201, %div3A_1180 : i32
        %mul3A_1203 = arith.constant 128 : i32
        %mul3A_1204 = arith.muli %select_n3A_1202, %mul3A_1203 : i32
        %multiple_of3A_1205 = tpu.assume_multiple %mul3A_1204, 128 : i32
        %ne3A_1206 = arith.cmpi ne, %multiple_of3A_1205, %multiple_of3A_1106 : i32
        %convert_element_type3A_1207 = arith.extui %ne3A_1206 : i1 to i32
        %cond3A_1208 = arith.constant 0 : i32
        %cond3A_1209 = arith.cmpi ne, %convert_element_type3A_1207, %cond3A_1208 : i32
        scf.if %cond3A_1209 {
          "tpu.region"() ({
            %run_scoped3A = tpu.sem_alloc : memref<!tpu.dma_semaphore, #tpu.memory_space<semaphore_mem>>
            %dma_start3A = arith.constant 0 : i32
            %dma_start3A_1693 = tpu.memref_slice %arg2[%dma_start3A, %multiple_of3A_1205] : memref<64x131072xf32, #tpu.memory_space<hbm>> -> memref<64x128xf32, #tpu.memory_space<hbm>>
            %dma_start3A_1694 = arith.constant 0 : i32
            %dma_start3A_1695 = tpu.memref_slice %arg2[%dma_start3A_1694, %multiple_of3A_1205] : memref<64x131072xf32, #tpu.memory_space<hbm>> -> memref<64x128xf32, #tpu.memory_space<hbm>>
            tpu.enqueue_dma source(%dma_start3A_1695 : memref<64x128xf32, #tpu.memory_space<hbm>>) target(%arg10 : memref<64x128xf32, #tpu.memory_space<vmem>>) target_semaphore(%run_scoped3A : memref<!tpu.dma_semaphore, #tpu.memory_space<semaphore_mem>>)
            %dma_wait3A = arith.constant 0 : i32
            %dma_wait3A_1696 = tpu.memref_slice %arg2[%dma_wait3A, %multiple_of3A_1205] : memref<64x131072xf32, #tpu.memory_space<hbm>> -> memref<64x128xf32, #tpu.memory_space<hbm>>
            %dma_wait3A_1697 = arith.constant 0 : i32
            %dma_wait3A_1698 = tpu.memref_slice %arg2[%dma_wait3A_1697, %multiple_of3A_1205] : memref<64x131072xf32, #tpu.memory_space<hbm>> -> memref<64x128xf32, #tpu.memory_space<hbm>>
            tpu.wait_dma2 semaphore(%run_scoped3A : memref<!tpu.dma_semaphore, #tpu.memory_space<semaphore_mem>>) src(%dma_wait3A_1698 : memref<64x128xf32, #tpu.memory_space<hbm>>) dst(%arg10 : memref<64x128xf32, #tpu.memory_space<vmem>>)
            tpu.yield
          }) : () -> ()
          "tpu.region"() ({
            %run_scoped3A = tpu.sem_alloc : memref<!tpu.dma_semaphore, #tpu.memory_space<semaphore_mem>>
            %dma_start3A = arith.constant 0 : i32
            %dma_start3A_1693 = tpu.memref_slice %arg3[%dma_start3A, %multiple_of3A_1205] : memref<64x131072xf32, #tpu.memory_space<hbm>> -> memref<64x128xf32, #tpu.memory_space<hbm>>
            %dma_start3A_1694 = arith.constant 0 : i32
            %dma_start3A_1695 = tpu.memref_slice %arg3[%dma_start3A_1694, %multiple_of3A_1205] : memref<64x131072xf32, #tpu.memory_space<hbm>> -> memref<64x128xf32, #tpu.memory_space<hbm>>
            tpu.enqueue_dma source(%dma_start3A_1695 : memref<64x128xf32, #tpu.memory_space<hbm>>) target(%arg11 : memref<64x128xf32, #tpu.memory_space<vmem>>) target_semaphore(%run_scoped3A : memref<!tpu.dma_semaphore, #tpu.memory_space<semaphore_mem>>)
            %dma_wait3A = arith.constant 0 : i32
            %dma_wait3A_1696 = tpu.memref_slice %arg3[%dma_wait3A, %multiple_of3A_1205] : memref<64x131072xf32, #tpu.memory_space<hbm>> -> memref<64x128xf32, #tpu.memory_space<hbm>>
            %dma_wait3A_1697 = arith.constant 0 : i32
            %dma_wait3A_1698 = tpu.memref_slice %arg3[%dma_wait3A_1697, %multiple_of3A_1205] : memref<64x131072xf32, #tpu.memory_space<hbm>> -> memref<64x128xf32, #tpu.memory_space<hbm>>
            tpu.wait_dma2 semaphore(%run_scoped3A : memref<!tpu.dma_semaphore, #tpu.memory_space<semaphore_mem>>) src(%dma_wait3A_1698 : memref<64x128xf32, #tpu.memory_space<hbm>>) dst(%arg11 : memref<64x128xf32, #tpu.memory_space<vmem>>)
            tpu.yield
          }) : () -> ()
        } else {
        }
        %jit3A_1210 = arith.constant 128 : i32
        %eq3A_1211 = arith.constant 0 : i32
        %eq3A_1212 = arith.cmpi eq, %jit3A_1210, %eq3A_1211 : i32
        %jit3A_1213 = arith.constant 1 : i32
        %select_n3A_1214 = arith.select %eq3A_1212, %jit3A_1213, %jit3A_1210 : i32
        %rem3A_1215 = arith.remsi %squeeze3A_1178, %select_n3A_1214 : i32
        %ne3A_1216 = arith.constant 0 : i32
        %ne3A_1217 = arith.cmpi ne, %rem3A_1215, %ne3A_1216 : i32
        %lt3A_1218 = arith.constant 0 : i32
        %lt3A_1219 = arith.cmpi slt, %rem3A_1215, %lt3A_1218 : i32
        %lt3A_1220 = arith.constant 0 : i32
        %lt3A_1221 = arith.cmpi slt, %select_n3A_1214, %lt3A_1220 : i32
        %ne3A_1222 = arith.xori %lt3A_1219, %lt3A_1221 : i1
        %and3A_1223 = arith.andi %ne3A_1222, %ne3A_1217 : i1
        %add3A_1224 = arith.addi %rem3A_1215, %select_n3A_1214 : i32
        %select_n3A_1225 = arith.select %and3A_1223, %add3A_1224, %rem3A_1215 : i32
        %jit3A_1226 = arith.constant 8 : i32
        %eq3A_1227 = arith.constant 0 : i32
        %eq3A_1228 = arith.cmpi eq, %jit3A_1226, %eq3A_1227 : i32
        %jit3A_1229 = arith.constant 1 : i32
        %select_n3A_1230 = arith.select %eq3A_1228, %jit3A_1229, %jit3A_1226 : i32
        %rem3A_1231 = arith.remsi %scan3A_79, %select_n3A_1230 : i32
        %ne3A_1232 = arith.constant 0 : i32
        %ne3A_1233 = arith.cmpi ne, %rem3A_1231, %ne3A_1232 : i32
        %lt3A_1234 = arith.constant 0 : i32
        %lt3A_1235 = arith.cmpi slt, %rem3A_1231, %lt3A_1234 : i32
        %lt3A_1236 = arith.constant 0 : i32
        %lt3A_1237 = arith.cmpi slt, %select_n3A_1230, %lt3A_1236 : i32
        %ne3A_1238 = arith.xori %lt3A_1235, %lt3A_1237 : i1
        %and3A_1239 = arith.andi %ne3A_1238, %ne3A_1233 : i1
        %add3A_1240 = arith.addi %rem3A_1231, %select_n3A_1230 : i32
        %select_n3A_1241 = arith.select %and3A_1239, %add3A_1240, %rem3A_1231 : i32
        %mul3A_1242 = arith.constant 16 : i32
        %mul3A_1243 = arith.muli %select_n3A_1241, %mul3A_1242 : i32
        %add3A_1244 = arith.constant 11 : i32
        %add3A_1245 = arith.addi %mul3A_1243, %add3A_1244 : i32
        %mul3A_1246 = arith.constant 0 : i32
        %mul3A_1247 = vector.broadcast %mul3A_1246 : i32 to vector<16xi32>
        %mul3A_1248 = arith.muli %mul3A_1247, %iota3A : vector<16xi32>
        %add3A_1249 = vector.broadcast %add3A_1245 : i32 to vector<16xi32>
        %add3A_1250 = arith.addi %add3A_1249, %mul3A_1248 : vector<16xi32>
        %mul3A_1251 = arith.constant 0 : i32
        %mul3A_1252 = vector.broadcast %mul3A_1251 : i32 to vector<16xi32>
        %mul3A_1253 = arith.muli %mul3A_1252, %iota3A : vector<16xi32>
        %add3A_1254 = vector.broadcast %select_n3A_1225 : i32 to vector<16xi32>
        %add3A_1255 = arith.addi %add3A_1254, %mul3A_1253 : vector<16xi32>
        %add3A_1256 = arith.constant 0 : i32
        %add3A_1257 = vector.broadcast %add3A_1256 : i32 to vector<16xi32>
        %add3A_1258 = arith.addi %add3A_1257, %iota3A : vector<16xi32>
        %gather3A_1259 = tpu.vector_load_idx %arg10[%add3A_1258, %add3A_1255] : memref<64x128xf32, #tpu.memory_space<vmem>>[vector<16xi32>, vector<16xi32>], vector<16xf32>,
        tpu.vector_store_idx %arg12[%add3A_1258, %add3A_1250], %gather3A_1259 : memref<64x128xf32, #tpu.memory_space<vmem>>[vector<16xi32>, vector<16xi32>], vector<16xf32>,
        %gather3A_1260 = tpu.vector_load_idx %arg11[%add3A_1258, %add3A_1255] : memref<64x128xf32, #tpu.memory_space<vmem>>[vector<16xi32>, vector<16xi32>], vector<16xf32>,
        tpu.vector_store_idx %arg13[%add3A_1258, %add3A_1250], %gather3A_1260 : memref<64x128xf32, #tpu.memory_space<vmem>>[vector<16xi32>, vector<16xi32>], vector<16xf32>,
        %add3A_1261 = arith.constant 16 : i32
        %add3A_1262 = vector.broadcast %add3A_1261 : i32 to vector<16xi32>
        %add3A_1263 = arith.addi %add3A_1262, %iota3A : vector<16xi32>
        %gather3A_1264 = tpu.vector_load_idx %arg10[%add3A_1263, %add3A_1255] : memref<64x128xf32, #tpu.memory_space<vmem>>[vector<16xi32>, vector<16xi32>], vector<16xf32>,
        tpu.vector_store_idx %arg12[%add3A_1263, %add3A_1250], %gather3A_1264 : memref<64x128xf32, #tpu.memory_space<vmem>>[vector<16xi32>, vector<16xi32>], vector<16xf32>,
        %gather3A_1265 = tpu.vector_load_idx %arg11[%add3A_1263, %add3A_1255] : memref<64x128xf32, #tpu.memory_space<vmem>>[vector<16xi32>, vector<16xi32>], vector<16xf32>,
        tpu.vector_store_idx %arg13[%add3A_1263, %add3A_1250], %gather3A_1265 : memref<64x128xf32, #tpu.memory_space<vmem>>[vector<16xi32>, vector<16xi32>], vector<16xf32>,
        %add3A_1266 = arith.constant 32 : i32
        %add3A_1267 = vector.broadcast %add3A_1266 : i32 to vector<16xi32>
        %add3A_1268 = arith.addi %add3A_1267, %iota3A : vector<16xi32>
        %gather3A_1269 = tpu.vector_load_idx %arg10[%add3A_1268, %add3A_1255] : memref<64x128xf32, #tpu.memory_space<vmem>>[vector<16xi32>, vector<16xi32>], vector<16xf32>,
        tpu.vector_store_idx %arg12[%add3A_1268, %add3A_1250], %gather3A_1269 : memref<64x128xf32, #tpu.memory_space<vmem>>[vector<16xi32>, vector<16xi32>], vector<16xf32>,
        %gather3A_1270 = tpu.vector_load_idx %arg11[%add3A_1268, %add3A_1255] : memref<64x128xf32, #tpu.memory_space<vmem>>[vector<16xi32>, vector<16xi32>], vector<16xf32>,
        tpu.vector_store_idx %arg13[%add3A_1268, %add3A_1250], %gather3A_1270 : memref<64x128xf32, #tpu.memory_space<vmem>>[vector<16xi32>, vector<16xi32>], vector<16xf32>,
        %add3A_1271 = arith.constant 48 : i32
        %add3A_1272 = vector.broadcast %add3A_1271 : i32 to vector<16xi32>
        %add3A_1273 = arith.addi %add3A_1272, %iota3A : vector<16xi32>
        %gather3A_1274 = tpu.vector_load_idx %arg10[%add3A_1273, %add3A_1255] : memref<64x128xf32, #tpu.memory_space<vmem>>[vector<16xi32>, vector<16xi32>], vector<16xf32>,
        tpu.vector_store_idx %arg12[%add3A_1273, %add3A_1250], %gather3A_1274 : memref<64x128xf32, #tpu.memory_space<vmem>>[vector<16xi32>, vector<16xi32>], vector<16xf32>,
        %gather3A_1275 = tpu.vector_load_idx %arg11[%add3A_1273, %add3A_1255] : memref<64x128xf32, #tpu.memory_space<vmem>>[vector<16xi32>, vector<16xi32>], vector<16xf32>,
        tpu.vector_store_idx %arg13[%add3A_1273, %add3A_1250], %gather3A_1275 : memref<64x128xf32, #tpu.memory_space<vmem>>[vector<16xi32>, vector<16xi32>], vector<16xf32>,
        %slice3A_1276 = vector.extract_strided_slice %min3A_88 {offsets = [12], sizes = [1], strides = [1]} : vector<16xi32> to vector<1xi32>
        %squeeze3A_1277 = vector.extract %slice3A_1276[0] : i32 from vector<1xi32>
        %jit3A_1278 = arith.constant 128 : i32
        %div3A_1279 = arith.divsi %squeeze3A_1277, %jit3A_1278 : i32
        %sign3A_1280 = arith.constant 0 : i32
        %sign3A_1281 = arith.cmpi sgt, %squeeze3A_1277, %sign3A_1280 : i32
        %sign3A_1282 = arith.extui %sign3A_1281 : i1 to i32
        %sign3A_1283 = arith.constant 0 : i32
        %sign3A_1284 = arith.cmpi slt, %squeeze3A_1277, %sign3A_1283 : i32
        %sign3A_1285 = arith.extui %sign3A_1284 : i1 to i32
        %sign3A_1286 = arith.subi %sign3A_1282, %sign3A_1285 : i32
        %sign3A_1287 = arith.constant 0 : i32
        %sign3A_1288 = arith.cmpi sgt, %jit3A_1278, %sign3A_1287 : i32
        %sign3A_1289 = arith.extui %sign3A_1288 : i1 to i32
        %sign3A_1290 = arith.constant 0 : i32
        %sign3A_1291 = arith.cmpi slt, %jit3A_1278, %sign3A_1290 : i32
        %sign3A_1292 = arith.extui %sign3A_1291 : i1 to i32
        %sign3A_1293 = arith.subi %sign3A_1289, %sign3A_1292 : i32
        %ne3A_1294 = arith.cmpi ne, %sign3A_1286, %sign3A_1293 : i32
        %rem3A_1295 = arith.remsi %squeeze3A_1277, %jit3A_1278 : i32
        %ne3A_1296 = arith.constant 0 : i32
        %ne3A_1297 = arith.cmpi ne, %rem3A_1295, %ne3A_1296 : i32
        %and3A_1298 = arith.andi %ne3A_1294, %ne3A_1297 : i1
        %sub3A_1299 = arith.constant 1 : i32
        %sub3A_1300 = arith.subi %div3A_1279, %sub3A_1299 : i32
        %select_n3A_1301 = arith.select %and3A_1298, %sub3A_1300, %div3A_1279 : i32
        %mul3A_1302 = arith.constant 128 : i32
        %mul3A_1303 = arith.muli %select_n3A_1301, %mul3A_1302 : i32
        %multiple_of3A_1304 = tpu.assume_multiple %mul3A_1303, 128 : i32
        %ne3A_1305 = arith.cmpi ne, %multiple_of3A_1304, %multiple_of3A_1205 : i32
        %convert_element_type3A_1306 = arith.extui %ne3A_1305 : i1 to i32
        %cond3A_1307 = arith.constant 0 : i32
        %cond3A_1308 = arith.cmpi ne, %convert_element_type3A_1306, %cond3A_1307 : i32
        scf.if %cond3A_1308 {
          "tpu.region"() ({
            %run_scoped3A = tpu.sem_alloc : memref<!tpu.dma_semaphore, #tpu.memory_space<semaphore_mem>>
            %dma_start3A = arith.constant 0 : i32
            %dma_start3A_1693 = tpu.memref_slice %arg2[%dma_start3A, %multiple_of3A_1304] : memref<64x131072xf32, #tpu.memory_space<hbm>> -> memref<64x128xf32, #tpu.memory_space<hbm>>
            %dma_start3A_1694 = arith.constant 0 : i32
            %dma_start3A_1695 = tpu.memref_slice %arg2[%dma_start3A_1694, %multiple_of3A_1304] : memref<64x131072xf32, #tpu.memory_space<hbm>> -> memref<64x128xf32, #tpu.memory_space<hbm>>
            tpu.enqueue_dma source(%dma_start3A_1695 : memref<64x128xf32, #tpu.memory_space<hbm>>) target(%arg10 : memref<64x128xf32, #tpu.memory_space<vmem>>) target_semaphore(%run_scoped3A : memref<!tpu.dma_semaphore, #tpu.memory_space<semaphore_mem>>)
            %dma_wait3A = arith.constant 0 : i32
            %dma_wait3A_1696 = tpu.memref_slice %arg2[%dma_wait3A, %multiple_of3A_1304] : memref<64x131072xf32, #tpu.memory_space<hbm>> -> memref<64x128xf32, #tpu.memory_space<hbm>>
            %dma_wait3A_1697 = arith.constant 0 : i32
            %dma_wait3A_1698 = tpu.memref_slice %arg2[%dma_wait3A_1697, %multiple_of3A_1304] : memref<64x131072xf32, #tpu.memory_space<hbm>> -> memref<64x128xf32, #tpu.memory_space<hbm>>
            tpu.wait_dma2 semaphore(%run_scoped3A : memref<!tpu.dma_semaphore, #tpu.memory_space<semaphore_mem>>) src(%dma_wait3A_1698 : memref<64x128xf32, #tpu.memory_space<hbm>>) dst(%arg10 : memref<64x128xf32, #tpu.memory_space<vmem>>)
            tpu.yield
          }) : () -> ()
          "tpu.region"() ({
            %run_scoped3A = tpu.sem_alloc : memref<!tpu.dma_semaphore, #tpu.memory_space<semaphore_mem>>
            %dma_start3A = arith.constant 0 : i32
            %dma_start3A_1693 = tpu.memref_slice %arg3[%dma_start3A, %multiple_of3A_1304] : memref<64x131072xf32, #tpu.memory_space<hbm>> -> memref<64x128xf32, #tpu.memory_space<hbm>>
            %dma_start3A_1694 = arith.constant 0 : i32
            %dma_start3A_1695 = tpu.memref_slice %arg3[%dma_start3A_1694, %multiple_of3A_1304] : memref<64x131072xf32, #tpu.memory_space<hbm>> -> memref<64x128xf32, #tpu.memory_space<hbm>>
            tpu.enqueue_dma source(%dma_start3A_1695 : memref<64x128xf32, #tpu.memory_space<hbm>>) target(%arg11 : memref<64x128xf32, #tpu.memory_space<vmem>>) target_semaphore(%run_scoped3A : memref<!tpu.dma_semaphore, #tpu.memory_space<semaphore_mem>>)
            %dma_wait3A = arith.constant 0 : i32
            %dma_wait3A_1696 = tpu.memref_slice %arg3[%dma_wait3A, %multiple_of3A_1304] : memref<64x131072xf32, #tpu.memory_space<hbm>> -> memref<64x128xf32, #tpu.memory_space<hbm>>
            %dma_wait3A_1697 = arith.constant 0 : i32
            %dma_wait3A_1698 = tpu.memref_slice %arg3[%dma_wait3A_1697, %multiple_of3A_1304] : memref<64x131072xf32, #tpu.memory_space<hbm>> -> memref<64x128xf32, #tpu.memory_space<hbm>>
            tpu.wait_dma2 semaphore(%run_scoped3A : memref<!tpu.dma_semaphore, #tpu.memory_space<semaphore_mem>>) src(%dma_wait3A_1698 : memref<64x128xf32, #tpu.memory_space<hbm>>) dst(%arg11 : memref<64x128xf32, #tpu.memory_space<vmem>>)
            tpu.yield
          }) : () -> ()
        } else {
        }
        %jit3A_1309 = arith.constant 128 : i32
        %eq3A_1310 = arith.constant 0 : i32
        %eq3A_1311 = arith.cmpi eq, %jit3A_1309, %eq3A_1310 : i32
        %jit3A_1312 = arith.constant 1 : i32
        %select_n3A_1313 = arith.select %eq3A_1311, %jit3A_1312, %jit3A_1309 : i32
        %rem3A_1314 = arith.remsi %squeeze3A_1277, %select_n3A_1313 : i32
        %ne3A_1315 = arith.constant 0 : i32
        %ne3A_1316 = arith.cmpi ne, %rem3A_1314, %ne3A_1315 : i32
        %lt3A_1317 = arith.constant 0 : i32
        %lt3A_1318 = arith.cmpi slt, %rem3A_1314, %lt3A_1317 : i32
        %lt3A_1319 = arith.constant 0 : i32
        %lt3A_1320 = arith.cmpi slt, %select_n3A_1313, %lt3A_1319 : i32
        %ne3A_1321 = arith.xori %lt3A_1318, %lt3A_1320 : i1
        %and3A_1322 = arith.andi %ne3A_1321, %ne3A_1316 : i1
        %add3A_1323 = arith.addi %rem3A_1314, %select_n3A_1313 : i32
        %select_n3A_1324 = arith.select %and3A_1322, %add3A_1323, %rem3A_1314 : i32
        %jit3A_1325 = arith.constant 8 : i32
        %eq3A_1326 = arith.constant 0 : i32
        %eq3A_1327 = arith.cmpi eq, %jit3A_1325, %eq3A_1326 : i32
        %jit3A_1328 = arith.constant 1 : i32
        %select_n3A_1329 = arith.select %eq3A_1327, %jit3A_1328, %jit3A_1325 : i32
        %rem3A_1330 = arith.remsi %scan3A_79, %select_n3A_1329 : i32
        %ne3A_1331 = arith.constant 0 : i32
        %ne3A_1332 = arith.cmpi ne, %rem3A_1330, %ne3A_1331 : i32
        %lt3A_1333 = arith.constant 0 : i32
        %lt3A_1334 = arith.cmpi slt, %rem3A_1330, %lt3A_1333 : i32
        %lt3A_1335 = arith.constant 0 : i32
        %lt3A_1336 = arith.cmpi slt, %select_n3A_1329, %lt3A_1335 : i32
        %ne3A_1337 = arith.xori %lt3A_1334, %lt3A_1336 : i1
        %and3A_1338 = arith.andi %ne3A_1337, %ne3A_1332 : i1
        %add3A_1339 = arith.addi %rem3A_1330, %select_n3A_1329 : i32
        %select_n3A_1340 = arith.select %and3A_1338, %add3A_1339, %rem3A_1330 : i32
        %mul3A_1341 = arith.constant 16 : i32
        %mul3A_1342 = arith.muli %select_n3A_1340, %mul3A_1341 : i32
        %add3A_1343 = arith.constant 12 : i32
        %add3A_1344 = arith.addi %mul3A_1342, %add3A_1343 : i32
        %mul3A_1345 = arith.constant 0 : i32
        %mul3A_1346 = vector.broadcast %mul3A_1345 : i32 to vector<16xi32>
        %mul3A_1347 = arith.muli %mul3A_1346, %iota3A : vector<16xi32>
        %add3A_1348 = vector.broadcast %add3A_1344 : i32 to vector<16xi32>
        %add3A_1349 = arith.addi %add3A_1348, %mul3A_1347 : vector<16xi32>
        %mul3A_1350 = arith.constant 0 : i32
        %mul3A_1351 = vector.broadcast %mul3A_1350 : i32 to vector<16xi32>
        %mul3A_1352 = arith.muli %mul3A_1351, %iota3A : vector<16xi32>
        %add3A_1353 = vector.broadcast %select_n3A_1324 : i32 to vector<16xi32>
        %add3A_1354 = arith.addi %add3A_1353, %mul3A_1352 : vector<16xi32>
        %add3A_1355 = arith.constant 0 : i32
        %add3A_1356 = vector.broadcast %add3A_1355 : i32 to vector<16xi32>
        %add3A_1357 = arith.addi %add3A_1356, %iota3A : vector<16xi32>
        %gather3A_1358 = tpu.vector_load_idx %arg10[%add3A_1357, %add3A_1354] : memref<64x128xf32, #tpu.memory_space<vmem>>[vector<16xi32>, vector<16xi32>], vector<16xf32>,
        tpu.vector_store_idx %arg12[%add3A_1357, %add3A_1349], %gather3A_1358 : memref<64x128xf32, #tpu.memory_space<vmem>>[vector<16xi32>, vector<16xi32>], vector<16xf32>,
        %gather3A_1359 = tpu.vector_load_idx %arg11[%add3A_1357, %add3A_1354] : memref<64x128xf32, #tpu.memory_space<vmem>>[vector<16xi32>, vector<16xi32>], vector<16xf32>,
        tpu.vector_store_idx %arg13[%add3A_1357, %add3A_1349], %gather3A_1359 : memref<64x128xf32, #tpu.memory_space<vmem>>[vector<16xi32>, vector<16xi32>], vector<16xf32>,
        %add3A_1360 = arith.constant 16 : i32
        %add3A_1361 = vector.broadcast %add3A_1360 : i32 to vector<16xi32>
        %add3A_1362 = arith.addi %add3A_1361, %iota3A : vector<16xi32>
        %gather3A_1363 = tpu.vector_load_idx %arg10[%add3A_1362, %add3A_1354] : memref<64x128xf32, #tpu.memory_space<vmem>>[vector<16xi32>, vector<16xi32>], vector<16xf32>,
        tpu.vector_store_idx %arg12[%add3A_1362, %add3A_1349], %gather3A_1363 : memref<64x128xf32, #tpu.memory_space<vmem>>[vector<16xi32>, vector<16xi32>], vector<16xf32>,
        %gather3A_1364 = tpu.vector_load_idx %arg11[%add3A_1362, %add3A_1354] : memref<64x128xf32, #tpu.memory_space<vmem>>[vector<16xi32>, vector<16xi32>], vector<16xf32>,
        tpu.vector_store_idx %arg13[%add3A_1362, %add3A_1349], %gather3A_1364 : memref<64x128xf32, #tpu.memory_space<vmem>>[vector<16xi32>, vector<16xi32>], vector<16xf32>,
        %add3A_1365 = arith.constant 32 : i32
        %add3A_1366 = vector.broadcast %add3A_1365 : i32 to vector<16xi32>
        %add3A_1367 = arith.addi %add3A_1366, %iota3A : vector<16xi32>
        %gather3A_1368 = tpu.vector_load_idx %arg10[%add3A_1367, %add3A_1354] : memref<64x128xf32, #tpu.memory_space<vmem>>[vector<16xi32>, vector<16xi32>], vector<16xf32>,
        tpu.vector_store_idx %arg12[%add3A_1367, %add3A_1349], %gather3A_1368 : memref<64x128xf32, #tpu.memory_space<vmem>>[vector<16xi32>, vector<16xi32>], vector<16xf32>,
        %gather3A_1369 = tpu.vector_load_idx %arg11[%add3A_1367, %add3A_1354] : memref<64x128xf32, #tpu.memory_space<vmem>>[vector<16xi32>, vector<16xi32>], vector<16xf32>,
        tpu.vector_store_idx %arg13[%add3A_1367, %add3A_1349], %gather3A_1369 : memref<64x128xf32, #tpu.memory_space<vmem>>[vector<16xi32>, vector<16xi32>], vector<16xf32>,
        %add3A_1370 = arith.constant 48 : i32
        %add3A_1371 = vector.broadcast %add3A_1370 : i32 to vector<16xi32>
        %add3A_1372 = arith.addi %add3A_1371, %iota3A : vector<16xi32>
        %gather3A_1373 = tpu.vector_load_idx %arg10[%add3A_1372, %add3A_1354] : memref<64x128xf32, #tpu.memory_space<vmem>>[vector<16xi32>, vector<16xi32>], vector<16xf32>,
        tpu.vector_store_idx %arg12[%add3A_1372, %add3A_1349], %gather3A_1373 : memref<64x128xf32, #tpu.memory_space<vmem>>[vector<16xi32>, vector<16xi32>], vector<16xf32>,
        %gather3A_1374 = tpu.vector_load_idx %arg11[%add3A_1372, %add3A_1354] : memref<64x128xf32, #tpu.memory_space<vmem>>[vector<16xi32>, vector<16xi32>], vector<16xf32>,
        tpu.vector_store_idx %arg13[%add3A_1372, %add3A_1349], %gather3A_1374 : memref<64x128xf32, #tpu.memory_space<vmem>>[vector<16xi32>, vector<16xi32>], vector<16xf32>,
        %slice3A_1375 = vector.extract_strided_slice %min3A_88 {offsets = [13], sizes = [1], strides = [1]} : vector<16xi32> to vector<1xi32>
        %squeeze3A_1376 = vector.extract %slice3A_1375[0] : i32 from vector<1xi32>
        %jit3A_1377 = arith.constant 128 : i32
        %div3A_1378 = arith.divsi %squeeze3A_1376, %jit3A_1377 : i32
        %sign3A_1379 = arith.constant 0 : i32
        %sign3A_1380 = arith.cmpi sgt, %squeeze3A_1376, %sign3A_1379 : i32
        %sign3A_1381 = arith.extui %sign3A_1380 : i1 to i32
        %sign3A_1382 = arith.constant 0 : i32
        %sign3A_1383 = arith.cmpi slt, %squeeze3A_1376, %sign3A_1382 : i32
        %sign3A_1384 = arith.extui %sign3A_1383 : i1 to i32
        %sign3A_1385 = arith.subi %sign3A_1381, %sign3A_1384 : i32
        %sign3A_1386 = arith.constant 0 : i32
        %sign3A_1387 = arith.cmpi sgt, %jit3A_1377, %sign3A_1386 : i32
        %sign3A_1388 = arith.extui %sign3A_1387 : i1 to i32
        %sign3A_1389 = arith.constant 0 : i32
        %sign3A_1390 = arith.cmpi slt, %jit3A_1377, %sign3A_1389 : i32
        %sign3A_1391 = arith.extui %sign3A_1390 : i1 to i32
        %sign3A_1392 = arith.subi %sign3A_1388, %sign3A_1391 : i32
        %ne3A_1393 = arith.cmpi ne, %sign3A_1385, %sign3A_1392 : i32
        %rem3A_1394 = arith.remsi %squeeze3A_1376, %jit3A_1377 : i32
        %ne3A_1395 = arith.constant 0 : i32
        %ne3A_1396 = arith.cmpi ne, %rem3A_1394, %ne3A_1395 : i32
        %and3A_1397 = arith.andi %ne3A_1393, %ne3A_1396 : i1
        %sub3A_1398 = arith.constant 1 : i32
        %sub3A_1399 = arith.subi %div3A_1378, %sub3A_1398 : i32
        %select_n3A_1400 = arith.select %and3A_1397, %sub3A_1399, %div3A_1378 : i32
        %mul3A_1401 = arith.constant 128 : i32
        %mul3A_1402 = arith.muli %select_n3A_1400, %mul3A_1401 : i32
        %multiple_of3A_1403 = tpu.assume_multiple %mul3A_1402, 128 : i32
        %ne3A_1404 = arith.cmpi ne, %multiple_of3A_1403, %multiple_of3A_1304 : i32
        %convert_element_type3A_1405 = arith.extui %ne3A_1404 : i1 to i32
        %cond3A_1406 = arith.constant 0 : i32
        %cond3A_1407 = arith.cmpi ne, %convert_element_type3A_1405, %cond3A_1406 : i32
        scf.if %cond3A_1407 {
          "tpu.region"() ({
            %run_scoped3A = tpu.sem_alloc : memref<!tpu.dma_semaphore, #tpu.memory_space<semaphore_mem>>
            %dma_start3A = arith.constant 0 : i32
            %dma_start3A_1693 = tpu.memref_slice %arg2[%dma_start3A, %multiple_of3A_1403] : memref<64x131072xf32, #tpu.memory_space<hbm>> -> memref<64x128xf32, #tpu.memory_space<hbm>>
            %dma_start3A_1694 = arith.constant 0 : i32
            %dma_start3A_1695 = tpu.memref_slice %arg2[%dma_start3A_1694, %multiple_of3A_1403] : memref<64x131072xf32, #tpu.memory_space<hbm>> -> memref<64x128xf32, #tpu.memory_space<hbm>>
            tpu.enqueue_dma source(%dma_start3A_1695 : memref<64x128xf32, #tpu.memory_space<hbm>>) target(%arg10 : memref<64x128xf32, #tpu.memory_space<vmem>>) target_semaphore(%run_scoped3A : memref<!tpu.dma_semaphore, #tpu.memory_space<semaphore_mem>>)
            %dma_wait3A = arith.constant 0 : i32
            %dma_wait3A_1696 = tpu.memref_slice %arg2[%dma_wait3A, %multiple_of3A_1403] : memref<64x131072xf32, #tpu.memory_space<hbm>> -> memref<64x128xf32, #tpu.memory_space<hbm>>
            %dma_wait3A_1697 = arith.constant 0 : i32
            %dma_wait3A_1698 = tpu.memref_slice %arg2[%dma_wait3A_1697, %multiple_of3A_1403] : memref<64x131072xf32, #tpu.memory_space<hbm>> -> memref<64x128xf32, #tpu.memory_space<hbm>>
            tpu.wait_dma2 semaphore(%run_scoped3A : memref<!tpu.dma_semaphore, #tpu.memory_space<semaphore_mem>>) src(%dma_wait3A_1698 : memref<64x128xf32, #tpu.memory_space<hbm>>) dst(%arg10 : memref<64x128xf32, #tpu.memory_space<vmem>>)
            tpu.yield
          }) : () -> ()
          "tpu.region"() ({
            %run_scoped3A = tpu.sem_alloc : memref<!tpu.dma_semaphore, #tpu.memory_space<semaphore_mem>>
            %dma_start3A = arith.constant 0 : i32
            %dma_start3A_1693 = tpu.memref_slice %arg3[%dma_start3A, %multiple_of3A_1403] : memref<64x131072xf32, #tpu.memory_space<hbm>> -> memref<64x128xf32, #tpu.memory_space<hbm>>
            %dma_start3A_1694 = arith.constant 0 : i32
            %dma_start3A_1695 = tpu.memref_slice %arg3[%dma_start3A_1694, %multiple_of3A_1403] : memref<64x131072xf32, #tpu.memory_space<hbm>> -> memref<64x128xf32, #tpu.memory_space<hbm>>
            tpu.enqueue_dma source(%dma_start3A_1695 : memref<64x128xf32, #tpu.memory_space<hbm>>) target(%arg11 : memref<64x128xf32, #tpu.memory_space<vmem>>) target_semaphore(%run_scoped3A : memref<!tpu.dma_semaphore, #tpu.memory_space<semaphore_mem>>)
            %dma_wait3A = arith.constant 0 : i32
            %dma_wait3A_1696 = tpu.memref_slice %arg3[%dma_wait3A, %multiple_of3A_1403] : memref<64x131072xf32, #tpu.memory_space<hbm>> -> memref<64x128xf32, #tpu.memory_space<hbm>>
            %dma_wait3A_1697 = arith.constant 0 : i32
            %dma_wait3A_1698 = tpu.memref_slice %arg3[%dma_wait3A_1697, %multiple_of3A_1403] : memref<64x131072xf32, #tpu.memory_space<hbm>> -> memref<64x128xf32, #tpu.memory_space<hbm>>
            tpu.wait_dma2 semaphore(%run_scoped3A : memref<!tpu.dma_semaphore, #tpu.memory_space<semaphore_mem>>) src(%dma_wait3A_1698 : memref<64x128xf32, #tpu.memory_space<hbm>>) dst(%arg11 : memref<64x128xf32, #tpu.memory_space<vmem>>)
            tpu.yield
          }) : () -> ()
        } else {
        }
        %jit3A_1408 = arith.constant 128 : i32
        %eq3A_1409 = arith.constant 0 : i32
        %eq3A_1410 = arith.cmpi eq, %jit3A_1408, %eq3A_1409 : i32
        %jit3A_1411 = arith.constant 1 : i32
        %select_n3A_1412 = arith.select %eq3A_1410, %jit3A_1411, %jit3A_1408 : i32
        %rem3A_1413 = arith.remsi %squeeze3A_1376, %select_n3A_1412 : i32
        %ne3A_1414 = arith.constant 0 : i32
        %ne3A_1415 = arith.cmpi ne, %rem3A_1413, %ne3A_1414 : i32
        %lt3A_1416 = arith.constant 0 : i32
        %lt3A_1417 = arith.cmpi slt, %rem3A_1413, %lt3A_1416 : i32
        %lt3A_1418 = arith.constant 0 : i32
        %lt3A_1419 = arith.cmpi slt, %select_n3A_1412, %lt3A_1418 : i32
        %ne3A_1420 = arith.xori %lt3A_1417, %lt3A_1419 : i1
        %and3A_1421 = arith.andi %ne3A_1420, %ne3A_1415 : i1
        %add3A_1422 = arith.addi %rem3A_1413, %select_n3A_1412 : i32
        %select_n3A_1423 = arith.select %and3A_1421, %add3A_1422, %rem3A_1413 : i32
        %jit3A_1424 = arith.constant 8 : i32
        %eq3A_1425 = arith.constant 0 : i32
        %eq3A_1426 = arith.cmpi eq, %jit3A_1424, %eq3A_1425 : i32
        %jit3A_1427 = arith.constant 1 : i32
        %select_n3A_1428 = arith.select %eq3A_1426, %jit3A_1427, %jit3A_1424 : i32
        %rem3A_1429 = arith.remsi %scan3A_79, %select_n3A_1428 : i32
        %ne3A_1430 = arith.constant 0 : i32
        %ne3A_1431 = arith.cmpi ne, %rem3A_1429, %ne3A_1430 : i32
        %lt3A_1432 = arith.constant 0 : i32
        %lt3A_1433 = arith.cmpi slt, %rem3A_1429, %lt3A_1432 : i32
        %lt3A_1434 = arith.constant 0 : i32
        %lt3A_1435 = arith.cmpi slt, %select_n3A_1428, %lt3A_1434 : i32
        %ne3A_1436 = arith.xori %lt3A_1433, %lt3A_1435 : i1
        %and3A_1437 = arith.andi %ne3A_1436, %ne3A_1431 : i1
        %add3A_1438 = arith.addi %rem3A_1429, %select_n3A_1428 : i32
        %select_n3A_1439 = arith.select %and3A_1437, %add3A_1438, %rem3A_1429 : i32
        %mul3A_1440 = arith.constant 16 : i32
        %mul3A_1441 = arith.muli %select_n3A_1439, %mul3A_1440 : i32
        %add3A_1442 = arith.constant 13 : i32
        %add3A_1443 = arith.addi %mul3A_1441, %add3A_1442 : i32
        %mul3A_1444 = arith.constant 0 : i32
        %mul3A_1445 = vector.broadcast %mul3A_1444 : i32 to vector<16xi32>
        %mul3A_1446 = arith.muli %mul3A_1445, %iota3A : vector<16xi32>
        %add3A_1447 = vector.broadcast %add3A_1443 : i32 to vector<16xi32>
        %add3A_1448 = arith.addi %add3A_1447, %mul3A_1446 : vector<16xi32>
        %mul3A_1449 = arith.constant 0 : i32
        %mul3A_1450 = vector.broadcast %mul3A_1449 : i32 to vector<16xi32>
        %mul3A_1451 = arith.muli %mul3A_1450, %iota3A : vector<16xi32>
        %add3A_1452 = vector.broadcast %select_n3A_1423 : i32 to vector<16xi32>
        %add3A_1453 = arith.addi %add3A_1452, %mul3A_1451 : vector<16xi32>
        %add3A_1454 = arith.constant 0 : i32
        %add3A_1455 = vector.broadcast %add3A_1454 : i32 to vector<16xi32>
        %add3A_1456 = arith.addi %add3A_1455, %iota3A : vector<16xi32>
        %gather3A_1457 = tpu.vector_load_idx %arg10[%add3A_1456, %add3A_1453] : memref<64x128xf32, #tpu.memory_space<vmem>>[vector<16xi32>, vector<16xi32>], vector<16xf32>,
        tpu.vector_store_idx %arg12[%add3A_1456, %add3A_1448], %gather3A_1457 : memref<64x128xf32, #tpu.memory_space<vmem>>[vector<16xi32>, vector<16xi32>], vector<16xf32>,
        %gather3A_1458 = tpu.vector_load_idx %arg11[%add3A_1456, %add3A_1453] : memref<64x128xf32, #tpu.memory_space<vmem>>[vector<16xi32>, vector<16xi32>], vector<16xf32>,
        tpu.vector_store_idx %arg13[%add3A_1456, %add3A_1448], %gather3A_1458 : memref<64x128xf32, #tpu.memory_space<vmem>>[vector<16xi32>, vector<16xi32>], vector<16xf32>,
        %add3A_1459 = arith.constant 16 : i32
        %add3A_1460 = vector.broadcast %add3A_1459 : i32 to vector<16xi32>
        %add3A_1461 = arith.addi %add3A_1460, %iota3A : vector<16xi32>
        %gather3A_1462 = tpu.vector_load_idx %arg10[%add3A_1461, %add3A_1453] : memref<64x128xf32, #tpu.memory_space<vmem>>[vector<16xi32>, vector<16xi32>], vector<16xf32>,
        tpu.vector_store_idx %arg12[%add3A_1461, %add3A_1448], %gather3A_1462 : memref<64x128xf32, #tpu.memory_space<vmem>>[vector<16xi32>, vector<16xi32>], vector<16xf32>,
        %gather3A_1463 = tpu.vector_load_idx %arg11[%add3A_1461, %add3A_1453] : memref<64x128xf32, #tpu.memory_space<vmem>>[vector<16xi32>, vector<16xi32>], vector<16xf32>,
        tpu.vector_store_idx %arg13[%add3A_1461, %add3A_1448], %gather3A_1463 : memref<64x128xf32, #tpu.memory_space<vmem>>[vector<16xi32>, vector<16xi32>], vector<16xf32>,
        %add3A_1464 = arith.constant 32 : i32
        %add3A_1465 = vector.broadcast %add3A_1464 : i32 to vector<16xi32>
        %add3A_1466 = arith.addi %add3A_1465, %iota3A : vector<16xi32>
        %gather3A_1467 = tpu.vector_load_idx %arg10[%add3A_1466, %add3A_1453] : memref<64x128xf32, #tpu.memory_space<vmem>>[vector<16xi32>, vector<16xi32>], vector<16xf32>,
        tpu.vector_store_idx %arg12[%add3A_1466, %add3A_1448], %gather3A_1467 : memref<64x128xf32, #tpu.memory_space<vmem>>[vector<16xi32>, vector<16xi32>], vector<16xf32>,
        %gather3A_1468 = tpu.vector_load_idx %arg11[%add3A_1466, %add3A_1453] : memref<64x128xf32, #tpu.memory_space<vmem>>[vector<16xi32>, vector<16xi32>], vector<16xf32>,
        tpu.vector_store_idx %arg13[%add3A_1466, %add3A_1448], %gather3A_1468 : memref<64x128xf32, #tpu.memory_space<vmem>>[vector<16xi32>, vector<16xi32>], vector<16xf32>,
        %add3A_1469 = arith.constant 48 : i32
        %add3A_1470 = vector.broadcast %add3A_1469 : i32 to vector<16xi32>
        %add3A_1471 = arith.addi %add3A_1470, %iota3A : vector<16xi32>
        %gather3A_1472 = tpu.vector_load_idx %arg10[%add3A_1471, %add3A_1453] : memref<64x128xf32, #tpu.memory_space<vmem>>[vector<16xi32>, vector<16xi32>], vector<16xf32>,
        tpu.vector_store_idx %arg12[%add3A_1471, %add3A_1448], %gather3A_1472 : memref<64x128xf32, #tpu.memory_space<vmem>>[vector<16xi32>, vector<16xi32>], vector<16xf32>,
        %gather3A_1473 = tpu.vector_load_idx %arg11[%add3A_1471, %add3A_1453] : memref<64x128xf32, #tpu.memory_space<vmem>>[vector<16xi32>, vector<16xi32>], vector<16xf32>,
        tpu.vector_store_idx %arg13[%add3A_1471, %add3A_1448], %gather3A_1473 : memref<64x128xf32, #tpu.memory_space<vmem>>[vector<16xi32>, vector<16xi32>], vector<16xf32>,
        %slice3A_1474 = vector.extract_strided_slice %min3A_88 {offsets = [14], sizes = [1], strides = [1]} : vector<16xi32> to vector<1xi32>
        %squeeze3A_1475 = vector.extract %slice3A_1474[0] : i32 from vector<1xi32>
        %jit3A_1476 = arith.constant 128 : i32
        %div3A_1477 = arith.divsi %squeeze3A_1475, %jit3A_1476 : i32
        %sign3A_1478 = arith.constant 0 : i32
        %sign3A_1479 = arith.cmpi sgt, %squeeze3A_1475, %sign3A_1478 : i32
        %sign3A_1480 = arith.extui %sign3A_1479 : i1 to i32
        %sign3A_1481 = arith.constant 0 : i32
        %sign3A_1482 = arith.cmpi slt, %squeeze3A_1475, %sign3A_1481 : i32
        %sign3A_1483 = arith.extui %sign3A_1482 : i1 to i32
        %sign3A_1484 = arith.subi %sign3A_1480, %sign3A_1483 : i32
        %sign3A_1485 = arith.constant 0 : i32
        %sign3A_1486 = arith.cmpi sgt, %jit3A_1476, %sign3A_1485 : i32
        %sign3A_1487 = arith.extui %sign3A_1486 : i1 to i32
        %sign3A_1488 = arith.constant 0 : i32
        %sign3A_1489 = arith.cmpi slt, %jit3A_1476, %sign3A_1488 : i32
        %sign3A_1490 = arith.extui %sign3A_1489 : i1 to i32
        %sign3A_1491 = arith.subi %sign3A_1487, %sign3A_1490 : i32
        %ne3A_1492 = arith.cmpi ne, %sign3A_1484, %sign3A_1491 : i32
        %rem3A_1493 = arith.remsi %squeeze3A_1475, %jit3A_1476 : i32
        %ne3A_1494 = arith.constant 0 : i32
        %ne3A_1495 = arith.cmpi ne, %rem3A_1493, %ne3A_1494 : i32
        %and3A_1496 = arith.andi %ne3A_1492, %ne3A_1495 : i1
        %sub3A_1497 = arith.constant 1 : i32
        %sub3A_1498 = arith.subi %div3A_1477, %sub3A_1497 : i32
        %select_n3A_1499 = arith.select %and3A_1496, %sub3A_1498, %div3A_1477 : i32
        %mul3A_1500 = arith.constant 128 : i32
        %mul3A_1501 = arith.muli %select_n3A_1499, %mul3A_1500 : i32
        %multiple_of3A_1502 = tpu.assume_multiple %mul3A_1501, 128 : i32
        %ne3A_1503 = arith.cmpi ne, %multiple_of3A_1502, %multiple_of3A_1403 : i32
        %convert_element_type3A_1504 = arith.extui %ne3A_1503 : i1 to i32
        %cond3A_1505 = arith.constant 0 : i32
        %cond3A_1506 = arith.cmpi ne, %convert_element_type3A_1504, %cond3A_1505 : i32
        scf.if %cond3A_1506 {
          "tpu.region"() ({
            %run_scoped3A = tpu.sem_alloc : memref<!tpu.dma_semaphore, #tpu.memory_space<semaphore_mem>>
            %dma_start3A = arith.constant 0 : i32
            %dma_start3A_1693 = tpu.memref_slice %arg2[%dma_start3A, %multiple_of3A_1502] : memref<64x131072xf32, #tpu.memory_space<hbm>> -> memref<64x128xf32, #tpu.memory_space<hbm>>
            %dma_start3A_1694 = arith.constant 0 : i32
            %dma_start3A_1695 = tpu.memref_slice %arg2[%dma_start3A_1694, %multiple_of3A_1502] : memref<64x131072xf32, #tpu.memory_space<hbm>> -> memref<64x128xf32, #tpu.memory_space<hbm>>
            tpu.enqueue_dma source(%dma_start3A_1695 : memref<64x128xf32, #tpu.memory_space<hbm>>) target(%arg10 : memref<64x128xf32, #tpu.memory_space<vmem>>) target_semaphore(%run_scoped3A : memref<!tpu.dma_semaphore, #tpu.memory_space<semaphore_mem>>)
            %dma_wait3A = arith.constant 0 : i32
            %dma_wait3A_1696 = tpu.memref_slice %arg2[%dma_wait3A, %multiple_of3A_1502] : memref<64x131072xf32, #tpu.memory_space<hbm>> -> memref<64x128xf32, #tpu.memory_space<hbm>>
            %dma_wait3A_1697 = arith.constant 0 : i32
            %dma_wait3A_1698 = tpu.memref_slice %arg2[%dma_wait3A_1697, %multiple_of3A_1502] : memref<64x131072xf32, #tpu.memory_space<hbm>> -> memref<64x128xf32, #tpu.memory_space<hbm>>
            tpu.wait_dma2 semaphore(%run_scoped3A : memref<!tpu.dma_semaphore, #tpu.memory_space<semaphore_mem>>) src(%dma_wait3A_1698 : memref<64x128xf32, #tpu.memory_space<hbm>>) dst(%arg10 : memref<64x128xf32, #tpu.memory_space<vmem>>)
            tpu.yield
          }) : () -> ()
          "tpu.region"() ({
            %run_scoped3A = tpu.sem_alloc : memref<!tpu.dma_semaphore, #tpu.memory_space<semaphore_mem>>
            %dma_start3A = arith.constant 0 : i32
            %dma_start3A_1693 = tpu.memref_slice %arg3[%dma_start3A, %multiple_of3A_1502] : memref<64x131072xf32, #tpu.memory_space<hbm>> -> memref<64x128xf32, #tpu.memory_space<hbm>>
            %dma_start3A_1694 = arith.constant 0 : i32
            %dma_start3A_1695 = tpu.memref_slice %arg3[%dma_start3A_1694, %multiple_of3A_1502] : memref<64x131072xf32, #tpu.memory_space<hbm>> -> memref<64x128xf32, #tpu.memory_space<hbm>>
            tpu.enqueue_dma source(%dma_start3A_1695 : memref<64x128xf32, #tpu.memory_space<hbm>>) target(%arg11 : memref<64x128xf32, #tpu.memory_space<vmem>>) target_semaphore(%run_scoped3A : memref<!tpu.dma_semaphore, #tpu.memory_space<semaphore_mem>>)
            %dma_wait3A = arith.constant 0 : i32
            %dma_wait3A_1696 = tpu.memref_slice %arg3[%dma_wait3A, %multiple_of3A_1502] : memref<64x131072xf32, #tpu.memory_space<hbm>> -> memref<64x128xf32, #tpu.memory_space<hbm>>
            %dma_wait3A_1697 = arith.constant 0 : i32
            %dma_wait3A_1698 = tpu.memref_slice %arg3[%dma_wait3A_1697, %multiple_of3A_1502] : memref<64x131072xf32, #tpu.memory_space<hbm>> -> memref<64x128xf32, #tpu.memory_space<hbm>>
            tpu.wait_dma2 semaphore(%run_scoped3A : memref<!tpu.dma_semaphore, #tpu.memory_space<semaphore_mem>>) src(%dma_wait3A_1698 : memref<64x128xf32, #tpu.memory_space<hbm>>) dst(%arg11 : memref<64x128xf32, #tpu.memory_space<vmem>>)
            tpu.yield
          }) : () -> ()
        } else {
        }
        %jit3A_1507 = arith.constant 128 : i32
        %eq3A_1508 = arith.constant 0 : i32
        %eq3A_1509 = arith.cmpi eq, %jit3A_1507, %eq3A_1508 : i32
        %jit3A_1510 = arith.constant 1 : i32
        %select_n3A_1511 = arith.select %eq3A_1509, %jit3A_1510, %jit3A_1507 : i32
        %rem3A_1512 = arith.remsi %squeeze3A_1475, %select_n3A_1511 : i32
        %ne3A_1513 = arith.constant 0 : i32
        %ne3A_1514 = arith.cmpi ne, %rem3A_1512, %ne3A_1513 : i32
        %lt3A_1515 = arith.constant 0 : i32
        %lt3A_1516 = arith.cmpi slt, %rem3A_1512, %lt3A_1515 : i32
        %lt3A_1517 = arith.constant 0 : i32
        %lt3A_1518 = arith.cmpi slt, %select_n3A_1511, %lt3A_1517 : i32
        %ne3A_1519 = arith.xori %lt3A_1516, %lt3A_1518 : i1
        %and3A_1520 = arith.andi %ne3A_1519, %ne3A_1514 : i1
        %add3A_1521 = arith.addi %rem3A_1512, %select_n3A_1511 : i32
        %select_n3A_1522 = arith.select %and3A_1520, %add3A_1521, %rem3A_1512 : i32
        %jit3A_1523 = arith.constant 8 : i32
        %eq3A_1524 = arith.constant 0 : i32
        %eq3A_1525 = arith.cmpi eq, %jit3A_1523, %eq3A_1524 : i32
        %jit3A_1526 = arith.constant 1 : i32
        %select_n3A_1527 = arith.select %eq3A_1525, %jit3A_1526, %jit3A_1523 : i32
        %rem3A_1528 = arith.remsi %scan3A_79, %select_n3A_1527 : i32
        %ne3A_1529 = arith.constant 0 : i32
        %ne3A_1530 = arith.cmpi ne, %rem3A_1528, %ne3A_1529 : i32
        %lt3A_1531 = arith.constant 0 : i32
        %lt3A_1532 = arith.cmpi slt, %rem3A_1528, %lt3A_1531 : i32
        %lt3A_1533 = arith.constant 0 : i32
        %lt3A_1534 = arith.cmpi slt, %select_n3A_1527, %lt3A_1533 : i32
        %ne3A_1535 = arith.xori %lt3A_1532, %lt3A_1534 : i1
        %and3A_1536 = arith.andi %ne3A_1535, %ne3A_1530 : i1
        %add3A_1537 = arith.addi %rem3A_1528, %select_n3A_1527 : i32
        %select_n3A_1538 = arith.select %and3A_1536, %add3A_1537, %rem3A_1528 : i32
        %mul3A_1539 = arith.constant 16 : i32
        %mul3A_1540 = arith.muli %select_n3A_1538, %mul3A_1539 : i32
        %add3A_1541 = arith.constant 14 : i32
        %add3A_1542 = arith.addi %mul3A_1540, %add3A_1541 : i32
        %mul3A_1543 = arith.constant 0 : i32
        %mul3A_1544 = vector.broadcast %mul3A_1543 : i32 to vector<16xi32>
        %mul3A_1545 = arith.muli %mul3A_1544, %iota3A : vector<16xi32>
        %add3A_1546 = vector.broadcast %add3A_1542 : i32 to vector<16xi32>
        %add3A_1547 = arith.addi %add3A_1546, %mul3A_1545 : vector<16xi32>
        %mul3A_1548 = arith.constant 0 : i32
        %mul3A_1549 = vector.broadcast %mul3A_1548 : i32 to vector<16xi32>
        %mul3A_1550 = arith.muli %mul3A_1549, %iota3A : vector<16xi32>
        %add3A_1551 = vector.broadcast %select_n3A_1522 : i32 to vector<16xi32>
        %add3A_1552 = arith.addi %add3A_1551, %mul3A_1550 : vector<16xi32>
        %add3A_1553 = arith.constant 0 : i32
        %add3A_1554 = vector.broadcast %add3A_1553 : i32 to vector<16xi32>
        %add3A_1555 = arith.addi %add3A_1554, %iota3A : vector<16xi32>
        %gather3A_1556 = tpu.vector_load_idx %arg10[%add3A_1555, %add3A_1552] : memref<64x128xf32, #tpu.memory_space<vmem>>[vector<16xi32>, vector<16xi32>], vector<16xf32>,
        tpu.vector_store_idx %arg12[%add3A_1555, %add3A_1547], %gather3A_1556 : memref<64x128xf32, #tpu.memory_space<vmem>>[vector<16xi32>, vector<16xi32>], vector<16xf32>,
        %gather3A_1557 = tpu.vector_load_idx %arg11[%add3A_1555, %add3A_1552] : memref<64x128xf32, #tpu.memory_space<vmem>>[vector<16xi32>, vector<16xi32>], vector<16xf32>,
        tpu.vector_store_idx %arg13[%add3A_1555, %add3A_1547], %gather3A_1557 : memref<64x128xf32, #tpu.memory_space<vmem>>[vector<16xi32>, vector<16xi32>], vector<16xf32>,
        %add3A_1558 = arith.constant 16 : i32
        %add3A_1559 = vector.broadcast %add3A_1558 : i32 to vector<16xi32>
        %add3A_1560 = arith.addi %add3A_1559, %iota3A : vector<16xi32>
        %gather3A_1561 = tpu.vector_load_idx %arg10[%add3A_1560, %add3A_1552] : memref<64x128xf32, #tpu.memory_space<vmem>>[vector<16xi32>, vector<16xi32>], vector<16xf32>,
        tpu.vector_store_idx %arg12[%add3A_1560, %add3A_1547], %gather3A_1561 : memref<64x128xf32, #tpu.memory_space<vmem>>[vector<16xi32>, vector<16xi32>], vector<16xf32>,
        %gather3A_1562 = tpu.vector_load_idx %arg11[%add3A_1560, %add3A_1552] : memref<64x128xf32, #tpu.memory_space<vmem>>[vector<16xi32>, vector<16xi32>], vector<16xf32>,
        tpu.vector_store_idx %arg13[%add3A_1560, %add3A_1547], %gather3A_1562 : memref<64x128xf32, #tpu.memory_space<vmem>>[vector<16xi32>, vector<16xi32>], vector<16xf32>,
        %add3A_1563 = arith.constant 32 : i32
        %add3A_1564 = vector.broadcast %add3A_1563 : i32 to vector<16xi32>
        %add3A_1565 = arith.addi %add3A_1564, %iota3A : vector<16xi32>
        %gather3A_1566 = tpu.vector_load_idx %arg10[%add3A_1565, %add3A_1552] : memref<64x128xf32, #tpu.memory_space<vmem>>[vector<16xi32>, vector<16xi32>], vector<16xf32>,
        tpu.vector_store_idx %arg12[%add3A_1565, %add3A_1547], %gather3A_1566 : memref<64x128xf32, #tpu.memory_space<vmem>>[vector<16xi32>, vector<16xi32>], vector<16xf32>,
        %gather3A_1567 = tpu.vector_load_idx %arg11[%add3A_1565, %add3A_1552] : memref<64x128xf32, #tpu.memory_space<vmem>>[vector<16xi32>, vector<16xi32>], vector<16xf32>,
        tpu.vector_store_idx %arg13[%add3A_1565, %add3A_1547], %gather3A_1567 : memref<64x128xf32, #tpu.memory_space<vmem>>[vector<16xi32>, vector<16xi32>], vector<16xf32>,
        %add3A_1568 = arith.constant 48 : i32
        %add3A_1569 = vector.broadcast %add3A_1568 : i32 to vector<16xi32>
        %add3A_1570 = arith.addi %add3A_1569, %iota3A : vector<16xi32>
        %gather3A_1571 = tpu.vector_load_idx %arg10[%add3A_1570, %add3A_1552] : memref<64x128xf32, #tpu.memory_space<vmem>>[vector<16xi32>, vector<16xi32>], vector<16xf32>,
        tpu.vector_store_idx %arg12[%add3A_1570, %add3A_1547], %gather3A_1571 : memref<64x128xf32, #tpu.memory_space<vmem>>[vector<16xi32>, vector<16xi32>], vector<16xf32>,
        %gather3A_1572 = tpu.vector_load_idx %arg11[%add3A_1570, %add3A_1552] : memref<64x128xf32, #tpu.memory_space<vmem>>[vector<16xi32>, vector<16xi32>], vector<16xf32>,
        tpu.vector_store_idx %arg13[%add3A_1570, %add3A_1547], %gather3A_1572 : memref<64x128xf32, #tpu.memory_space<vmem>>[vector<16xi32>, vector<16xi32>], vector<16xf32>,
        %slice3A_1573 = vector.extract_strided_slice %min3A_88 {offsets = [15], sizes = [1], strides = [1]} : vector<16xi32> to vector<1xi32>
        %squeeze3A_1574 = vector.extract %slice3A_1573[0] : i32 from vector<1xi32>
        %jit3A_1575 = arith.constant 128 : i32
        %div3A_1576 = arith.divsi %squeeze3A_1574, %jit3A_1575 : i32
        %sign3A_1577 = arith.constant 0 : i32
        %sign3A_1578 = arith.cmpi sgt, %squeeze3A_1574, %sign3A_1577 : i32
        %sign3A_1579 = arith.extui %sign3A_1578 : i1 to i32
        %sign3A_1580 = arith.constant 0 : i32
        %sign3A_1581 = arith.cmpi slt, %squeeze3A_1574, %sign3A_1580 : i32
        %sign3A_1582 = arith.extui %sign3A_1581 : i1 to i32
        %sign3A_1583 = arith.subi %sign3A_1579, %sign3A_1582 : i32
        %sign3A_1584 = arith.constant 0 : i32
        %sign3A_1585 = arith.cmpi sgt, %jit3A_1575, %sign3A_1584 : i32
        %sign3A_1586 = arith.extui %sign3A_1585 : i1 to i32
        %sign3A_1587 = arith.constant 0 : i32
        %sign3A_1588 = arith.cmpi slt, %jit3A_1575, %sign3A_1587 : i32
        %sign3A_1589 = arith.extui %sign3A_1588 : i1 to i32
        %sign3A_1590 = arith.subi %sign3A_1586, %sign3A_1589 : i32
        %ne3A_1591 = arith.cmpi ne, %sign3A_1583, %sign3A_1590 : i32
        %rem3A_1592 = arith.remsi %squeeze3A_1574, %jit3A_1575 : i32
        %ne3A_1593 = arith.constant 0 : i32
        %ne3A_1594 = arith.cmpi ne, %rem3A_1592, %ne3A_1593 : i32
        %and3A_1595 = arith.andi %ne3A_1591, %ne3A_1594 : i1
        %sub3A_1596 = arith.constant 1 : i32
        %sub3A_1597 = arith.subi %div3A_1576, %sub3A_1596 : i32
        %select_n3A_1598 = arith.select %and3A_1595, %sub3A_1597, %div3A_1576 : i32
        %mul3A_1599 = arith.constant 128 : i32
        %mul3A_1600 = arith.muli %select_n3A_1598, %mul3A_1599 : i32
        %multiple_of3A_1601 = tpu.assume_multiple %mul3A_1600, 128 : i32
        %ne3A_1602 = arith.cmpi ne, %multiple_of3A_1601, %multiple_of3A_1502 : i32
        %convert_element_type3A_1603 = arith.extui %ne3A_1602 : i1 to i32
        %cond3A_1604 = arith.constant 0 : i32
        %cond3A_1605 = arith.cmpi ne, %convert_element_type3A_1603, %cond3A_1604 : i32
        scf.if %cond3A_1605 {
          "tpu.region"() ({
            %run_scoped3A = tpu.sem_alloc : memref<!tpu.dma_semaphore, #tpu.memory_space<semaphore_mem>>
            %dma_start3A = arith.constant 0 : i32
            %dma_start3A_1693 = tpu.memref_slice %arg2[%dma_start3A, %multiple_of3A_1601] : memref<64x131072xf32, #tpu.memory_space<hbm>> -> memref<64x128xf32, #tpu.memory_space<hbm>>
            %dma_start3A_1694 = arith.constant 0 : i32
            %dma_start3A_1695 = tpu.memref_slice %arg2[%dma_start3A_1694, %multiple_of3A_1601] : memref<64x131072xf32, #tpu.memory_space<hbm>> -> memref<64x128xf32, #tpu.memory_space<hbm>>
            tpu.enqueue_dma source(%dma_start3A_1695 : memref<64x128xf32, #tpu.memory_space<hbm>>) target(%arg10 : memref<64x128xf32, #tpu.memory_space<vmem>>) target_semaphore(%run_scoped3A : memref<!tpu.dma_semaphore, #tpu.memory_space<semaphore_mem>>)
            %dma_wait3A = arith.constant 0 : i32
            %dma_wait3A_1696 = tpu.memref_slice %arg2[%dma_wait3A, %multiple_of3A_1601] : memref<64x131072xf32, #tpu.memory_space<hbm>> -> memref<64x128xf32, #tpu.memory_space<hbm>>
            %dma_wait3A_1697 = arith.constant 0 : i32
            %dma_wait3A_1698 = tpu.memref_slice %arg2[%dma_wait3A_1697, %multiple_of3A_1601] : memref<64x131072xf32, #tpu.memory_space<hbm>> -> memref<64x128xf32, #tpu.memory_space<hbm>>
            tpu.wait_dma2 semaphore(%run_scoped3A : memref<!tpu.dma_semaphore, #tpu.memory_space<semaphore_mem>>) src(%dma_wait3A_1698 : memref<64x128xf32, #tpu.memory_space<hbm>>) dst(%arg10 : memref<64x128xf32, #tpu.memory_space<vmem>>)
            tpu.yield
          }) : () -> ()
          "tpu.region"() ({
            %run_scoped3A = tpu.sem_alloc : memref<!tpu.dma_semaphore, #tpu.memory_space<semaphore_mem>>
            %dma_start3A = arith.constant 0 : i32
            %dma_start3A_1693 = tpu.memref_slice %arg3[%dma_start3A, %multiple_of3A_1601] : memref<64x131072xf32, #tpu.memory_space<hbm>> -> memref<64x128xf32, #tpu.memory_space<hbm>>
            %dma_start3A_1694 = arith.constant 0 : i32
            %dma_start3A_1695 = tpu.memref_slice %arg3[%dma_start3A_1694, %multiple_of3A_1601] : memref<64x131072xf32, #tpu.memory_space<hbm>> -> memref<64x128xf32, #tpu.memory_space<hbm>>
            tpu.enqueue_dma source(%dma_start3A_1695 : memref<64x128xf32, #tpu.memory_space<hbm>>) target(%arg11 : memref<64x128xf32, #tpu.memory_space<vmem>>) target_semaphore(%run_scoped3A : memref<!tpu.dma_semaphore, #tpu.memory_space<semaphore_mem>>)
            %dma_wait3A = arith.constant 0 : i32
            %dma_wait3A_1696 = tpu.memref_slice %arg3[%dma_wait3A, %multiple_of3A_1601] : memref<64x131072xf32, #tpu.memory_space<hbm>> -> memref<64x128xf32, #tpu.memory_space<hbm>>
            %dma_wait3A_1697 = arith.constant 0 : i32
            %dma_wait3A_1698 = tpu.memref_slice %arg3[%dma_wait3A_1697, %multiple_of3A_1601] : memref<64x131072xf32, #tpu.memory_space<hbm>> -> memref<64x128xf32, #tpu.memory_space<hbm>>
            tpu.wait_dma2 semaphore(%run_scoped3A : memref<!tpu.dma_semaphore, #tpu.memory_space<semaphore_mem>>) src(%dma_wait3A_1698 : memref<64x128xf32, #tpu.memory_space<hbm>>) dst(%arg11 : memref<64x128xf32, #tpu.memory_space<vmem>>)
            tpu.yield
          }) : () -> ()
        } else {
        }
        %jit3A_1606 = arith.constant 128 : i32
        %eq3A_1607 = arith.constant 0 : i32
        %eq3A_1608 = arith.cmpi eq, %jit3A_1606, %eq3A_1607 : i32
        %jit3A_1609 = arith.constant 1 : i32
        %select_n3A_1610 = arith.select %eq3A_1608, %jit3A_1609, %jit3A_1606 : i32
        %rem3A_1611 = arith.remsi %squeeze3A_1574, %select_n3A_1610 : i32
        %ne3A_1612 = arith.constant 0 : i32
        %ne3A_1613 = arith.cmpi ne, %rem3A_1611, %ne3A_1612 : i32
        %lt3A_1614 = arith.constant 0 : i32
        %lt3A_1615 = arith.cmpi slt, %rem3A_1611, %lt3A_1614 : i32
        %lt3A_1616 = arith.constant 0 : i32
        %lt3A_1617 = arith.cmpi slt, %select_n3A_1610, %lt3A_1616 : i32
        %ne3A_1618 = arith.xori %lt3A_1615, %lt3A_1617 : i1
        %and3A_1619 = arith.andi %ne3A_1618, %ne3A_1613 : i1
        %add3A_1620 = arith.addi %rem3A_1611, %select_n3A_1610 : i32
        %select_n3A_1621 = arith.select %and3A_1619, %add3A_1620, %rem3A_1611 : i32
        %jit3A_1622 = arith.constant 8 : i32
        %eq3A_1623 = arith.constant 0 : i32
        %eq3A_1624 = arith.cmpi eq, %jit3A_1622, %eq3A_1623 : i32
        %jit3A_1625 = arith.constant 1 : i32
        %select_n3A_1626 = arith.select %eq3A_1624, %jit3A_1625, %jit3A_1622 : i32
        %rem3A_1627 = arith.remsi %scan3A_79, %select_n3A_1626 : i32
        %ne3A_1628 = arith.constant 0 : i32
        %ne3A_1629 = arith.cmpi ne, %rem3A_1627, %ne3A_1628 : i32
        %lt3A_1630 = arith.constant 0 : i32
        %lt3A_1631 = arith.cmpi slt, %rem3A_1627, %lt3A_1630 : i32
        %lt3A_1632 = arith.constant 0 : i32
        %lt3A_1633 = arith.cmpi slt, %select_n3A_1626, %lt3A_1632 : i32
        %ne3A_1634 = arith.xori %lt3A_1631, %lt3A_1633 : i1
        %and3A_1635 = arith.andi %ne3A_1634, %ne3A_1629 : i1
        %add3A_1636 = arith.addi %rem3A_1627, %select_n3A_1626 : i32
        %select_n3A_1637 = arith.select %and3A_1635, %add3A_1636, %rem3A_1627 : i32
        %mul3A_1638 = arith.constant 16 : i32
        %mul3A_1639 = arith.muli %select_n3A_1637, %mul3A_1638 : i32
        %add3A_1640 = arith.constant 15 : i32
        %add3A_1641 = arith.addi %mul3A_1639, %add3A_1640 : i32
        %mul3A_1642 = arith.constant 0 : i32
        %mul3A_1643 = vector.broadcast %mul3A_1642 : i32 to vector<16xi32>
        %mul3A_1644 = arith.muli %mul3A_1643, %iota3A : vector<16xi32>
        %add3A_1645 = vector.broadcast %add3A_1641 : i32 to vector<16xi32>
        %add3A_1646 = arith.addi %add3A_1645, %mul3A_1644 : vector<16xi32>
        %mul3A_1647 = arith.constant 0 : i32
        %mul3A_1648 = vector.broadcast %mul3A_1647 : i32 to vector<16xi32>
        %mul3A_1649 = arith.muli %mul3A_1648, %iota3A : vector<16xi32>
        %add3A_1650 = vector.broadcast %select_n3A_1621 : i32 to vector<16xi32>
        %add3A_1651 = arith.addi %add3A_1650, %mul3A_1649 : vector<16xi32>
        %add3A_1652 = arith.constant 0 : i32
        %add3A_1653 = vector.broadcast %add3A_1652 : i32 to vector<16xi32>
        %add3A_1654 = arith.addi %add3A_1653, %iota3A : vector<16xi32>
        %gather3A_1655 = tpu.vector_load_idx %arg10[%add3A_1654, %add3A_1651] : memref<64x128xf32, #tpu.memory_space<vmem>>[vector<16xi32>, vector<16xi32>], vector<16xf32>,
        tpu.vector_store_idx %arg12[%add3A_1654, %add3A_1646], %gather3A_1655 : memref<64x128xf32, #tpu.memory_space<vmem>>[vector<16xi32>, vector<16xi32>], vector<16xf32>,
        %gather3A_1656 = tpu.vector_load_idx %arg11[%add3A_1654, %add3A_1651] : memref<64x128xf32, #tpu.memory_space<vmem>>[vector<16xi32>, vector<16xi32>], vector<16xf32>,
        tpu.vector_store_idx %arg13[%add3A_1654, %add3A_1646], %gather3A_1656 : memref<64x128xf32, #tpu.memory_space<vmem>>[vector<16xi32>, vector<16xi32>], vector<16xf32>,
        %add3A_1657 = arith.constant 16 : i32
        %add3A_1658 = vector.broadcast %add3A_1657 : i32 to vector<16xi32>
        %add3A_1659 = arith.addi %add3A_1658, %iota3A : vector<16xi32>
        %gather3A_1660 = tpu.vector_load_idx %arg10[%add3A_1659, %add3A_1651] : memref<64x128xf32, #tpu.memory_space<vmem>>[vector<16xi32>, vector<16xi32>], vector<16xf32>,
        tpu.vector_store_idx %arg12[%add3A_1659, %add3A_1646], %gather3A_1660 : memref<64x128xf32, #tpu.memory_space<vmem>>[vector<16xi32>, vector<16xi32>], vector<16xf32>,
        %gather3A_1661 = tpu.vector_load_idx %arg11[%add3A_1659, %add3A_1651] : memref<64x128xf32, #tpu.memory_space<vmem>>[vector<16xi32>, vector<16xi32>], vector<16xf32>,
        tpu.vector_store_idx %arg13[%add3A_1659, %add3A_1646], %gather3A_1661 : memref<64x128xf32, #tpu.memory_space<vmem>>[vector<16xi32>, vector<16xi32>], vector<16xf32>,
        %add3A_1662 = arith.constant 32 : i32
        %add3A_1663 = vector.broadcast %add3A_1662 : i32 to vector<16xi32>
        %add3A_1664 = arith.addi %add3A_1663, %iota3A : vector<16xi32>
        %gather3A_1665 = tpu.vector_load_idx %arg10[%add3A_1664, %add3A_1651] : memref<64x128xf32, #tpu.memory_space<vmem>>[vector<16xi32>, vector<16xi32>], vector<16xf32>,
        tpu.vector_store_idx %arg12[%add3A_1664, %add3A_1646], %gather3A_1665 : memref<64x128xf32, #tpu.memory_space<vmem>>[vector<16xi32>, vector<16xi32>], vector<16xf32>,
        %gather3A_1666 = tpu.vector_load_idx %arg11[%add3A_1664, %add3A_1651] : memref<64x128xf32, #tpu.memory_space<vmem>>[vector<16xi32>, vector<16xi32>], vector<16xf32>,
        tpu.vector_store_idx %arg13[%add3A_1664, %add3A_1646], %gather3A_1666 : memref<64x128xf32, #tpu.memory_space<vmem>>[vector<16xi32>, vector<16xi32>], vector<16xf32>,
        %add3A_1667 = arith.constant 48 : i32
        %add3A_1668 = vector.broadcast %add3A_1667 : i32 to vector<16xi32>
        %add3A_1669 = arith.addi %add3A_1668, %iota3A : vector<16xi32>
        %gather3A_1670 = tpu.vector_load_idx %arg10[%add3A_1669, %add3A_1651] : memref<64x128xf32, #tpu.memory_space<vmem>>[vector<16xi32>, vector<16xi32>], vector<16xf32>,
        tpu.vector_store_idx %arg12[%add3A_1669, %add3A_1646], %gather3A_1670 : memref<64x128xf32, #tpu.memory_space<vmem>>[vector<16xi32>, vector<16xi32>], vector<16xf32>,
        %gather3A_1671 = tpu.vector_load_idx %arg11[%add3A_1669, %add3A_1651] : memref<64x128xf32, #tpu.memory_space<vmem>>[vector<16xi32>, vector<16xi32>], vector<16xf32>,
        tpu.vector_store_idx %arg13[%add3A_1669, %add3A_1646], %gather3A_1671 : memref<64x128xf32, #tpu.memory_space<vmem>>[vector<16xi32>, vector<16xi32>], vector<16xf32>,
        %jit3A_1672 = arith.constant 8 : i32
        %eq3A_1673 = arith.constant 0 : i32
        %eq3A_1674 = arith.cmpi eq, %jit3A_1672, %eq3A_1673 : i32
        %jit3A_1675 = arith.constant 1 : i32
        %select_n3A_1676 = arith.select %eq3A_1674, %jit3A_1675, %jit3A_1672 : i32
        %rem3A_1677 = arith.remsi %scan3A_79, %select_n3A_1676 : i32
        %ne3A_1678 = arith.constant 0 : i32
        %ne3A_1679 = arith.cmpi ne, %rem3A_1677, %ne3A_1678 : i32
        %lt3A_1680 = arith.constant 0 : i32
        %lt3A_1681 = arith.cmpi slt, %rem3A_1677, %lt3A_1680 : i32
        %lt3A_1682 = arith.constant 0 : i32
        %lt3A_1683 = arith.cmpi slt, %select_n3A_1676, %lt3A_1682 : i32
        %ne3A_1684 = arith.xori %lt3A_1681, %lt3A_1683 : i1
        %and3A_1685 = arith.andi %ne3A_1684, %ne3A_1679 : i1
        %add3A_1686 = arith.addi %rem3A_1677, %select_n3A_1676 : i32
        %select_n3A_1687 = arith.select %and3A_1685, %add3A_1686, %rem3A_1677 : i32
        %eq3A_1688 = arith.constant 7 : i32
        %eq3A_1689 = arith.cmpi eq, %select_n3A_1687, %eq3A_1688 : i32
        %convert_element_type3A_1690 = arith.extui %eq3A_1689 : i1 to i32
        %cond3A_1691 = arith.constant 0 : i32
        %cond3A_1692 = arith.cmpi ne, %convert_element_type3A_1690, %cond3A_1691 : i32
        scf.if %cond3A_1692 {
          %jit3A_1693 = arith.constant 8 : i32
          %div3A_1694 = arith.divsi %scan3A_79, %jit3A_1693 : i32
          %sign3A_1695 = arith.constant 0 : i32
          %sign3A_1696 = arith.cmpi sgt, %scan3A_79, %sign3A_1695 : i32
          %sign3A_1697 = arith.extui %sign3A_1696 : i1 to i32
          %sign3A_1698 = arith.constant 0 : i32
          %sign3A_1699 = arith.cmpi slt, %scan3A_79, %sign3A_1698 : i32
          %sign3A_1700 = arith.extui %sign3A_1699 : i1 to i32
          %sign3A_1701 = arith.subi %sign3A_1697, %sign3A_1700 : i32
          %sign3A_1702 = arith.constant 0 : i32
          %sign3A_1703 = arith.cmpi sgt, %jit3A_1693, %sign3A_1702 : i32
          %sign3A_1704 = arith.extui %sign3A_1703 : i1 to i32
          %sign3A_1705 = arith.constant 0 : i32
          %sign3A_1706 = arith.cmpi slt, %jit3A_1693, %sign3A_1705 : i32
          %sign3A_1707 = arith.extui %sign3A_1706 : i1 to i32
          %sign3A_1708 = arith.subi %sign3A_1704, %sign3A_1707 : i32
          %ne3A_1709 = arith.cmpi ne, %sign3A_1701, %sign3A_1708 : i32
          %rem3A_1710 = arith.remsi %scan3A_79, %jit3A_1693 : i32
          %ne3A_1711 = arith.constant 0 : i32
          %ne3A_1712 = arith.cmpi ne, %rem3A_1710, %ne3A_1711 : i32
          %and3A_1713 = arith.andi %ne3A_1709, %ne3A_1712 : i1
          %sub3A_1714 = arith.constant 1 : i32
          %sub3A_1715 = arith.subi %div3A_1694, %sub3A_1714 : i32
          %select_n3A_1716 = arith.select %and3A_1713, %sub3A_1715, %div3A_1694 : i32
          %mul3A_1717 = arith.constant 128 : i32
          %mul3A_1718 = arith.muli %select_n3A_1716, %mul3A_1717 : i32
          %add3A_1719 = arith.addi %multiple_of3A, %mul3A_1718 : i32
          %multiple_of3A_1720 = tpu.assume_multiple %add3A_1719, 128 : i32
          "tpu.region"() ({
            %run_scoped3A = tpu.sem_alloc : memref<!tpu.dma_semaphore, #tpu.memory_space<semaphore_mem>>
            %dma_start3A = arith.constant 0 : i32
            %dma_start3A_1721 = tpu.memref_slice %arg5[%select_n3A, %dma_start3A, %multiple_of3A_1720] : memref<4x64x8192xf32, #tpu.memory_space<hbm>> -> memref<1x64x128xf32, #tpu.memory_space<hbm>>
            %dma_start3A_1722 = tpu.memref_squeeze %dma_start3A_1721 : memref<1x64x128xf32, #tpu.memory_space<hbm>> -> memref<64x128xf32, #tpu.memory_space<hbm>>
            %dma_start3A_1723 = arith.constant 0 : i32
            %dma_start3A_1724 = tpu.memref_slice %arg5[%select_n3A, %dma_start3A_1723, %multiple_of3A_1720] : memref<4x64x8192xf32, #tpu.memory_space<hbm>> -> memref<1x64x128xf32, #tpu.memory_space<hbm>>
            %dma_start3A_1725 = tpu.memref_squeeze %dma_start3A_1724 : memref<1x64x128xf32, #tpu.memory_space<hbm>> -> memref<64x128xf32, #tpu.memory_space<hbm>>
            tpu.enqueue_dma source(%arg12 : memref<64x128xf32, #tpu.memory_space<vmem>>) target(%dma_start3A_1725 : memref<64x128xf32, #tpu.memory_space<hbm>>) target_semaphore(%run_scoped3A : memref<!tpu.dma_semaphore, #tpu.memory_space<semaphore_mem>>)
            %dma_wait3A = arith.constant 0 : i32
            %dma_wait3A_1726 = tpu.memref_slice %arg5[%select_n3A, %dma_wait3A, %multiple_of3A_1720] : memref<4x64x8192xf32, #tpu.memory_space<hbm>> -> memref<1x64x128xf32, #tpu.memory_space<hbm>>
            %dma_wait3A_1727 = tpu.memref_squeeze %dma_wait3A_1726 : memref<1x64x128xf32, #tpu.memory_space<hbm>> -> memref<64x128xf32, #tpu.memory_space<hbm>>
            %dma_wait3A_1728 = arith.constant 0 : i32
            %dma_wait3A_1729 = tpu.memref_slice %arg5[%select_n3A, %dma_wait3A_1728, %multiple_of3A_1720] : memref<4x64x8192xf32, #tpu.memory_space<hbm>> -> memref<1x64x128xf32, #tpu.memory_space<hbm>>
            %dma_wait3A_1730 = tpu.memref_squeeze %dma_wait3A_1729 : memref<1x64x128xf32, #tpu.memory_space<hbm>> -> memref<64x128xf32, #tpu.memory_space<hbm>>
            tpu.wait_dma2 semaphore(%run_scoped3A : memref<!tpu.dma_semaphore, #tpu.memory_space<semaphore_mem>>) src(%arg12 : memref<64x128xf32, #tpu.memory_space<vmem>>) dst(%dma_wait3A_1730 : memref<64x128xf32, #tpu.memory_space<hbm>>)
            tpu.yield
          }) : () -> ()
          "tpu.region"() ({
            %run_scoped3A = tpu.sem_alloc : memref<!tpu.dma_semaphore, #tpu.memory_space<semaphore_mem>>
            %dma_start3A = arith.constant 0 : i32
            %dma_start3A_1721 = tpu.memref_slice %arg6[%select_n3A, %dma_start3A, %multiple_of3A_1720] : memref<4x64x8192xf32, #tpu.memory_space<hbm>> -> memref<1x64x128xf32, #tpu.memory_space<hbm>>
            %dma_start3A_1722 = tpu.memref_squeeze %dma_start3A_1721 : memref<1x64x128xf32, #tpu.memory_space<hbm>> -> memref<64x128xf32, #tpu.memory_space<hbm>>
            %dma_start3A_1723 = arith.constant 0 : i32
            %dma_start3A_1724 = tpu.memref_slice %arg6[%select_n3A, %dma_start3A_1723, %multiple_of3A_1720] : memref<4x64x8192xf32, #tpu.memory_space<hbm>> -> memref<1x64x128xf32, #tpu.memory_space<hbm>>
            %dma_start3A_1725 = tpu.memref_squeeze %dma_start3A_1724 : memref<1x64x128xf32, #tpu.memory_space<hbm>> -> memref<64x128xf32, #tpu.memory_space<hbm>>
            tpu.enqueue_dma source(%arg13 : memref<64x128xf32, #tpu.memory_space<vmem>>) target(%dma_start3A_1725 : memref<64x128xf32, #tpu.memory_space<hbm>>) target_semaphore(%run_scoped3A : memref<!tpu.dma_semaphore, #tpu.memory_space<semaphore_mem>>)
            %dma_wait3A = arith.constant 0 : i32
            %dma_wait3A_1726 = tpu.memref_slice %arg6[%select_n3A, %dma_wait3A, %multiple_of3A_1720] : memref<4x64x8192xf32, #tpu.memory_space<hbm>> -> memref<1x64x128xf32, #tpu.memory_space<hbm>>
            %dma_wait3A_1727 = tpu.memref_squeeze %dma_wait3A_1726 : memref<1x64x128xf32, #tpu.memory_space<hbm>> -> memref<64x128xf32, #tpu.memory_space<hbm>>
            %dma_wait3A_1728 = arith.constant 0 : i32
            %dma_wait3A_1729 = tpu.memref_slice %arg6[%select_n3A, %dma_wait3A_1728, %multiple_of3A_1720] : memref<4x64x8192xf32, #tpu.memory_space<hbm>> -> memref<1x64x128xf32, #tpu.memory_space<hbm>>
            %dma_wait3A_1730 = tpu.memref_squeeze %dma_wait3A_1729 : memref<1x64x128xf32, #tpu.memory_space<hbm>> -> memref<64x128xf32, #tpu.memory_space<hbm>>
            tpu.wait_dma2 semaphore(%run_scoped3A : memref<!tpu.dma_semaphore, #tpu.memory_space<semaphore_mem>>) src(%arg13 : memref<64x128xf32, #tpu.memory_space<vmem>>) dst(%dma_wait3A_1730 : memref<64x128xf32, #tpu.memory_space<hbm>>)
            tpu.yield
          }) : () -> ()
        } else {
        }
        scf.yield %multiple_of3A_1601 : i32
      }
      %scan3A_78 = arith.constant 64 : i32
    } else {
    }
    return
  }
}

</mosaic_0001>

<sc_bundles>
// kernel: kernel.3.cloned.1.call-start
scs
__scs_entry_jumppad:
0x0: {  	(pc) =	sbr.rel $0x88, $3  }
0x1: {  	(tag) =	ssettag $0x0;
	lr =	simm.s32 $0x1  }
0x2: {  	[smem:$0x3F9E] =	sst lr;
	_ =	strace $0xD0000000  }
0x3: {  	_ = 	snop  }
0x4: {  	_ = 	snop  }
0x5: {  	_ = 	snop  }
0x6: {  	_ = 	snop  }
0x7: {  	_ = 	snop  }
__scs_overlays_trampoline_lowered:
0x8: {  	[smem:$0x3FAD] =	sst s0  }
0x9: {  	[smem:$0x3FAE] =	sst s1  }
0xa: {  	[smem:$0x3FAF] =	sst s2  }
0xb: {  	[smem:$0x3FB0] =	sst s3  }
0xc: {  	[smem:$0x3FB1] =	sst s4  }
0xd: {  	[smem:$0x3FB2] =	sst s5  }
0xe: {  	[smem:$0x3FB3] =	sst s6  }
0xf: {  	[smem:$0x3FB4] =	sst s7  }
0x10: {  	[smem:$0x3FB5] =	sst s8  }
0x11: {  	[smem:$0x3FB6] =	sst s9;
	s0 =	simm.s32 @!p0 $0x0  }
0x12: {  	s1 =	sld [smem:$0x3F9C];
	s0 =	simm.s32 @p0 $0x1  }
0x13: {  	[smem:$0x3FB7] =	sst s0;
	s0 =	simm.s32 @!p1 $0x0  }
0x14: {  	s2 =	sld [smem:$0x3F9B];
	s0 =	simm.s32 @p1 $0x1  }
0x15: {  	[smem:$0x3FB8] =	sst s0;
	s0 =	simm.s32 @!p2 $0x0  }
0x16: {  	s3 =	sld [smem:$0x3FDB];
	s0 =	simm.s32 @p2 $0x1  }
0x17: {  	s4 =	simm.s32 $0x1BF5;
	[smem:$0x3FBA] =	sst s0  }
0x18: {  	s0 =	sld [smem:$0x3F9D];
	_ =	swait.ge [sflag:s4], $0x0  }
0x19: {  	s7 =	sld [smem:$0x3F9E]  }
0x1a: {  	s8 =	sadd.s32 $0xFFFFE003, lr  }
0x1b: {  	s9 =	sadd.s32 $0xFFFFFEF7, lr;
	s5 =	simm.s32 $0xFFFFFFFF;
	p2 =	slt.u32 s8, $0xFFFFF086  }
0x1c: {  	p1 =	slt.u32 s9, $0xF7A;
	s5 =	simm.s32 @!p2 $0x0  }
0x1d: {  	s5 =	simm.s32 @p1 $0x1;
	p0 =	seq.s32 s7, s2  }
0x1e: {  	s7 =	smul.u32 @!p0 $0xF7A, s2;
	p2 =	seq.s32 @!p0 s5, $0x0  }
0x1f: {  	s9 =	smul.u32 $0xF7A, s1;
	s8 =	simm.s32 @!p0 $0x1BF5;
	p2 =	por !p2, p0  }
0x20: {  	[sflag:s8] =	ssyncset.s32 @!p0 $0xFFFFF086;
	s6 =	sadd.s32 @!p0 s3, s7;
	s7 =	simm.s32 @!p0 $0x108  }
0x21: {  	s3 =	sadd.s32 s3, s9;
	s6 =	sadd.s32 @!p0 $0x88, s6;
	s7 =	simm.s32 @p2 $0x1082  }
0x22: {  	[simem:s7], [sflag:s8] =	dma.local @!p0 [hbm:s6], $0xF7A  }
0x23: {  	s9 =	sor.u32 $0xD0000000, s2;
	s6 =	simm.s32 $0x108;
	_ =	swait.ge @!p0 [sflag:s8], $0x0  }
0x24: {  	s3 =	sadd.s32 $0x88, s3;
	s6 =	simm.s32 @!p1 $0x1082;
	[sflag:s4] =	ssyncset.s32 $0xFFFFF086  }
0x25: {  	[simem:s6], [sflag:s4] =	dma.local [hbm:s3], $0xF7A  }
0x26: {  	[smem:$0x3F9E] =	sst s1;
	(tag) =	ssettag s2;
	_ =	strace s9  }
0x27: {  	s1 =	sld [smem:$0x3FAE]  }
0x28: {  	s2 =	sld [smem:$0x3FAF]  }
0x29: {  	s4 =	sld [smem:$0x3FB1]  }
0x2a: {  	p0 =	seq.s32 s5, $0x0;
	s5 =	sld [smem:$0x3FB2]  }
0x2b: {  	s6 =	sld [smem:$0x3FB3]  }
0x2c: {  	s7 =	sld [smem:$0x3FB4]  }
0x2d: {  	s3 =	simm.s32 $0x108;
	s8 =	sld [smem:$0x3FB5]  }
0x2e: {  	s3 =	simm.s32 @!p0 $0x1082;
	s9 =	sld [smem:$0x3FB6]  }
0x2f: {  	lr =	sadd.s32 s0, s3;
	s0 =	sld [smem:$0x3FAD]  }
0x30: {  	s3 =	sld [smem:$0x3FB0]  }
0x31: {  	[smem:$0x3FB9] =	sst s10  }
0x32: {  	s10 =	sld [smem:$0x3FB7];
	_ =	sdelay $0x3  }
0x33: {  	p0 =	seq.s32 s10, $0x1;
	s10 =	sld [smem:$0x3FB9];
	_ =	sdelay $0x3  }
0x34: {  	[smem:$0x3FB9] =	sst s10  }
0x35: {  	s10 =	sld [smem:$0x3FB8];
	_ =	sdelay $0x3  }
0x36: {  	p1 =	seq.s32 s10, $0x1;
	s10 =	sld [smem:$0x3FB9];
	_ =	sdelay $0x3  }
0x37: {  	[smem:$0x3FB9] =	sst s10  }
0x38: {  	s10 =	sld [smem:$0x3FBA]  }
0x39: {  	_ = 	snop;
	(pc) =	sbr.ind lr, $3  }
0x3a: {  	_ = 	snop  }
0x3b: {  	_ = 	snop  }
0x3c: {  	p2 =	seq.s32 s10, $0x1;
	s10 =	sld [smem:$0x3FB9]  }
0x3d: {  	_ =	shalt  }
0x3e: {  	_ =	shalt  }
0x3f: {  	_ =	shalt  }
0x40: {  	_ =	shalt  }
0x41: {  	_ =	shalt  }
0x42: {  	_ =	shalt  }
0x43: {  	_ =	shalt  }
0x44: {  	_ =	shalt  }
0x45: {  	_ =	shalt  }
0x46: {  	_ =	shalt  }
0x47: {  	_ =	shalt  }
0x48: {  	_ =	shalt  }
0x49: {  	_ =	shalt  }
0x4a: {  	_ =	shalt  }
0x4b: {  	_ =	shalt  }
0x4c: {  	_ =	shalt  }
0x4d: {  	_ =	shalt  }
0x4e: {  	_ =	shalt  }
0x4f: {  	_ =	shalt  }
0x50: {  	_ =	shalt  }
0x51: {  	_ =	shalt  }
0x52: {  	_ =	shalt  }
0x53: {  	_ =	shalt  }
0x54: {  	_ =	shalt  }
0x55: {  	_ =	shalt  }
0x56: {  	_ =	shalt  }
0x57: {  	_ =	shalt  }
0x58: {  	_ =	shalt  }
0x59: {  	_ =	shalt  }
0x5a: {  	_ =	shalt  }
0x5b: {  	_ =	shalt  }
0x5c: {  	_ =	shalt  }
0x5d: {  	_ =	shalt  }
0x5e: {  	_ =	shalt  }
0x5f: {  	_ =	shalt  }
0x60: {  	_ =	shalt  }
0x61: {  	_ =	shalt  }
0x62: {  	_ =	shalt  }
0x63: {  	_ =	shalt  }
0x64: {  	_ =	shalt  }
0x65: {  	_ =	shalt  }
0x66: {  	_ =	shalt  }
0x67: {  	_ =	shalt  }
0x68: {  	_ =	shalt  }
0x69: {  	_ =	shalt  }
0x6a: {  	_ =	shalt  }
0x6b: {  	_ =	shalt  }
0x6c: {  	_ =	shalt  }
0x6d: {  	_ =	shalt  }
0x6e: {  	_ =	shalt  }
0x6f: {  	_ =	shalt  }
0x70: {  	_ =	shalt  }
0x71: {  	_ =	shalt  }
0x72: {  	_ =	shalt  }
0x73: {  	_ =	shalt  }
0x74: {  	_ =	shalt  }
0x75: {  	_ =	shalt  }
0x76: {  	_ =	shalt  }
0x77: {  	_ =	shalt  }
0x78: {  	_ =	shalt  }
0x79: {  	_ =	shalt  }
0x7a: {  	_ =	shalt  }
0x7b: {  	_ =	shalt  }
0x7c: {  	_ =	shalt  }
0x7d: {  	_ =	shalt  }
0x7e: {  	_ =	shalt  }
0x7f: {  	_ =	shalt  }
0x80: {  	_ =	shalt  }
0x81: {  	_ =	shalt  }
0x82: {  	_ =	shalt  }
0x83: {  	_ =	shalt  }
0x84: {  	_ =	shalt  }
0x85: {  	_ =	shalt  }
0x86: {  	_ =	shalt  }
0x87: {  	_ =	shalt  }
.Lfunc_end0:
.L_simem_size_0:
called_computation_lowered:
.L_overlay_start_0:
0x88: {  	s2 =	sld [smem:$0x3FD9]  }
0x89: {  	s3 =	sld [smem:$0x3FFE];
	_ =	sdelay $0x1  }
0x8a: {  	s1 =	srdreg.scid  }
0x8b: {  	s0 =	sand.u32 $0x1, s1  }
0x8c: {  	s14 =	sshll.u32 s0, $0xA;
	s2 =	sadd.s32 s3, s2  }
0x8d: {  	s2 =	sadd.s32 s2, s14  }
0x8e: {  	[smem:$0x3FC5] =	sst s2  }
0x8f: {  	_ = 	snop  }
0x90: {  	s2 =	sld [smem:$0x3FD0];
	_ =	sdelay $0x1  }
0x91: {  	s15 =	sld [smem:$0x3FC8]  }
0x92: {  	s5 =	simm.s32 $0xA;
	s6 =	simm.s32 $0x10;
	s4 =	sld [smem:$0x3FC7]  }
0x93: {  	[smem:s6], [sflag:s5] =	dma.local [hbm:s2], $0x1  }
0x94: {  	_ =	swait.eq [sflag:s5], $0x1  }
0x95: {  	[sflag:s5] =	ssyncset.done $0x0  }
0x96: {  	s16 =	sld [smem:$0x10];
	[sflag:s5] =	ssyncadd.s32 $0xFFFFFFFF  }
0x97: {  	s17 =	sld [smem:$0x11];
	(tm) =	ssettm $0x1  }
0x98: {  	s18 =	sld [smem:$0x3FFB];
	_ =	sdelay $0x3  }
0x99: {  	_ =	strace s18  }
0x9a: {  	s6 =	sld [smem:$0x3FFC];
	_ =	sdelay $0x3  }
0x9b: {  	_ =	strace s6  }
0x9c: {  	s6 =	sld [smem:$0x3FFD];
	_ =	sdelay $0x3  }
0x9d: {  	_ =	strace s6  }
0x9e: {  	_ =	strace $0x8FFFFFFF  }
0x9f: {  	s19 =	sld [smem:$0x3FDB];
	_ =	sdelay $0x1  }
0xa0: {  	s7 =	simm.s32 $_scs_section_size  }
0xa1: {  	s8 =	simm.s32 $_size__tile_overlayer_lowered;
	s9 =	simm.s32 $_tile_overlayer_lowered  }
0xa2: {  	s22 =	simm.s32 $0x1BFF;
	s21 =	sshll.u32 s9, $0x1;
	s6 =	sadd.s32 s7, s19  }
0xa3: {  	s10 =	simm.s32 $0x0;
	s20 =	sshll.u32 s8, $0x1;
	s8 =	sadd.s32 s21, s6  }
0xa4: {  	[timem:s10], [sflag:s22] =	dma.local [hbm:s8], s20  }
0xa5: {  	_ =	swait.ge [sflag:s22], s20  }
0xa6: {  	s7 =	ssub.s32 $0x0, s20;
	[sflag:s22] =	ssyncset.done $0x0  }
0xa7: {  	[sflag:s22] =	ssyncadd.s32 s7;
	_ =	sdelay $0x1  }
0xa8: {  	s23 =	simm.s32 $0x1B8B  }
0xa9: {  	_ =	swait.ge [sflag:s23], $0x1  }
0xaa: {  	[sflag:s23] =	ssyncset.done $0x0  }
0xab: {  	s25 =	simm.s32 $0x1B8E;
	s24 =	sld [smem:$0x3FFE];
	[sflag:s23] =	ssyncadd.s32 $0xFFFFFFFF  }
0xac: {  	s26 =	simm.s32 $execute0_lowered;
	[smem:$0x3FD2] =	sst s25  }
0xad: {  	s8 =	sshll.u32 s26, $0x1;
	_ =	strace $0x80000046;
	[dreg:$0x1] =	wrdreg $0xFFFFFFFF  }
0xae: {  	s28 =	simm.s32 $_size_execute0_lowered;
	s6 =	sadd.s32 s6, s8;
	[dreg:$0x0] =	wrdreg $0x0  }
0xaf: {  	s8 =	sshll.u32 s28, $0x1;
	[dreg:$0x2] =	wrdreg s6  }
0xb0: {  	[dreg:$0x3] =	wrdreg s8  }
0xb1: {  	[dreg:$0x4] =	wrdreg $0xC0  }
0xb2: {  	_ =	task [dreg:s10], $0x5FFFF  }
0xb3: {  	[dreg:$0x1] =	wrdreg $0xFFFFFFFF  }
0xb4: {  	[dreg:$0x0] =	wrdreg $0x60  }
0xb5: {  	[dreg:$0x2] =	wrdreg s15  }
0xb6: {  	[dreg:$0x3] =	wrdreg s4  }
0xb7: {  	[dreg:$0x4] =	wrdreg s24  }
0xb8: {  	[dreg:$0x5] =	wrdreg s16  }
0xb9: {  	[dreg:$0x6] =	wrdreg s17  }
0xba: {  	[dreg:$0x7] =	wrdreg $0x9  }
0xbb: {  	_ =	task.clear_ibuf [dreg:s10], $0x8FFFF;
	_ =	strace $0x90000046  }
0xbc: {  	s29 =	simm.s32 $0x9;
	_ =	strace $0x80000048  }
0xbd: {  	_ =	swait.ge [sflag:s29], $0x1  }
0xbe: {  	[sflag:s29] =	ssyncadd.s32 $0xFFFFFFFF  }
0xbf: {  	_ =	strace $0x90000048  }
0xc0: {  	_ =	sfence  }
0xc1: {  	s30 =	sld [smem:$0x0];
	_ =	sdelay $0x2  }
0xc2: {  	s31 =	sshll.u32 s1, $0xD;
	s1 =	sshrl.u32 s1, $0x2  }
0xc3: {  	s3 =	sand.u32 $0x4000, s31;
	s1 =	sadd.s32 s1, s30  }
0xc4: {  	s0 =	sor.u32 s3, s0;
	s1 =	sshll.u32 s1, $0x11  }
0xc5: {  	s0 =	sor.u32 s1, s0  }
0xc6: {  	s0 =	sadd.s32 $0x8F2B, s0  }
0xc7: {  	[sflag:s0] =	ssyncadd.remote.s32 $0x1  }
0xc8: {  	_ =	sfence.sel $0xFFFF  }
0xc9: {  	[dreg:$0x0] =	wrdreg $0xFFFFFFFF;
	(pc) =	sbr.abs _section_cstart, $3  }
0xca: {  	[dreg:$0x1] =	wrdreg $0xFFFFFFFF  }
0xcb: {  	_ =	task.clear_ibuf [dreg:s10], $0x2FFFF;
	_ =	strace $0x9FFFFFFF  }
0xcc: {  	(tm) =	ssettm $0x7FFFFFFF  }
0xcd: {  	_ =	shalt  }
tec
execute0_lowered:
.L_overlay_start_1:
0x0: {  	(tag) =	ssettag $0x1  }
0x1: {  	s1 =	rddreg [dreg:$0x0]  }
0x2: {  	s2 =	rddreg [dreg:$0x1]  }
0x3: {  	s7 =	rddreg [dreg:$0x2]  }
0x4: {  	s4 =	rddreg [dreg:$0x3]  }
0x5: {  	s5 =	rddreg [dreg:$0x4]  }
0x6: {  	s8 =	srdreg.scid;
	s0 =	stileid.u32  }
0x7: {  	s6 =	simm.s32 $0x0;
	s12 =	simm.s32 $0x2;
	s16 =	simm.s32 $0x20000  }
0x8: {  	s17 =	simm.s32 $0x1;
	s18 =	simm.s32 $0x400;
	s19 =	simm.s32 $0x4400  }
0x9: {  	s20 =	simm.s32 $0x2400;
	s21 =	simm.s32 $0x6400;
	s22 =	simm.s32 $0x0  }
0xa: {  	s8 =	sand.u32 $0x1, s8;
	s9 =	sshll.u32 s0, $0x1;
	[smem:$0x7FF] =	sst s6  }
0xb: {  	s11 =	sshll.u32 s0, $0xE;
	s13 =	sshll.u32 s0, $0x6;
	s9 =	sor.u32 s8, s9  }
.Ltmp0:
0xc: {  	_ =	strace $0x80000047;
	s8 =	ssub.s32 $0x2, s8;
	(pc) =	sbr.rel .LBB2_1-.Ltmp0, $4  }
0xd: {  	v0 =	vlaneseq.u32;
	s13 =	sor.u32 $0x1C01, s13;
	s10 =	sshll.u32 s9, $0x7;
	s9 =	sshll.u32 s9, $0xA  }
0xe: {  	v1 =	vmul.u32 $0x80, v0;
	s30 =	sshrl.u32 s8, $0x1;
	s7 =	sadd.s32 s10, s7;
	s9 =	sor.u32 s11, s9  }
0xf: {  	v2 =	vimm.f32 $0.0e+00;
	s31 =	ssub.s32 s8, s30;
	s7 =	sadd.s32 $0x800, s7;
	s8 =	sand.u32 $0x31C00, s9  }
0x10: {  	v3 =	vor.u32 $0x800, v1;
	v4 =	vor.u32 $0x1000, v1;
	v5 =	vor.u32 $0x1800, v1;
	s11 =	smax.u32 s31, $0x1;
	s9 =	sadd.s32 s4, s8;
	s10 =	sadd.s32 s5, s8  }
.LBB2_8:
0x11: {  	s24 =	sadd.s32 s1, s23  }
0x12: {  	s0 =	simm.s32 $0x40;
	s3 =	simm.s32 $0x2000;
	s31 =	sadd.s32 s2, s23  }
0x13: {  	[hbm:s9@s3], [sflag:s13] =	dma.strided [hbm:s24@s16], $0x2000, s0, $0x10   }
0x14: {  	[hbm:s10@s3], [sflag:s13] =	dma.strided [hbm:s31@s16], $0x2000, s0, $0x10   }
0x15: {  	_ =	swait.ge [sflag:s17], $0x2000  }
0x16: {  	[sflag:s17] =	ssyncset.done $0x0  }
0x17: {  	[sflag:s17] =	ssyncadd.s32 $0xFFFFE000  }
0x18: {  	_ =	swait.ge [sflag:s17], $0x2000  }
0x19: {  	[sflag:s17] =	ssyncset.done $0x0  }
0x1a: {  	[sflag:s17] =	ssyncadd.s32 $0xFFFFE000  }
.LBB2_6:
0x1b: {  	s22 =	sadd.s32 $0x1, s22  }
0x1c: {  	p0 =	sne.s32 s22, s11  }
.Ltmp1:
0x1d: {  	_ = 	snop;
	(pc) =	sbr.rel @!p0 .LBB2_7-.Ltmp1, $1  }
0x1e: {  	_ =	sdelay $0x3  }
.LBB2_1:
0x1f: {  	[tilespmem:s6], [sflag:$0x2] =	stream.linear.gather [hbm4b:s7+s6], $0x400, $0x38;
	[tilespmem:$0x8400] =	vst v63  }
0x20: {  	_ =	swait.ge [sflag:s12], $0x400  }
0x21: {  	[sflag:s12] =	ssyncset.done $0x0  }
0x22: {  	[sflag:s12] =	ssyncadd.s32 $0xFFFFFC00  }
0x23: {  	v6 =	vld [tilespmem:$0x0];
	_ =	sdelay $0x4  }
0x24: {  	(v2sf) =	vpush v6, $0x0;
	_ =	sdelay $0xa  }
0x25: {  	s23 =	simm.s32 $0x0  }
0x26: {  	v6 =	vld [tilespmem:s23+$0x0];
	_ =	sdelay $0x1  }
0x27: {  	s29 =	simm.s32 $0x10  }
0x28: {  	s30 =	simm.s32 $0x20;
	v7 =	vld [tilespmem:s29+$0x0];
	s23 =	spop (v2sf)  }
0x29: {  	v8 =	vld [tilespmem:s30+$0x0];
	v9 =	vadd.s32 s23, v0  }
0x2a: {  	vm0 =	veq.s32 v6, v9  }
0x2b: {  	s24 =	sadd.s32 $0x10, s23;
	v9 =	vsel vm0, $0x3F800000, v2  }
0x2c: {  	v6 =	vadd.s32 s24, v0;
	s24 =	sadd.s32 $0x10, s24;
	(xrf0) =	vmin.scan.msk.f32 $0xffff, v9  }
0x2d: {  	vm13 =	veq.s32 v7, v6;
	v6 =	vadd.s32 s24, v0  }
0x2e: {  	v7 =	vsel vm13, $0x3F800000, v2;
	vm14 =	veq.s32 v8, v6  }
0x2f: {  	(xrf0) =	vmin.scan.msk.f32 $0xffff, v7;
	v6 =	vsel vm14, $0x3F800000, v2  }
0x30: {  	s25 =	simm.s32 $0x30;
	(xrf0) =	vmin.scan.msk.f32 $0xffff, v6  }
0x31: {  	v7 =	vld [tilespmem:s25+$0x0]  }
0x32: {  	v6, _, _ =	vpop (xrf0)  }
0x33: {  	(v2sf) =	vpush v6, $0xF  }
0x34: {  	s31 =	sadd.s32 $0x10, s24  }
0x35: {  	v8 =	vadd.s32 s31, v0;
	v6, _, _ =	vpop (xrf0)  }
0x36: {  	vm15 =	veq.s32 v7, v8;
	(v2sf) =	vpush v6, $0xF;
	v7, _, _ =	vpop (xrf0)  }
0x37: {  	(v2sf) =	vpush v7, $0xF;
	_ =	sdelay $0x4  }
0x38: {  	s26 =	simm.s32 $0x40;
	v6 =	vsel vm15, $0x3F800000, v2  }
0x39: {  	(xrf0) =	vmin.scan.msk.f32 $0xffff, v6;
	v6 =	vld [tilespmem:s26+$0x0];
	_ =	sdelay $0x2  }
0x3a: {  	p0 =	por $0x1, $0x1;
	s24 =	simm.s32 $0x140;
	s25 =	sadd.s32 $0x10, s31  }
.LBB2_2:
0x3b: {  	s26 =	sshra.s32 s24, $0x2;
	v7 =	vadd.s32 s25, v0;
	p1 =	sne.s32 s24, $0xFC0  }
.Ltmp2:
0x3c: {  	s24 =	sadd.s32 $0x40, s24;
	vm0 =	veq.s32 v6, v7;
	s28 =	spop (v2sf);
	(pc) =	sbr.rel @p1 .LBB2_2-.Ltmp2, $4  }
0x3d: {  	v6 =	vld [tilespmem:s26+$0x0];
	v8 =	vsel vm0, $0x3F800000, v2;
	p2 =	sgt.f32 s28, $0.0e+00  }
0x3e: {  	(xrf0) =	vmin.scan.msk.f32 $0xffff, v8;
	v7, _, _ =	vpop (xrf0)  }
0x3f: {  	(v2sf) =	vpush v7, $0xF;
	p0 =	por !p0, !p2  }
0x40: {  	s25 =	sadd.s32 $0x10, s25;
	p0 =	por !p0, !p0  }
0x41: {  	v7 =	vadd.s32 s25, v0  }
0x42: {  	vm0 =	veq.s32 v6, v7  }
0x43: {  	v6 =	vsel vm0, $0x3F800000, v2  }
0x44: {  	(xrf0) =	vmin.scan.msk.f32 $0xffff, v6;
	_ =	sdelay $0x3  }
0x45: {  	v6, _, _ =	vpop (xrf0)  }
0x46: {  	(v2sf) =	vpush v6, $0xF  }
0x47: {  	v6, _, _ =	vpop (xrf0)  }
0x48: {  	(v2sf) =	vpush v6, $0xF;
	_ =	sdelay $0x6  }
0x49: {  	s24 =	spop (v2sf)  }
0x4a: {  	p1 =	sgt.f32 s24, $0.0e+00  }
0x4b: {  	s25 =	spop (v2sf)  }
0x4c: {  	p2 =	sgt.f32 s25, $0.0e+00;
	p0 =	por !p0, !p1  }
0x4d: {  	p0 =	por !p0, !p0;
	s26 =	spop (v2sf)  }
0x4e: {  	p0 =	por !p0, !p2;
	p3 =	sgt.f32 s26, $0.0e+00  }
0x4f: {  	p0 =	por !p0, !p0;
	s28 =	spop (v2sf)  }
0x50: {  	p0 =	por !p0, !p3;
	p4 =	sgt.f32 s28, $0.0e+00  }
0x51: {  	s30 =	sand.u32 $0x8000007F, s23;
	p0 =	por !p0, !p0;
	s29 =	spop (v2sf)  }
0x52: {  	s31 =	sadd.s32 $0x400, s23;
	p0 =	por !p0, !p4;
	p5 =	sgt.f32 s29, $0.0e+00  }
0x53: {  	p2 =	seq.s32 s30, $0x0;
	p3 =	slt.s32 s31, $0x20001;
	p0 =	por !p0, !p0  }
0x54: {  	p6 =	por !p2, !p3;
	p0 =	por !p0, !p5  }
0x55: {  	p1 =	por !p6, !p6;
	p0 =	por !p0, !p0  }
0x56: {  	p0 =	por !p1, !p0  }
0x57: {  	p0 =	por !p0, !p0  }
.Ltmp3:
0x58: {  	_ = 	snop;
	(pc) =	sbr.rel @p0 .LBB2_8-.Ltmp3, $1  }
0x59: {  	_ =	sdelay $0x3  }
0x5a: {  	s29 =	simm.s32 $0xFFFFFFFF  }
0x5b: {  	s23 =	simm.s32 $0x0;
	s24 =	simm.s32 $0x0;
	s25 =	simm.s32 $0x0  }
.LBB2_5:
0x5c: {  	v6 =	vld [tilespmem:s24+$0x0];
	_ =	sdelay $0x4  }
0x5d: {  	vm0 =	vgt.s32 v6, $0x0  }
0x5e: {  	v6 =	vnsel vm0, $0x0, v6  }
0x5f: {  	v6 =	vmin.u32 v6, $0x1FFFF  }
0x60: {  	(v2sf) =	vpush v6, $0x0;
	_ =	sdelay $0xe  }
0x61: {  	s26 =	spop (v2sf)  }
0x62: {  	s30 =	sand.u32 $0x1FF80, s26  }
0x63: {  	p0 =	seq.s32 s30, s29  }
0x64: {  	s28 =	sadd.s32 @!p0 s1, s30;
	s29 =	simm.s32 @!p0 $0x100000;
	s31 =	simm.s32 @!p0 $0x400  }
0x65: {  	[tilespmem:s31], [sflag:$0x3] =	stream.strided.gather @!p0 [hbm4b:s28+s31], $0x2000, s29, s31, $0x38;
	[tilespmem:$0x8400] =	vst v63  }
0x66: {  	s28 =	simm.s32 @!p0 $0x3  }
0x67: {  	_ =	swait.ge @!p0 [sflag:s28], $0x2000  }
0x68: {  	s0 =	sand.u32 $0x7F, s26;
	[sflag:s28] =	ssyncset.done @!p0 $0x0  }
0x69: {  	v7 =	vor.u32 s0, v1;
	s26 =	sadd.s32 @!p0 s2, s30;
	s3 =	simm.s32 @!p0 $0x2400;
	[sflag:s28] =	ssyncadd.s32 @!p0 $0xFFFFE000  }
0x6a: {  	[tilespmem:s3], [sflag:$0x3] =	stream.strided.gather @!p0 [hbm4b:s26+s31], $0x2000, s29, s31, $0x38;
	[tilespmem:$0x8400] =	vst v63  }
0x6b: {  	_ =	swait.ge @!p0 [sflag:s28], $0x2000  }
0x6c: {  	s26 =	sand.u32 $0x7, s25;
	[sflag:s28] =	ssyncset.done @!p0 $0x0  }
0x6d: {  	[sflag:s28] =	ssyncadd.s32 @!p0 $0xFFFFE000;
	s28 =	sshll.u32 s26, $0x4  }
0x6e: {  	v8 =	vld.idx.msk [tilespmem:v7+s18+$0x0], $0xffff;
	v9 =	vor.u32 s28, v1;
	_ =	sdelay $0x4  }
0x6f: {  	[tilespmem:v9+s19+$0x0] =	vst.idx.msk $0xffff, v8  }
0x70: {  	v7 =	vld.idx.msk [tilespmem:v7+s20+$0x0], $0xffff  }
0x71: {  	v47 =	vor.u32 s0, v3;
	_ =	sdelay $0x3  }
0x72: {  	[tilespmem:v9+s21+$0x0] =	vst.idx.msk $0xffff, v7  }
0x73: {  	v48 =	vor.u32 s28, v3;
	v7 =	vld.idx.msk [tilespmem:v47+s18+$0x0], $0xffff;
	_ =	sdelay $0x4  }
0x74: {  	[tilespmem:v48+s19+$0x0] =	vst.idx.msk $0xffff, v7  }
0x75: {  	v7 =	vld.idx.msk [tilespmem:v47+s20+$0x0], $0xffff  }
0x76: {  	v49 =	vor.u32 s0, v4;
	_ =	sdelay $0x3  }
0x77: {  	[tilespmem:v48+s21+$0x0] =	vst.idx.msk $0xffff, v7  }
0x78: {  	v50 =	vor.u32 s28, v4;
	v7 =	vld.idx.msk [tilespmem:v49+s18+$0x0], $0xffff;
	_ =	sdelay $0x4  }
0x79: {  	(v2sf) =	vpush v6, $0x1;
	[tilespmem:v50+s19+$0x0] =	vst.idx.msk $0xffff, v7  }
0x7a: {  	v7 =	vld.idx.msk [tilespmem:v49+s20+$0x0], $0xffff  }
0x7b: {  	v51 =	vor.u32 s0, v5;
	_ =	sdelay $0x3  }
0x7c: {  	[tilespmem:v50+s21+$0x0] =	vst.idx.msk $0xffff, v7  }
0x7d: {  	v52 =	vor.u32 s28, v5;
	v7 =	vld.idx.msk [tilespmem:v51+s18+$0x0], $0xffff;
	_ =	sdelay $0x4  }
0x7e: {  	[tilespmem:v52+s19+$0x0] =	vst.idx.msk $0xffff, v7  }
0x7f: {  	v7 =	vld.idx.msk [tilespmem:v51+s20+$0x0], $0xffff;
	_ =	sdelay $0x1  }
0x80: {  	s15 =	spop (v2sf)  }
0x81: {  	s3 =	sand.u32 $0x1FF80, s15  }
0x82: {  	p0 =	seq.s32 s3, s30  }
0x83: {  	s29 =	sadd.s32 @!p0 s1, s3;
	s30 =	simm.s32 @!p0 $0x100000;
	s31 =	simm.s32 @!p0 $0x400;
	[tilespmem:v52+s21+$0x0] =	vst.idx.msk $0xffff, v7  }
0x84: {  	[tilespmem:s31], [sflag:$0x3] =	stream.strided.gather @!p0 [hbm4b:s29+s31], $0x2000, s30, s31, $0x38;
	[tilespmem:$0x8400] =	vst v63  }
0x85: {  	s29 =	simm.s32 @!p0 $0x3  }
0x86: {  	_ =	swait.ge @!p0 [sflag:s29], $0x2000  }
0x87: {  	s0 =	sand.u32 $0x7F, s15;
	[sflag:s29] =	ssyncset.done @!p0 $0x0  }
0x88: {  	s14 =	sadd.s32 @!p0 s2, s3;
	s15 =	simm.s32 @!p0 $0x2400;
	v7 =	vor.u32 s0, v1;
	[sflag:s29] =	ssyncadd.s32 @!p0 $0xFFFFE000  }
0x89: {  	[tilespmem:s15], [sflag:$0x3] =	stream.strided.gather @!p0 [hbm4b:s14+s31], $0x2000, s30, s31, $0x38;
	[tilespmem:$0x8400] =	vst v63  }
0x8a: {  	_ =	swait.ge @!p0 [sflag:s29], $0x2000  }
0x8b: {  	[sflag:s29] =	ssyncset.done @!p0 $0x0  }
0x8c: {  	s30 =	sor.u32 $0x1, s28;
	[sflag:s29] =	ssyncadd.s32 @!p0 $0xFFFFE000  }
0x8d: {  	v54 =	vor.u32 s30, v1;
	v53 =	vld.idx.msk [tilespmem:v7+s18+$0x0], $0xffff;
	_ =	sdelay $0x4  }
0x8e: {  	[tilespmem:v54+s19+$0x0] =	vst.idx.msk $0xffff, v53  }
0x8f: {  	v7 =	vld.idx.msk [tilespmem:v7+s20+$0x0], $0xffff  }
0x90: {  	v55 =	vor.u32 s0, v3;
	_ =	sdelay $0x3  }
0x91: {  	[tilespmem:v54+s21+$0x0] =	vst.idx.msk $0xffff, v7  }
0x92: {  	v56 =	vor.u32 s30, v3;
	v7 =	vld.idx.msk [tilespmem:v55+s18+$0x0], $0xffff;
	_ =	sdelay $0x4  }
0x93: {  	[tilespmem:v56+s19+$0x0] =	vst.idx.msk $0xffff, v7  }
0x94: {  	v7 =	vld.idx.msk [tilespmem:v55+s20+$0x0], $0xffff  }
0x95: {  	v57 =	vor.u32 s0, v4;
	_ =	sdelay $0x3  }
0x96: {  	[tilespmem:v56+s21+$0x0] =	vst.idx.msk $0xffff, v7  }
0x97: {  	v58 =	vor.u32 s30, v4;
	v7 =	vld.idx.msk [tilespmem:v57+s18+$0x0], $0xffff;
	_ =	sdelay $0x4  }
0x98: {  	(v2sf) =	vpush v6, $0x2;
	[tilespmem:v58+s19+$0x0] =	vst.idx.msk $0xffff, v7  }
0x99: {  	v7 =	vld.idx.msk [tilespmem:v57+s20+$0x0], $0xffff  }
0x9a: {  	v59 =	vor.u32 s0, v5;
	_ =	sdelay $0x3  }
0x9b: {  	[tilespmem:v58+s21+$0x0] =	vst.idx.msk $0xffff, v7  }
0x9c: {  	v60 =	vor.u32 s30, v5;
	v7 =	vld.idx.msk [tilespmem:v59+s18+$0x0], $0xffff;
	_ =	sdelay $0x4  }
0x9d: {  	[tilespmem:v60+s19+$0x0] =	vst.idx.msk $0xffff, v7  }
0x9e: {  	v7 =	vld.idx.msk [tilespmem:v59+s20+$0x0], $0xffff;
	_ =	sdelay $0x1  }
0x9f: {  	s31 =	spop (v2sf)  }
0xa0: {  	s14 =	sand.u32 $0x1FF80, s31  }
0xa1: {  	p0 =	seq.s32 s14, s3  }
0xa2: {  	s3 =	sadd.s32 @!p0 s1, s14;
	s15 =	simm.s32 @!p0 $0x100000;
	s29 =	simm.s32 @!p0 $0x400;
	[tilespmem:v60+s21+$0x0] =	vst.idx.msk $0xffff, v7  }
0xa3: {  	[tilespmem:s29], [sflag:$0x3] =	stream.strided.gather @!p0 [hbm4b:s3+s29], $0x2000, s15, s29, $0x38;
	[tilespmem:$0x8400] =	vst v63  }
0xa4: {  	s3 =	simm.s32 @!p0 $0x3  }
0xa5: {  	_ =	swait.ge @!p0 [sflag:s3], $0x2000  }
0xa6: {  	s0 =	sand.u32 $0x7F, s31;
	[sflag:s3] =	ssyncset.done @!p0 $0x0  }
0xa7: {  	s30 =	sadd.s32 @!p0 s2, s14;
	s31 =	simm.s32 @!p0 $0x2400;
	v7 =	vor.u32 s0, v1;
	[sflag:s3] =	ssyncadd.s32 @!p0 $0xFFFFE000  }
0xa8: {  	[tilespmem:s31], [sflag:$0x3] =	stream.strided.gather @!p0 [hbm4b:s30+s29], $0x2000, s15, s29, $0x38;
	[tilespmem:$0x8400] =	vst v63  }
0xa9: {  	_ =	swait.ge @!p0 [sflag:s3], $0x2000  }
0xaa: {  	[sflag:s3] =	ssyncset.done @!p0 $0x0  }
0xab: {  	s30 =	sor.u32 $0x2, s28;
	[sflag:s3] =	ssyncadd.s32 @!p0 $0xFFFFE000  }
0xac: {  	v62 =	vor.u32 s30, v1;
	v61 =	vld.idx.msk [tilespmem:v7+s18+$0x0], $0xffff;
	_ =	sdelay $0x4  }
0xad: {  	[tilespmem:v62+s19+$0x0] =	vst.idx.msk $0xffff, v61  }
0xae: {  	v7 =	vld.idx.msk [tilespmem:v7+s20+$0x0], $0xffff  }
0xaf: {  	v63 =	vor.u32 s0, v3;
	_ =	sdelay $0x3  }
0xb0: {  	[tilespmem:v62+s21+$0x0] =	vst.idx.msk $0xffff, v7  }
0xb1: {  	v12 =	vor.u32 s30, v3;
	v7 =	vld.idx.msk [tilespmem:v63+s18+$0x0], $0xffff;
	_ =	sdelay $0x4  }
0xb2: {  	[tilespmem:v12+s19+$0x0] =	vst.idx.msk $0xffff, v7  }
0xb3: {  	v7 =	vld.idx.msk [tilespmem:v63+s20+$0x0], $0xffff  }
0xb4: {  	v13 =	vor.u32 s0, v4;
	_ =	sdelay $0x3  }
0xb5: {  	[tilespmem:v12+s21+$0x0] =	vst.idx.msk $0xffff, v7  }
0xb6: {  	v14 =	vor.u32 s30, v4;
	v7 =	vld.idx.msk [tilespmem:v13+s18+$0x0], $0xffff;
	_ =	sdelay $0x4  }
0xb7: {  	(v2sf) =	vpush v6, $0x3;
	[tilespmem:v14+s19+$0x0] =	vst.idx.msk $0xffff, v7  }
0xb8: {  	v7 =	vld.idx.msk [tilespmem:v13+s20+$0x0], $0xffff  }
0xb9: {  	v15 =	vor.u32 s0, v5;
	_ =	sdelay $0x3  }
0xba: {  	[tilespmem:v14+s21+$0x0] =	vst.idx.msk $0xffff, v7  }
0xbb: {  	v16 =	vor.u32 s30, v5;
	v7 =	vld.idx.msk [tilespmem:v15+s18+$0x0], $0xffff;
	_ =	sdelay $0x4  }
0xbc: {  	[tilespmem:v16+s19+$0x0] =	vst.idx.msk $0xffff, v7  }
0xbd: {  	v7 =	vld.idx.msk [tilespmem:v15+s20+$0x0], $0xffff;
	_ =	sdelay $0x1  }
0xbe: {  	s31 =	spop (v2sf)  }
0xbf: {  	s3 =	sand.u32 $0x1FF80, s31  }
0xc0: {  	p0 =	seq.s32 s3, s14  }
0xc1: {  	s14 =	sadd.s32 @!p0 s1, s3;
	s15 =	simm.s32 @!p0 $0x100000;
	s29 =	simm.s32 @!p0 $0x400;
	[tilespmem:v16+s21+$0x0] =	vst.idx.msk $0xffff, v7  }
0xc2: {  	[tilespmem:s29], [sflag:$0x3] =	stream.strided.gather @!p0 [hbm4b:s14+s29], $0x2000, s15, s29, $0x38;
	[tilespmem:$0x8400] =	vst v63  }
0xc3: {  	s14 =	simm.s32 @!p0 $0x3  }
0xc4: {  	_ =	swait.ge @!p0 [sflag:s14], $0x2000  }
0xc5: {  	s0 =	sand.u32 $0x7F, s31;
	[sflag:s14] =	ssyncset.done @!p0 $0x0  }
0xc6: {  	s30 =	sadd.s32 @!p0 s2, s3;
	s31 =	simm.s32 @!p0 $0x2400;
	v7 =	vor.u32 s0, v1;
	[sflag:s14] =	ssyncadd.s32 @!p0 $0xFFFFE000  }
0xc7: {  	[tilespmem:s31], [sflag:$0x3] =	stream.strided.gather @!p0 [hbm4b:s30+s29], $0x2000, s15, s29, $0x38;
	[tilespmem:$0x8400] =	vst v63  }
0xc8: {  	_ =	swait.ge @!p0 [sflag:s14], $0x2000  }
0xc9: {  	[sflag:s14] =	ssyncset.done @!p0 $0x0  }
0xca: {  	s30 =	sor.u32 $0x3, s28;
	[sflag:s14] =	ssyncadd.s32 @!p0 $0xFFFFE000  }
0xcb: {  	v18 =	vor.u32 s30, v1;
	v17 =	vld.idx.msk [tilespmem:v7+s18+$0x0], $0xffff;
	_ =	sdelay $0x4  }
0xcc: {  	[tilespmem:v18+s19+$0x0] =	vst.idx.msk $0xffff, v17  }
0xcd: {  	v7 =	vld.idx.msk [tilespmem:v7+s20+$0x0], $0xffff  }
0xce: {  	v19 =	vor.u32 s0, v3;
	_ =	sdelay $0x3  }
0xcf: {  	[tilespmem:v18+s21+$0x0] =	vst.idx.msk $0xffff, v7  }
0xd0: {  	v20 =	vor.u32 s30, v3;
	v7 =	vld.idx.msk [tilespmem:v19+s18+$0x0], $0xffff;
	_ =	sdelay $0x4  }
0xd1: {  	[tilespmem:v20+s19+$0x0] =	vst.idx.msk $0xffff, v7  }
0xd2: {  	v7 =	vld.idx.msk [tilespmem:v19+s20+$0x0], $0xffff  }
0xd3: {  	v21 =	vor.u32 s0, v4;
	_ =	sdelay $0x3  }
0xd4: {  	[tilespmem:v20+s21+$0x0] =	vst.idx.msk $0xffff, v7  }
0xd5: {  	v22 =	vor.u32 s30, v4;
	v7 =	vld.idx.msk [tilespmem:v21+s18+$0x0], $0xffff;
	_ =	sdelay $0x4  }
0xd6: {  	(v2sf) =	vpush v6, $0x4;
	[tilespmem:v22+s19+$0x0] =	vst.idx.msk $0xffff, v7  }
0xd7: {  	v7 =	vld.idx.msk [tilespmem:v21+s20+$0x0], $0xffff  }
0xd8: {  	v23 =	vor.u32 s0, v5;
	_ =	sdelay $0x3  }
0xd9: {  	[tilespmem:v22+s21+$0x0] =	vst.idx.msk $0xffff, v7  }
0xda: {  	v24 =	vor.u32 s30, v5;
	v7 =	vld.idx.msk [tilespmem:v23+s18+$0x0], $0xffff;
	_ =	sdelay $0x4  }
0xdb: {  	[tilespmem:v24+s19+$0x0] =	vst.idx.msk $0xffff, v7  }
0xdc: {  	v7 =	vld.idx.msk [tilespmem:v23+s20+$0x0], $0xffff;
	_ =	sdelay $0x1  }
0xdd: {  	s31 =	spop (v2sf)  }
0xde: {  	s14 =	sand.u32 $0x1FF80, s31  }
0xdf: {  	p0 =	seq.s32 s14, s3  }
0xe0: {  	s3 =	sadd.s32 @!p0 s1, s14;
	s15 =	simm.s32 @!p0 $0x100000;
	s29 =	simm.s32 @!p0 $0x400;
	[tilespmem:v24+s21+$0x0] =	vst.idx.msk $0xffff, v7  }
0xe1: {  	[tilespmem:s29], [sflag:$0x3] =	stream.strided.gather @!p0 [hbm4b:s3+s29], $0x2000, s15, s29, $0x38;
	[tilespmem:$0x8400] =	vst v63  }
0xe2: {  	s3 =	simm.s32 @!p0 $0x3  }
0xe3: {  	_ =	swait.ge @!p0 [sflag:s3], $0x2000  }
0xe4: {  	s0 =	sand.u32 $0x7F, s31;
	[sflag:s3] =	ssyncset.done @!p0 $0x0  }
0xe5: {  	s30 =	sadd.s32 @!p0 s2, s14;
	s31 =	simm.s32 @!p0 $0x2400;
	v7 =	vor.u32 s0, v1;
	[sflag:s3] =	ssyncadd.s32 @!p0 $0xFFFFE000  }
0xe6: {  	[tilespmem:s31], [sflag:$0x3] =	stream.strided.gather @!p0 [hbm4b:s30+s29], $0x2000, s15, s29, $0x38;
	[tilespmem:$0x8400] =	vst v63  }
0xe7: {  	_ =	swait.ge @!p0 [sflag:s3], $0x2000  }
0xe8: {  	[sflag:s3] =	ssyncset.done @!p0 $0x0  }
0xe9: {  	s30 =	sor.u32 $0x4, s28;
	[sflag:s3] =	ssyncadd.s32 @!p0 $0xFFFFE000  }
0xea: {  	v26 =	vor.u32 s30, v1;
	v25 =	vld.idx.msk [tilespmem:v7+s18+$0x0], $0xffff;
	_ =	sdelay $0x4  }
0xeb: {  	[tilespmem:v26+s19+$0x0] =	vst.idx.msk $0xffff, v25  }
0xec: {  	v7 =	vld.idx.msk [tilespmem:v7+s20+$0x0], $0xffff  }
0xed: {  	v27 =	vor.u32 s0, v3;
	_ =	sdelay $0x3  }
0xee: {  	[tilespmem:v26+s21+$0x0] =	vst.idx.msk $0xffff, v7  }
0xef: {  	v28 =	vor.u32 s30, v3;
	v7 =	vld.idx.msk [tilespmem:v27+s18+$0x0], $0xffff;
	_ =	sdelay $0x4  }
0xf0: {  	[tilespmem:v28+s19+$0x0] =	vst.idx.msk $0xffff, v7  }
0xf1: {  	v7 =	vld.idx.msk [tilespmem:v27+s20+$0x0], $0xffff  }
0xf2: {  	v29 =	vor.u32 s0, v4;
	_ =	sdelay $0x3  }
0xf3: {  	[tilespmem:v28+s21+$0x0] =	vst.idx.msk $0xffff, v7  }
0xf4: {  	v30 =	vor.u32 s30, v4;
	v7 =	vld.idx.msk [tilespmem:v29+s18+$0x0], $0xffff;
	_ =	sdelay $0x4  }
0xf5: {  	(v2sf) =	vpush v6, $0x5;
	[tilespmem:v30+s19+$0x0] =	vst.idx.msk $0xffff, v7  }
0xf6: {  	v7 =	vld.idx.msk [tilespmem:v29+s20+$0x0], $0xffff  }
0xf7: {  	v31 =	vor.u32 s0, v5;
	_ =	sdelay $0x3  }
0xf8: {  	[tilespmem:v30+s21+$0x0] =	vst.idx.msk $0xffff, v7  }
0xf9: {  	v32 =	vor.u32 s30, v5;
	v7 =	vld.idx.msk [tilespmem:v31+s18+$0x0], $0xffff;
	_ =	sdelay $0x4  }
0xfa: {  	[tilespmem:v32+s19+$0x0] =	vst.idx.msk $0xffff, v7  }
0xfb: {  	v7 =	vld.idx.msk [tilespmem:v31+s20+$0x0], $0xffff;
	_ =	sdelay $0x1  }
0xfc: {  	s31 =	spop (v2sf)  }
0xfd: {  	s3 =	sand.u32 $0x1FF80, s31  }
0xfe: {  	p0 =	seq.s32 s3, s14  }
0xff: {  	s14 =	sadd.s32 @!p0 s1, s3;
	s15 =	simm.s32 @!p0 $0x100000;
	s29 =	simm.s32 @!p0 $0x400;
	[tilespmem:v32+s21+$0x0] =	vst.idx.msk $0xffff, v7  }
0x100: {  	[tilespmem:s29], [sflag:$0x3] =	stream.strided.gather @!p0 [hbm4b:s14+s29], $0x2000, s15, s29, $0x38;
	[tilespmem:$0x8400] =	vst v63  }
0x101: {  	s14 =	simm.s32 @!p0 $0x3  }
0x102: {  	_ =	swait.ge @!p0 [sflag:s14], $0x2000  }
0x103: {  	s0 =	sand.u32 $0x7F, s31;
	[sflag:s14] =	ssyncset.done @!p0 $0x0  }
0x104: {  	s30 =	sadd.s32 @!p0 s2, s3;
	s31 =	simm.s32 @!p0 $0x2400;
	v7 =	vor.u32 s0, v1;
	[sflag:s14] =	ssyncadd.s32 @!p0 $0xFFFFE000  }
0x105: {  	[tilespmem:s31], [sflag:$0x3] =	stream.strided.gather @!p0 [hbm4b:s30+s29], $0x2000, s15, s29, $0x38;
	[tilespmem:$0x8400] =	vst v63  }
0x106: {  	_ =	swait.ge @!p0 [sflag:s14], $0x2000  }
0x107: {  	[sflag:s14] =	ssyncset.done @!p0 $0x0  }
0x108: {  	s30 =	sor.u32 $0x5, s28;
	[sflag:s14] =	ssyncadd.s32 @!p0 $0xFFFFE000  }
0x109: {  	v34 =	vor.u32 s30, v1;
	v33 =	vld.idx.msk [tilespmem:v7+s18+$0x0], $0xffff;
	_ =	sdelay $0x4  }
0x10a: {  	[tilespmem:v34+s19+$0x0] =	vst.idx.msk $0xffff, v33  }
0x10b: {  	v7 =	vld.idx.msk [tilespmem:v7+s20+$0x0], $0xffff  }
0x10c: {  	v35 =	vor.u32 s0, v3;
	_ =	sdelay $0x3  }
0x10d: {  	[tilespmem:v34+s21+$0x0] =	vst.idx.msk $0xffff, v7  }
0x10e: {  	v36 =	vor.u32 s30, v3;
	v7 =	vld.idx.msk [tilespmem:v35+s18+$0x0], $0xffff;
	_ =	sdelay $0x4  }
0x10f: {  	[tilespmem:v36+s19+$0x0] =	vst.idx.msk $0xffff, v7  }
0x110: {  	v7 =	vld.idx.msk [tilespmem:v35+s20+$0x0], $0xffff  }
0x111: {  	v37 =	vor.u32 s0, v4;
	_ =	sdelay $0x3  }
0x112: {  	[tilespmem:v36+s21+$0x0] =	vst.idx.msk $0xffff, v7  }
0x113: {  	v38 =	vor.u32 s30, v4;
	v7 =	vld.idx.msk [tilespmem:v37+s18+$0x0], $0xffff;
	_ =	sdelay $0x4  }
0x114: {  	(v2sf) =	vpush v6, $0x6;
	[tilespmem:v38+s19+$0x0] =	vst.idx.msk $0xffff, v7  }
0x115: {  	v7 =	vld.idx.msk [tilespmem:v37+s20+$0x0], $0xffff  }
0x116: {  	v39 =	vor.u32 s0, v5;
	_ =	sdelay $0x3  }
0x117: {  	[tilespmem:v38+s21+$0x0] =	vst.idx.msk $0xffff, v7  }
0x118: {  	v40 =	vor.u32 s30, v5;
	v7 =	vld.idx.msk [tilespmem:v39+s18+$0x0], $0xffff;
	_ =	sdelay $0x4  }
0x119: {  	[tilespmem:v40+s19+$0x0] =	vst.idx.msk $0xffff, v7  }
0x11a: {  	v7 =	vld.idx.msk [tilespmem:v39+s20+$0x0], $0xffff;
	_ =	sdelay $0x1  }
0x11b: {  	s31 =	spop (v2sf)  }
0x11c: {  	s14 =	sand.u32 $0x1FF80, s31  }
0x11d: {  	p0 =	seq.s32 s14, s3  }
0x11e: {  	s3 =	sadd.s32 @!p0 s1, s14;
	s15 =	simm.s32 @!p0 $0x100000;
	s29 =	simm.s32 @!p0 $0x400;
	[tilespmem:v40+s21+$0x0] =	vst.idx.msk $0xffff, v7  }
0x11f: {  	[tilespmem:s29], [sflag:$0x3] =	stream.strided.gather @!p0 [hbm4b:s3+s29], $0x2000, s15, s29, $0x38;
	[tilespmem:$0x8400] =	vst v63  }
0x120: {  	s3 =	simm.s32 @!p0 $0x3  }
0x121: {  	_ =	swait.ge @!p0 [sflag:s3], $0x2000  }
0x122: {  	s0 =	sand.u32 $0x7F, s31;
	[sflag:s3] =	ssyncset.done @!p0 $0x0  }
0x123: {  	s30 =	sadd.s32 @!p0 s2, s14;
	s31 =	simm.s32 @!p0 $0x2400;
	v7 =	vor.u32 s0, v1;
	[sflag:s3] =	ssyncadd.s32 @!p0 $0xFFFFE000  }
0x124: {  	[tilespmem:s31], [sflag:$0x3] =	stream.strided.gather @!p0 [hbm4b:s30+s29], $0x2000, s15, s29, $0x38;
	[tilespmem:$0x8400] =	vst v63  }
0x125: {  	_ =	swait.ge @!p0 [sflag:s3], $0x2000  }
0x126: {  	[sflag:s3] =	ssyncset.done @!p0 $0x0  }
0x127: {  	s30 =	sor.u32 $0x6, s28;
	[sflag:s3] =	ssyncadd.s32 @!p0 $0xFFFFE000  }
0x128: {  	v42 =	vor.u32 s30, v1;
	v41 =	vld.idx.msk [tilespmem:v7+s18+$0x0], $0xffff;
	_ =	sdelay $0x4  }
0x129: {  	[tilespmem:v42+s19+$0x0] =	vst.idx.msk $0xffff, v41  }
0x12a: {  	v7 =	vld.idx.msk [tilespmem:v7+s20+$0x0], $0xffff  }
0x12b: {  	v43 =	vor.u32 s0, v3;
	_ =	sdelay $0x3  }
0x12c: {  	[tilespmem:v42+s21+$0x0] =	vst.idx.msk $0xffff, v7  }
0x12d: {  	v44 =	vor.u32 s30, v3;
	v7 =	vld.idx.msk [tilespmem:v43+s18+$0x0], $0xffff;
	_ =	sdelay $0x4  }
0x12e: {  	[tilespmem:v44+s19+$0x0] =	vst.idx.msk $0xffff, v7  }
0x12f: {  	v7 =	vld.idx.msk [tilespmem:v43+s20+$0x0], $0xffff  }
0x130: {  	v45 =	vor.u32 s0, v4;
	_ =	sdelay $0x3  }
0x131: {  	[tilespmem:v44+s21+$0x0] =	vst.idx.msk $0xffff, v7  }
0x132: {  	v46 =	vor.u32 s30, v4;
	v7 =	vld.idx.msk [tilespmem:v45+s18+$0x0], $0xffff;
	_ =	sdelay $0x4  }
0x133: {  	(v2sf) =	vpush v6, $0x7;
	[tilespmem:v46+s19+$0x0] =	vst.idx.msk $0xffff, v7  }
0x134: {  	v7 =	vld.idx.msk [tilespmem:v45+s20+$0x0], $0xffff  }
0x135: {  	v47 =	vor.u32 s0, v5;
	_ =	sdelay $0x3  }
0x136: {  	[tilespmem:v46+s21+$0x0] =	vst.idx.msk $0xffff, v7  }
0x137: {  	v48 =	vor.u32 s30, v5;
	v7 =	vld.idx.msk [tilespmem:v47+s18+$0x0], $0xffff;
	_ =	sdelay $0x4  }
0x138: {  	[tilespmem:v48+s19+$0x0] =	vst.idx.msk $0xffff, v7  }
0x139: {  	v7 =	vld.idx.msk [tilespmem:v47+s20+$0x0], $0xffff;
	_ =	sdelay $0x1  }
0x13a: {  	s31 =	spop (v2sf)  }
0x13b: {  	s3 =	sand.u32 $0x1FF80, s31  }
0x13c: {  	p0 =	seq.s32 s3, s14  }
0x13d: {  	s14 =	sadd.s32 @!p0 s1, s3;
	s15 =	simm.s32 @!p0 $0x100000;
	s29 =	simm.s32 @!p0 $0x400;
	[tilespmem:v48+s21+$0x0] =	vst.idx.msk $0xffff, v7  }
0x13e: {  	[tilespmem:s29], [sflag:$0x3] =	stream.strided.gather @!p0 [hbm4b:s14+s29], $0x2000, s15, s29, $0x38;
	[tilespmem:$0x8400] =	vst v63  }
0x13f: {  	s14 =	simm.s32 @!p0 $0x3  }
0x140: {  	_ =	swait.ge @!p0 [sflag:s14], $0x2000  }
0x141: {  	s0 =	sand.u32 $0x7F, s31;
	[sflag:s14] =	ssyncset.done @!p0 $0x0  }
0x142: {  	s30 =	sadd.s32 @!p0 s2, s3;
	s31 =	simm.s32 @!p0 $0x2400;
	v7 =	vor.u32 s0, v1;
	[sflag:s14] =	ssyncadd.s32 @!p0 $0xFFFFE000  }
0x143: {  	[tilespmem:s31], [sflag:$0x3] =	stream.strided.gather @!p0 [hbm4b:s30+s29], $0x2000, s15, s29, $0x38;
	[tilespmem:$0x8400] =	vst v63  }
0x144: {  	_ =	swait.ge @!p0 [sflag:s14], $0x2000  }
0x145: {  	[sflag:s14] =	ssyncset.done @!p0 $0x0  }
0x146: {  	s30 =	sor.u32 $0x7, s28;
	[sflag:s14] =	ssyncadd.s32 @!p0 $0xFFFFE000  }
0x147: {  	v50 =	vor.u32 s30, v1;
	v49 =	vld.idx.msk [tilespmem:v7+s18+$0x0], $0xffff;
	_ =	sdelay $0x4  }
0x148: {  	[tilespmem:v50+s19+$0x0] =	vst.idx.msk $0xffff, v49  }
0x149: {  	v7 =	vld.idx.msk [tilespmem:v7+s20+$0x0], $0xffff  }
0x14a: {  	v51 =	vor.u32 s0, v3;
	_ =	sdelay $0x3  }
0x14b: {  	[tilespmem:v50+s21+$0x0] =	vst.idx.msk $0xffff, v7  }
0x14c: {  	v52 =	vor.u32 s30, v3;
	v7 =	vld.idx.msk [tilespmem:v51+s18+$0x0], $0xffff;
	_ =	sdelay $0x4  }
0x14d: {  	[tilespmem:v52+s19+$0x0] =	vst.idx.msk $0xffff, v7  }
0x14e: {  	v7 =	vld.idx.msk [tilespmem:v51+s20+$0x0], $0xffff  }
0x14f: {  	v53 =	vor.u32 s0, v4;
	_ =	sdelay $0x3  }
0x150: {  	[tilespmem:v52+s21+$0x0] =	vst.idx.msk $0xffff, v7  }
0x151: {  	v54 =	vor.u32 s30, v4;
	v7 =	vld.idx.msk [tilespmem:v53+s18+$0x0], $0xffff;
	_ =	sdelay $0x4  }
0x152: {  	(v2sf) =	vpush v6, $0x8;
	[tilespmem:v54+s19+$0x0] =	vst.idx.msk $0xffff, v7  }
0x153: {  	v7 =	vld.idx.msk [tilespmem:v53+s20+$0x0], $0xffff  }
0x154: {  	v55 =	vor.u32 s0, v5;
	_ =	sdelay $0x3  }
0x155: {  	[tilespmem:v54+s21+$0x0] =	vst.idx.msk $0xffff, v7  }
0x156: {  	v56 =	vor.u32 s30, v5;
	v7 =	vld.idx.msk [tilespmem:v55+s18+$0x0], $0xffff;
	_ =	sdelay $0x4  }
0x157: {  	[tilespmem:v56+s19+$0x0] =	vst.idx.msk $0xffff, v7  }
0x158: {  	v7 =	vld.idx.msk [tilespmem:v55+s20+$0x0], $0xffff;
	_ =	sdelay $0x1  }
0x159: {  	s31 =	spop (v2sf)  }
0x15a: {  	s14 =	sand.u32 $0x1FF80, s31  }
0x15b: {  	p0 =	seq.s32 s14, s3  }
0x15c: {  	s3 =	sadd.s32 @!p0 s1, s14;
	s15 =	simm.s32 @!p0 $0x100000;
	s29 =	simm.s32 @!p0 $0x400;
	[tilespmem:v56+s21+$0x0] =	vst.idx.msk $0xffff, v7  }
0x15d: {  	[tilespmem:s29], [sflag:$0x3] =	stream.strided.gather @!p0 [hbm4b:s3+s29], $0x2000, s15, s29, $0x38;
	[tilespmem:$0x8400] =	vst v63  }
0x15e: {  	s3 =	simm.s32 @!p0 $0x3  }
0x15f: {  	_ =	swait.ge @!p0 [sflag:s3], $0x2000  }
0x160: {  	s0 =	sand.u32 $0x7F, s31;
	[sflag:s3] =	ssyncset.done @!p0 $0x0  }
0x161: {  	s30 =	sadd.s32 @!p0 s2, s14;
	s31 =	simm.s32 @!p0 $0x2400;
	v7 =	vor.u32 s0, v1;
	[sflag:s3] =	ssyncadd.s32 @!p0 $0xFFFFE000  }
0x162: {  	[tilespmem:s31], [sflag:$0x3] =	stream.strided.gather @!p0 [hbm4b:s30+s29], $0x2000, s15, s29, $0x38;
	[tilespmem:$0x8400] =	vst v63  }
0x163: {  	_ =	swait.ge @!p0 [sflag:s3], $0x2000  }
0x164: {  	[sflag:s3] =	ssyncset.done @!p0 $0x0  }
0x165: {  	s30 =	sor.u32 $0x8, s28;
	[sflag:s3] =	ssyncadd.s32 @!p0 $0xFFFFE000  }
0x166: {  	v58 =	vor.u32 s30, v1;
	v57 =	vld.idx.msk [tilespmem:v7+s18+$0x0], $0xffff;
	_ =	sdelay $0x4  }
0x167: {  	[tilespmem:v58+s19+$0x0] =	vst.idx.msk $0xffff, v57  }
0x168: {  	v7 =	vld.idx.msk [tilespmem:v7+s20+$0x0], $0xffff  }
0x169: {  	v59 =	vor.u32 s0, v3;
	_ =	sdelay $0x3  }
0x16a: {  	[tilespmem:v58+s21+$0x0] =	vst.idx.msk $0xffff, v7  }
0x16b: {  	v60 =	vor.u32 s30, v3;
	v7 =	vld.idx.msk [tilespmem:v59+s18+$0x0], $0xffff;
	_ =	sdelay $0x4  }
0x16c: {  	[tilespmem:v60+s19+$0x0] =	vst.idx.msk $0xffff, v7  }
0x16d: {  	v7 =	vld.idx.msk [tilespmem:v59+s20+$0x0], $0xffff  }
0x16e: {  	v61 =	vor.u32 s0, v4;
	_ =	sdelay $0x3  }
0x16f: {  	[tilespmem:v60+s21+$0x0] =	vst.idx.msk $0xffff, v7  }
0x170: {  	v62 =	vor.u32 s30, v4;
	v7 =	vld.idx.msk [tilespmem:v61+s18+$0x0], $0xffff;
	_ =	sdelay $0x4  }
0x171: {  	(v2sf) =	vpush v6, $0x9;
	[tilespmem:v62+s19+$0x0] =	vst.idx.msk $0xffff, v7  }
0x172: {  	v7 =	vld.idx.msk [tilespmem:v61+s20+$0x0], $0xffff  }
0x173: {  	v63 =	vor.u32 s0, v5;
	_ =	sdelay $0x3  }
0x174: {  	[tilespmem:v62+s21+$0x0] =	vst.idx.msk $0xffff, v7  }
0x175: {  	v12 =	vor.u32 s30, v5;
	v7 =	vld.idx.msk [tilespmem:v63+s18+$0x0], $0xffff;
	_ =	sdelay $0x4  }
0x176: {  	[tilespmem:v12+s19+$0x0] =	vst.idx.msk $0xffff, v7  }
0x177: {  	v7 =	vld.idx.msk [tilespmem:v63+s20+$0x0], $0xffff;
	_ =	sdelay $0x1  }
0x178: {  	s31 =	spop (v2sf)  }
0x179: {  	s3 =	sand.u32 $0x1FF80, s31  }
0x17a: {  	p0 =	seq.s32 s3, s14  }
0x17b: {  	s14 =	sadd.s32 @!p0 s1, s3;
	s15 =	simm.s32 @!p0 $0x100000;
	s29 =	simm.s32 @!p0 $0x400;
	[tilespmem:v12+s21+$0x0] =	vst.idx.msk $0xffff, v7  }
0x17c: {  	[tilespmem:s29], [sflag:$0x3] =	stream.strided.gather @!p0 [hbm4b:s14+s29], $0x2000, s15, s29, $0x38;
	[tilespmem:$0x8400] =	vst v63  }
0x17d: {  	s14 =	simm.s32 @!p0 $0x3  }
0x17e: {  	_ =	swait.ge @!p0 [sflag:s14], $0x2000  }
0x17f: {  	s0 =	sand.u32 $0x7F, s31;
	[sflag:s14] =	ssyncset.done @!p0 $0x0  }
0x180: {  	s30 =	sadd.s32 @!p0 s2, s3;
	s31 =	simm.s32 @!p0 $0x2400;
	v7 =	vor.u32 s0, v1;
	[sflag:s14] =	ssyncadd.s32 @!p0 $0xFFFFE000  }
0x181: {  	[tilespmem:s31], [sflag:$0x3] =	stream.strided.gather @!p0 [hbm4b:s30+s29], $0x2000, s15, s29, $0x38;
	[tilespmem:$0x8400] =	vst v63  }
0x182: {  	_ =	swait.ge @!p0 [sflag:s14], $0x2000  }
0x183: {  	[sflag:s14] =	ssyncset.done @!p0 $0x0  }
0x184: {  	s30 =	sor.u32 $0x9, s28;
	[sflag:s14] =	ssyncadd.s32 @!p0 $0xFFFFE000  }
0x185: {  	v14 =	vor.u32 s30, v1;
	v13 =	vld.idx.msk [tilespmem:v7+s18+$0x0], $0xffff;
	_ =	sdelay $0x4  }
0x186: {  	[tilespmem:v14+s19+$0x0] =	vst.idx.msk $0xffff, v13  }
0x187: {  	v7 =	vld.idx.msk [tilespmem:v7+s20+$0x0], $0xffff  }
0x188: {  	v15 =	vor.u32 s0, v3;
	_ =	sdelay $0x3  }
0x189: {  	[tilespmem:v14+s21+$0x0] =	vst.idx.msk $0xffff, v7  }
0x18a: {  	v16 =	vor.u32 s30, v3;
	v7 =	vld.idx.msk [tilespmem:v15+s18+$0x0], $0xffff;
	_ =	sdelay $0x4  }
0x18b: {  	[tilespmem:v16+s19+$0x0] =	vst.idx.msk $0xffff, v7  }
0x18c: {  	v7 =	vld.idx.msk [tilespmem:v15+s20+$0x0], $0xffff  }
0x18d: {  	v17 =	vor.u32 s0, v4;
	_ =	sdelay $0x3  }
0x18e: {  	[tilespmem:v16+s21+$0x0] =	vst.idx.msk $0xffff, v7  }
0x18f: {  	v18 =	vor.u32 s30, v4;
	v7 =	vld.idx.msk [tilespmem:v17+s18+$0x0], $0xffff;
	_ =	sdelay $0x4  }
0x190: {  	(v2sf) =	vpush v6, $0xA;
	[tilespmem:v18+s19+$0x0] =	vst.idx.msk $0xffff, v7  }
0x191: {  	v7 =	vld.idx.msk [tilespmem:v17+s20+$0x0], $0xffff  }
0x192: {  	v19 =	vor.u32 s0, v5;
	_ =	sdelay $0x3  }
0x193: {  	[tilespmem:v18+s21+$0x0] =	vst.idx.msk $0xffff, v7  }
0x194: {  	v20 =	vor.u32 s30, v5;
	v7 =	vld.idx.msk [tilespmem:v19+s18+$0x0], $0xffff;
	_ =	sdelay $0x4  }
0x195: {  	[tilespmem:v20+s19+$0x0] =	vst.idx.msk $0xffff, v7  }
0x196: {  	v7 =	vld.idx.msk [tilespmem:v19+s20+$0x0], $0xffff;
	_ =	sdelay $0x1  }
0x197: {  	s31 =	spop (v2sf)  }
0x198: {  	s14 =	sand.u32 $0x1FF80, s31  }
0x199: {  	p0 =	seq.s32 s14, s3  }
0x19a: {  	s3 =	sadd.s32 @!p0 s1, s14;
	s15 =	simm.s32 @!p0 $0x100000;
	s29 =	simm.s32 @!p0 $0x400;
	[tilespmem:v20+s21+$0x0] =	vst.idx.msk $0xffff, v7  }
0x19b: {  	[tilespmem:s29], [sflag:$0x3] =	stream.strided.gather @!p0 [hbm4b:s3+s29], $0x2000, s15, s29, $0x38;
	[tilespmem:$0x8400] =	vst v63  }
0x19c: {  	s3 =	simm.s32 @!p0 $0x3  }
0x19d: {  	_ =	swait.ge @!p0 [sflag:s3], $0x2000  }
0x19e: {  	s0 =	sand.u32 $0x7F, s31;
	[sflag:s3] =	ssyncset.done @!p0 $0x0  }
0x19f: {  	s30 =	sadd.s32 @!p0 s2, s14;
	s31 =	simm.s32 @!p0 $0x2400;
	v7 =	vor.u32 s0, v1;
	[sflag:s3] =	ssyncadd.s32 @!p0 $0xFFFFE000  }
0x1a0: {  	[tilespmem:s31], [sflag:$0x3] =	stream.strided.gather @!p0 [hbm4b:s30+s29], $0x2000, s15, s29, $0x38;
	[tilespmem:$0x8400] =	vst v63  }
0x1a1: {  	_ =	swait.ge @!p0 [sflag:s3], $0x2000  }
0x1a2: {  	[sflag:s3] =	ssyncset.done @!p0 $0x0  }
0x1a3: {  	s30 =	sor.u32 $0xA, s28;
	[sflag:s3] =	ssyncadd.s32 @!p0 $0xFFFFE000  }
0x1a4: {  	v22 =	vor.u32 s30, v1;
	v21 =	vld.idx.msk [tilespmem:v7+s18+$0x0], $0xffff;
	_ =	sdelay $0x4  }
0x1a5: {  	[tilespmem:v22+s19+$0x0] =	vst.idx.msk $0xffff, v21  }
0x1a6: {  	v7 =	vld.idx.msk [tilespmem:v7+s20+$0x0], $0xffff  }
0x1a7: {  	v23 =	vor.u32 s0, v3;
	_ =	sdelay $0x3  }
0x1a8: {  	[tilespmem:v22+s21+$0x0] =	vst.idx.msk $0xffff, v7  }
0x1a9: {  	v24 =	vor.u32 s30, v3;
	v7 =	vld.idx.msk [tilespmem:v23+s18+$0x0], $0xffff;
	_ =	sdelay $0x4  }
0x1aa: {  	[tilespmem:v24+s19+$0x0] =	vst.idx.msk $0xffff, v7  }
0x1ab: {  	v7 =	vld.idx.msk [tilespmem:v23+s20+$0x0], $0xffff  }
0x1ac: {  	v25 =	vor.u32 s0, v4;
	_ =	sdelay $0x3  }
0x1ad: {  	[tilespmem:v24+s21+$0x0] =	vst.idx.msk $0xffff, v7  }
0x1ae: {  	v26 =	vor.u32 s30, v4;
	v7 =	vld.idx.msk [tilespmem:v25+s18+$0x0], $0xffff;
	_ =	sdelay $0x4  }
0x1af: {  	(v2sf) =	vpush v6, $0xB;
	[tilespmem:v26+s19+$0x0] =	vst.idx.msk $0xffff, v7  }
0x1b0: {  	v7 =	vld.idx.msk [tilespmem:v25+s20+$0x0], $0xffff  }
0x1b1: {  	v27 =	vor.u32 s0, v5;
	_ =	sdelay $0x3  }
0x1b2: {  	[tilespmem:v26+s21+$0x0] =	vst.idx.msk $0xffff, v7  }
0x1b3: {  	v28 =	vor.u32 s30, v5;
	v7 =	vld.idx.msk [tilespmem:v27+s18+$0x0], $0xffff;
	_ =	sdelay $0x4  }
0x1b4: {  	[tilespmem:v28+s19+$0x0] =	vst.idx.msk $0xffff, v7  }
0x1b5: {  	v7 =	vld.idx.msk [tilespmem:v27+s20+$0x0], $0xffff;
	_ =	sdelay $0x1  }
0x1b6: {  	s31 =	spop (v2sf)  }
0x1b7: {  	s3 =	sand.u32 $0x1FF80, s31  }
0x1b8: {  	p0 =	seq.s32 s3, s14  }
0x1b9: {  	s14 =	sadd.s32 @!p0 s1, s3;
	s15 =	simm.s32 @!p0 $0x100000;
	s29 =	simm.s32 @!p0 $0x400;
	[tilespmem:v28+s21+$0x0] =	vst.idx.msk $0xffff, v7  }
0x1ba: {  	[tilespmem:s29], [sflag:$0x3] =	stream.strided.gather @!p0 [hbm4b:s14+s29], $0x2000, s15, s29, $0x38;
	[tilespmem:$0x8400] =	vst v63  }
0x1bb: {  	s14 =	simm.s32 @!p0 $0x3  }
0x1bc: {  	_ =	swait.ge @!p0 [sflag:s14], $0x2000  }
0x1bd: {  	s0 =	sand.u32 $0x7F, s31;
	[sflag:s14] =	ssyncset.done @!p0 $0x0  }
0x1be: {  	s30 =	sadd.s32 @!p0 s2, s3;
	s31 =	simm.s32 @!p0 $0x2400;
	v7 =	vor.u32 s0, v1;
	[sflag:s14] =	ssyncadd.s32 @!p0 $0xFFFFE000  }
0x1bf: {  	[tilespmem:s31], [sflag:$0x3] =	stream.strided.gather @!p0 [hbm4b:s30+s29], $0x2000, s15, s29, $0x38;
	[tilespmem:$0x8400] =	vst v63  }
0x1c0: {  	_ =	swait.ge @!p0 [sflag:s14], $0x2000  }
0x1c1: {  	[sflag:s14] =	ssyncset.done @!p0 $0x0  }
0x1c2: {  	s30 =	sor.u32 $0xB, s28;
	[sflag:s14] =	ssyncadd.s32 @!p0 $0xFFFFE000  }
0x1c3: {  	v30 =	vor.u32 s30, v1;
	v29 =	vld.idx.msk [tilespmem:v7+s18+$0x0], $0xffff;
	_ =	sdelay $0x4  }
0x1c4: {  	[tilespmem:v30+s19+$0x0] =	vst.idx.msk $0xffff, v29  }
0x1c5: {  	v7 =	vld.idx.msk [tilespmem:v7+s20+$0x0], $0xffff  }
0x1c6: {  	v31 =	vor.u32 s0, v3;
	_ =	sdelay $0x3  }
0x1c7: {  	[tilespmem:v30+s21+$0x0] =	vst.idx.msk $0xffff, v7  }
0x1c8: {  	v32 =	vor.u32 s30, v3;
	v7 =	vld.idx.msk [tilespmem:v31+s18+$0x0], $0xffff;
	_ =	sdelay $0x4  }
0x1c9: {  	[tilespmem:v32+s19+$0x0] =	vst.idx.msk $0xffff, v7  }
0x1ca: {  	v7 =	vld.idx.msk [tilespmem:v31+s20+$0x0], $0xffff  }
0x1cb: {  	v33 =	vor.u32 s0, v4;
	_ =	sdelay $0x3  }
0x1cc: {  	[tilespmem:v32+s21+$0x0] =	vst.idx.msk $0xffff, v7  }
0x1cd: {  	v34 =	vor.u32 s30, v4;
	v7 =	vld.idx.msk [tilespmem:v33+s18+$0x0], $0xffff;
	_ =	sdelay $0x4  }
0x1ce: {  	(v2sf) =	vpush v6, $0xC;
	[tilespmem:v34+s19+$0x0] =	vst.idx.msk $0xffff, v7  }
0x1cf: {  	v7 =	vld.idx.msk [tilespmem:v33+s20+$0x0], $0xffff  }
0x1d0: {  	v35 =	vor.u32 s0, v5;
	_ =	sdelay $0x3  }
0x1d1: {  	[tilespmem:v34+s21+$0x0] =	vst.idx.msk $0xffff, v7  }
0x1d2: {  	v36 =	vor.u32 s30, v5;
	v7 =	vld.idx.msk [tilespmem:v35+s18+$0x0], $0xffff;
	_ =	sdelay $0x4  }
0x1d3: {  	[tilespmem:v36+s19+$0x0] =	vst.idx.msk $0xffff, v7  }
0x1d4: {  	v7 =	vld.idx.msk [tilespmem:v35+s20+$0x0], $0xffff;
	_ =	sdelay $0x1  }
0x1d5: {  	s31 =	spop (v2sf)  }
0x1d6: {  	s14 =	sand.u32 $0x1FF80, s31  }
0x1d7: {  	p0 =	seq.s32 s14, s3  }
0x1d8: {  	s3 =	sadd.s32 @!p0 s1, s14;
	s15 =	simm.s32 @!p0 $0x100000;
	s29 =	simm.s32 @!p0 $0x400;
	[tilespmem:v36+s21+$0x0] =	vst.idx.msk $0xffff, v7  }
0x1d9: {  	[tilespmem:s29], [sflag:$0x3] =	stream.strided.gather @!p0 [hbm4b:s3+s29], $0x2000, s15, s29, $0x38;
	[tilespmem:$0x8400] =	vst v63  }
0x1da: {  	s3 =	simm.s32 @!p0 $0x3  }
0x1db: {  	_ =	swait.ge @!p0 [sflag:s3], $0x2000  }
0x1dc: {  	s0 =	sand.u32 $0x7F, s31;
	[sflag:s3] =	ssyncset.done @!p0 $0x0  }
0x1dd: {  	s30 =	sadd.s32 @!p0 s2, s14;
	s31 =	simm.s32 @!p0 $0x2400;
	v7 =	vor.u32 s0, v1;
	[sflag:s3] =	ssyncadd.s32 @!p0 $0xFFFFE000  }
0x1de: {  	[tilespmem:s31], [sflag:$0x3] =	stream.strided.gather @!p0 [hbm4b:s30+s29], $0x2000, s15, s29, $0x38;
	[tilespmem:$0x8400] =	vst v63  }
0x1df: {  	_ =	swait.ge @!p0 [sflag:s3], $0x2000  }
0x1e0: {  	[sflag:s3] =	ssyncset.done @!p0 $0x0  }
0x1e1: {  	s30 =	sor.u32 $0xC, s28;
	[sflag:s3] =	ssyncadd.s32 @!p0 $0xFFFFE000  }
0x1e2: {  	v38 =	vor.u32 s30, v1;
	v37 =	vld.idx.msk [tilespmem:v7+s18+$0x0], $0xffff;
	_ =	sdelay $0x4  }
0x1e3: {  	[tilespmem:v38+s19+$0x0] =	vst.idx.msk $0xffff, v37  }
0x1e4: {  	v7 =	vld.idx.msk [tilespmem:v7+s20+$0x0], $0xffff  }
0x1e5: {  	v39 =	vor.u32 s0, v3;
	_ =	sdelay $0x3  }
0x1e6: {  	[tilespmem:v38+s21+$0x0] =	vst.idx.msk $0xffff, v7  }
0x1e7: {  	v40 =	vor.u32 s30, v3;
	v7 =	vld.idx.msk [tilespmem:v39+s18+$0x0], $0xffff;
	_ =	sdelay $0x4  }
0x1e8: {  	[tilespmem:v40+s19+$0x0] =	vst.idx.msk $0xffff, v7  }
0x1e9: {  	v7 =	vld.idx.msk [tilespmem:v39+s20+$0x0], $0xffff  }
0x1ea: {  	v41 =	vor.u32 s0, v4;
	_ =	sdelay $0x3  }
0x1eb: {  	[tilespmem:v40+s21+$0x0] =	vst.idx.msk $0xffff, v7  }
0x1ec: {  	v42 =	vor.u32 s30, v4;
	v7 =	vld.idx.msk [tilespmem:v41+s18+$0x0], $0xffff;
	_ =	sdelay $0x4  }
0x1ed: {  	(v2sf) =	vpush v6, $0xD;
	[tilespmem:v42+s19+$0x0] =	vst.idx.msk $0xffff, v7  }
0x1ee: {  	v7 =	vld.idx.msk [tilespmem:v41+s20+$0x0], $0xffff  }
0x1ef: {  	v43 =	vor.u32 s0, v5;
	_ =	sdelay $0x3  }
0x1f0: {  	[tilespmem:v42+s21+$0x0] =	vst.idx.msk $0xffff, v7  }
0x1f1: {  	v44 =	vor.u32 s30, v5;
	v7 =	vld.idx.msk [tilespmem:v43+s18+$0x0], $0xffff;
	_ =	sdelay $0x4  }
0x1f2: {  	[tilespmem:v44+s19+$0x0] =	vst.idx.msk $0xffff, v7  }
0x1f3: {  	v7 =	vld.idx.msk [tilespmem:v43+s20+$0x0], $0xffff;
	_ =	sdelay $0x1  }
0x1f4: {  	s31 =	spop (v2sf)  }
0x1f5: {  	s3 =	sand.u32 $0x1FF80, s31  }
0x1f6: {  	p0 =	seq.s32 s3, s14  }
0x1f7: {  	s14 =	sadd.s32 @!p0 s1, s3;
	s15 =	simm.s32 @!p0 $0x100000;
	s29 =	simm.s32 @!p0 $0x400;
	[tilespmem:v44+s21+$0x0] =	vst.idx.msk $0xffff, v7  }
0x1f8: {  	[tilespmem:s29], [sflag:$0x3] =	stream.strided.gather @!p0 [hbm4b:s14+s29], $0x2000, s15, s29, $0x38;
	[tilespmem:$0x8400] =	vst v63  }
0x1f9: {  	s14 =	simm.s32 @!p0 $0x3  }
0x1fa: {  	_ =	swait.ge @!p0 [sflag:s14], $0x2000  }
0x1fb: {  	s0 =	sand.u32 $0x7F, s31;
	[sflag:s14] =	ssyncset.done @!p0 $0x0  }
0x1fc: {  	s30 =	sadd.s32 @!p0 s2, s3;
	s31 =	simm.s32 @!p0 $0x2400;
	v7 =	vor.u32 s0, v1;
	[sflag:s14] =	ssyncadd.s32 @!p0 $0xFFFFE000  }
0x1fd: {  	[tilespmem:s31], [sflag:$0x3] =	stream.strided.gather @!p0 [hbm4b:s30+s29], $0x2000, s15, s29, $0x38;
	[tilespmem:$0x8400] =	vst v63  }
0x1fe: {  	_ =	swait.ge @!p0 [sflag:s14], $0x2000  }
0x1ff: {  	[sflag:s14] =	ssyncset.done @!p0 $0x0  }
0x200: {  	s30 =	sor.u32 $0xD, s28;
	[sflag:s14] =	ssyncadd.s32 @!p0 $0xFFFFE000  }
0x201: {  	v46 =	vor.u32 s30, v1;
	v45 =	vld.idx.msk [tilespmem:v7+s18+$0x0], $0xffff;
	_ =	sdelay $0x4  }
0x202: {  	[tilespmem:v46+s19+$0x0] =	vst.idx.msk $0xffff, v45  }
0x203: {  	v7 =	vld.idx.msk [tilespmem:v7+s20+$0x0], $0xffff  }
0x204: {  	v47 =	vor.u32 s0, v3;
	_ =	sdelay $0x3  }
0x205: {  	[tilespmem:v46+s21+$0x0] =	vst.idx.msk $0xffff, v7  }
0x206: {  	v48 =	vor.u32 s30, v3;
	v7 =	vld.idx.msk [tilespmem:v47+s18+$0x0], $0xffff;
	_ =	sdelay $0x4  }
0x207: {  	[tilespmem:v48+s19+$0x0] =	vst.idx.msk $0xffff, v7  }
0x208: {  	v7 =	vld.idx.msk [tilespmem:v47+s20+$0x0], $0xffff  }
0x209: {  	v49 =	vor.u32 s0, v4;
	_ =	sdelay $0x3  }
0x20a: {  	[tilespmem:v48+s21+$0x0] =	vst.idx.msk $0xffff, v7  }
0x20b: {  	v50 =	vor.u32 s30, v4;
	v7 =	vld.idx.msk [tilespmem:v49+s18+$0x0], $0xffff;
	_ =	sdelay $0x4  }
0x20c: {  	(v2sf) =	vpush v6, $0xE;
	[tilespmem:v50+s19+$0x0] =	vst.idx.msk $0xffff, v7  }
0x20d: {  	v7 =	vld.idx.msk [tilespmem:v49+s20+$0x0], $0xffff  }
0x20e: {  	v51 =	vor.u32 s0, v5;
	_ =	sdelay $0x3  }
0x20f: {  	[tilespmem:v50+s21+$0x0] =	vst.idx.msk $0xffff, v7  }
0x210: {  	v52 =	vor.u32 s30, v5;
	v7 =	vld.idx.msk [tilespmem:v51+s18+$0x0], $0xffff;
	_ =	sdelay $0x4  }
0x211: {  	[tilespmem:v52+s19+$0x0] =	vst.idx.msk $0xffff, v7  }
0x212: {  	v7 =	vld.idx.msk [tilespmem:v51+s20+$0x0], $0xffff;
	_ =	sdelay $0x1  }
0x213: {  	s31 =	spop (v2sf)  }
0x214: {  	s14 =	sand.u32 $0x1FF80, s31  }
0x215: {  	p0 =	seq.s32 s14, s3  }
0x216: {  	s3 =	sadd.s32 @!p0 s1, s14;
	s15 =	simm.s32 @!p0 $0x100000;
	s29 =	simm.s32 @!p0 $0x400;
	[tilespmem:v52+s21+$0x0] =	vst.idx.msk $0xffff, v7  }
0x217: {  	[tilespmem:s29], [sflag:$0x3] =	stream.strided.gather @!p0 [hbm4b:s3+s29], $0x2000, s15, s29, $0x38;
	[tilespmem:$0x8400] =	vst v63  }
0x218: {  	s3 =	simm.s32 @!p0 $0x3  }
0x219: {  	_ =	swait.ge @!p0 [sflag:s3], $0x2000  }
0x21a: {  	s0 =	sand.u32 $0x7F, s31;
	[sflag:s3] =	ssyncset.done @!p0 $0x0  }
0x21b: {  	s30 =	sadd.s32 @!p0 s2, s14;
	s31 =	simm.s32 @!p0 $0x2400;
	v7 =	vor.u32 s0, v1;
	[sflag:s3] =	ssyncadd.s32 @!p0 $0xFFFFE000  }
0x21c: {  	[tilespmem:s31], [sflag:$0x3] =	stream.strided.gather @!p0 [hbm4b:s30+s29], $0x2000, s15, s29, $0x38;
	[tilespmem:$0x8400] =	vst v63  }
0x21d: {  	_ =	swait.ge @!p0 [sflag:s3], $0x2000  }
0x21e: {  	[sflag:s3] =	ssyncset.done @!p0 $0x0  }
0x21f: {  	s15 =	sor.u32 $0xE, s28;
	[sflag:s3] =	ssyncadd.s32 @!p0 $0xFFFFE000  }
0x220: {  	v54 =	vor.u32 s15, v1;
	v53 =	vld.idx.msk [tilespmem:v7+s18+$0x0], $0xffff;
	_ =	sdelay $0x4  }
0x221: {  	[tilespmem:v54+s19+$0x0] =	vst.idx.msk $0xffff, v53  }
0x222: {  	v7 =	vld.idx.msk [tilespmem:v7+s20+$0x0], $0xffff  }
0x223: {  	v55 =	vor.u32 s0, v3;
	_ =	sdelay $0x3  }
0x224: {  	[tilespmem:v54+s21+$0x0] =	vst.idx.msk $0xffff, v7  }
0x225: {  	v56 =	vor.u32 s15, v3;
	v7 =	vld.idx.msk [tilespmem:v55+s18+$0x0], $0xffff;
	_ =	sdelay $0x4  }
0x226: {  	[tilespmem:v56+s19+$0x0] =	vst.idx.msk $0xffff, v7  }
0x227: {  	v7 =	vld.idx.msk [tilespmem:v55+s20+$0x0], $0xffff  }
0x228: {  	v57 =	vor.u32 s0, v4;
	_ =	sdelay $0x3  }
0x229: {  	[tilespmem:v56+s21+$0x0] =	vst.idx.msk $0xffff, v7  }
0x22a: {  	v58 =	vor.u32 s15, v4;
	v7 =	vld.idx.msk [tilespmem:v57+s18+$0x0], $0xffff;
	_ =	sdelay $0x4  }
0x22b: {  	(v2sf) =	vpush v6, $0xF;
	[tilespmem:v58+s19+$0x0] =	vst.idx.msk $0xffff, v7  }
0x22c: {  	v6 =	vld.idx.msk [tilespmem:v57+s20+$0x0], $0xffff  }
0x22d: {  	v7 =	vor.u32 s0, v5;
	_ =	sdelay $0x3  }
0x22e: {  	[tilespmem:v58+s21+$0x0] =	vst.idx.msk $0xffff, v6  }
0x22f: {  	v59 =	vor.u32 s15, v5;
	v6 =	vld.idx.msk [tilespmem:v7+s18+$0x0], $0xffff;
	_ =	sdelay $0x4  }
0x230: {  	[tilespmem:v59+s19+$0x0] =	vst.idx.msk $0xffff, v6  }
0x231: {  	v6 =	vld.idx.msk [tilespmem:v7+s20+$0x0], $0xffff;
	_ =	sdelay $0x1  }
0x232: {  	s30 =	spop (v2sf)  }
0x233: {  	s29 =	sand.u32 $0x1FF80, s30  }
0x234: {  	p0 =	seq.s32 s29, s14  }
0x235: {  	s3 =	sadd.s32 @!p0 s1, s29;
	s14 =	simm.s32 @!p0 $0x100000;
	s15 =	simm.s32 @!p0 $0x400;
	[tilespmem:v59+s21+$0x0] =	vst.idx.msk $0xffff, v6  }
0x236: {  	[tilespmem:s15], [sflag:$0x3] =	stream.strided.gather @!p0 [hbm4b:s3+s15], $0x2000, s14, s15, $0x38;
	[tilespmem:$0x8400] =	vst v63  }
0x237: {  	s3 =	simm.s32 @!p0 $0x3  }
0x238: {  	_ =	swait.ge @!p0 [sflag:s3], $0x2000  }
0x239: {  	s0 =	sand.u32 $0x7F, s30;
	[sflag:s3] =	ssyncset.done @!p0 $0x0  }
0x23a: {  	s31 =	simm.s32 @!p0 $0x2400;
	s30 =	sadd.s32 @!p0 s2, s29;
	v6 =	vor.u32 s0, v1;
	[sflag:s3] =	ssyncadd.s32 @!p0 $0xFFFFE000  }
0x23b: {  	[tilespmem:s31], [sflag:$0x3] =	stream.strided.gather @!p0 [hbm4b:s30+s15], $0x2000, s14, s15, $0x38;
	[tilespmem:$0x8400] =	vst v63  }
0x23c: {  	_ =	swait.ge @!p0 [sflag:s3], $0x2000  }
0x23d: {  	[sflag:s3] =	ssyncset.done @!p0 $0x0  }
0x23e: {  	s31 =	sor.u32 $0xF, s28;
	[sflag:s3] =	ssyncadd.s32 @!p0 $0xFFFFE000  }
0x23f: {  	v60 =	vor.u32 s31, v1;
	v7 =	vld.idx.msk [tilespmem:v6+s18+$0x0], $0xffff;
	_ =	sdelay $0x4  }
0x240: {  	[tilespmem:v60+s19+$0x0] =	vst.idx.msk $0xffff, v7  }
0x241: {  	v6 =	vld.idx.msk [tilespmem:v6+s20+$0x0], $0xffff  }
0x242: {  	v7 =	vor.u32 s0, v3;
	_ =	sdelay $0x3  }
0x243: {  	[tilespmem:v60+s21+$0x0] =	vst.idx.msk $0xffff, v6  }
0x244: {  	v61 =	vor.u32 s31, v3;
	v6 =	vld.idx.msk [tilespmem:v7+s18+$0x0], $0xffff;
	_ =	sdelay $0x4  }
0x245: {  	[tilespmem:v61+s19+$0x0] =	vst.idx.msk $0xffff, v6  }
0x246: {  	v6 =	vld.idx.msk [tilespmem:v7+s20+$0x0], $0xffff  }
0x247: {  	v7 =	vor.u32 s0, v4;
	_ =	sdelay $0x3  }
0x248: {  	[tilespmem:v61+s21+$0x0] =	vst.idx.msk $0xffff, v6  }
0x249: {  	v62 =	vor.u32 s31, v4;
	v6 =	vld.idx.msk [tilespmem:v7+s18+$0x0], $0xffff;
	_ =	sdelay $0x4  }
0x24a: {  	[tilespmem:v62+s19+$0x0] =	vst.idx.msk $0xffff, v6  }
0x24b: {  	v6 =	vld.idx.msk [tilespmem:v7+s20+$0x0], $0xffff  }
0x24c: {  	v7 =	vor.u32 s0, v5;
	_ =	sdelay $0x3  }
0x24d: {  	[tilespmem:v62+s21+$0x0] =	vst.idx.msk $0xffff, v6  }
0x24e: {  	v63 =	vor.u32 s31, v5;
	v6 =	vld.idx.msk [tilespmem:v7+s18+$0x0], $0xffff;
	_ =	sdelay $0x4  }
0x24f: {  	[tilespmem:v63+s19+$0x0] =	vst.idx.msk $0xffff, v6  }
0x250: {  	v6 =	vld.idx.msk [tilespmem:v7+s20+$0x0], $0xffff;
	_ =	sdelay $0x1  }
0x251: {  	p0 =	sne.s32 s26, $0x7  }
0x252: {  	s0 =	sand.u32 @!p0 $0x380, s23  }
0x253: {  	s14 =	simm.s32 @!p0 $0x400;
	s0 =	sor.u32 @!p0 s8, s0  }
0x254: {  	s15 =	simm.s32 @!p0 $0x10000;
	s26 =	simm.s32 @!p0 $0x4400;
	s3 =	sadd.s32 @!p0 s4, s0;
	[tilespmem:v63+s21+$0x0] =	vst.idx.msk $0xffff, v6  }
0x255: {  	[hbm4b:s3+s14] =	stream.strided.scatter @!p0 [tilespmem:s26], [sflag:$0x3], $0x2000, s15, s14, $0x38;
	[tilespmem:$0x8400] =	vst v63  }
0x256: {  	s3 =	simm.s32 @!p0 $0x3  }
0x257: {  	s25 =	sadd.s32 $0x1, s25;
	_ =	swait.ge @!p0 [sflag:s3], $0x2000  }
0x258: {  	p1 =	sne.s32 s25, $0x40;
	[sflag:s3] =	ssyncset.done @!p0 $0x0  }
0x259: {  	s0 =	sadd.s32 @!p0 s5, s0;
	[sflag:s3] =	ssyncadd.s32 @!p0 $0xFFFFE000;
	s3 =	simm.s32 @!p0 $0x6400  }
0x25a: {  	[hbm4b:s0+s14] =	stream.strided.scatter @!p0 [tilespmem:s3], [sflag:$0x2], $0x2000, s15, s14, $0x38;
	[tilespmem:$0x8400] =	vst v63  }
.Ltmp4:
0x25b: {  	_ = 	snop;
	(pc) =	sbr.rel @p1 .LBB2_5-.Ltmp4, $4  }
0x25c: {  	s0 =	simm.s32 @!p0 $0x2  }
0x25d: {  	_ =	swait.ge @!p0 [sflag:s0], $0x2000  }
0x25e: {  	[sflag:s0] =	ssyncset.done @!p0 $0x0  }
0x25f: {  	s24 =	sadd.s32 $0x10, s24;
	s23 =	sadd.s32 $0x10, s23;
	[sflag:s0] =	ssyncadd.s32 @!p0 $0xFFFFE000  }
.Ltmp5:
0x260: {  	_ = 	snop;
	(pc) =	sbr.rel .LBB2_6-.Ltmp5, $1  }
0x261: {  	_ =	sdelay $0x3  }
.LBB2_7:
0x262: {  	_ =	sfence.sel $0x180000  }
0x263: {  	[bflag:$0x0] =	sbarrier.arrive $0xFFFF  }
0x264: {  	_ =	strace $0x90000047  }
0x265: {  	s0 =	stileid.u32;
	[bflag:$0x2] =	sbarrier.arrive $0xFFFF  }
0x266: {  	p0 =	sne.s32 s0, $0x0;
	s0 =	rddreg [dreg:$0x5]  }
0x267: {  	s0 =	sadd.s32 @!p0 $0x100000, s0  }
0x268: {  	[sflag:s0] =	ssyncadd.tile.s32 @!p0 $0x1;
	_ =	shalt  }
.Lfunc_end2:
_tile_overlayer_lowered:
.L_overlay_start_2:
0x269: {  	(tag) =	ssettag $0x2  }
0x26a: {  	s0 =	rddreg [dreg:$0x0];
	s2 =	stileid.u32  }
0x26b: {  	s1 =	rddreg [dreg:$0x1];
	p0 =	sne.s32 s2, $0x0  }
0x26c: {  	s3 =	rddreg [dreg:$0x2];
	[bflag:$0x3] =	sbarrier.arrive $0xFFFF;
	s2 =	simm.s32 @!p0 $0x1C02  }
0x26d: {  	[timem:s3], [sflag:s2] =	dma.local @!p0 [hbm:s0], s1  }
0x26e: {  	s0 =	simm.s32 @!p0 $0x2  }
0x26f: {  	_ =	swait.ge @!p0 [sflag:s0], s1  }
0x270: {  	s1 =	ssub.s32 @!p0 $0x0, s1;
	[sflag:s0] =	ssyncset.done @!p0 $0x0  }
0x271: {  	[sflag:s0] =	ssyncadd.s32 @!p0 s1  }
0x272: {  	[bflag:$0x3] =	sbarrier.arrive $0xFFFF  }
0x273: {  	_ =	shalt  }

</sc_bundles>
